<compile_context>
chip_gen: v7x
topology: tpu7x:2x2x1
jax: 0.10.2.dev20260603
libtpu: 0.0.44.dev20260713+nightly
codegen_flags: <defaults>
</compile_context>

<pallas_src>
import numpy as np
import jax
import jax.numpy as jnp
from jax.experimental import pallas as pl
from jax.experimental.pallas import tpu as pltpu
from jax.experimental.pallas import tpu_sc as plsc

DIM = 128
_ANG = 2.0 * np.pi * np.arange(DIM)[:, None] * np.arange(DIM)[None, :] / DIM
_WCS = np.concatenate([np.cos(_ANG), -np.sin(_ANG)], axis=1).astype(np.float32)

_GATHER_WINDOW = 256
_B_BLK = 4096


def _sc_gather(ent_table, rel_table, ent_idx, rel_idx):
    n_ent = ent_idx.shape[0]
    n_rel = rel_idx.shape[0]
    d = ent_table.shape[1]
    mesh = plsc.VectorSubcoreMesh(core_axis_name="core", subcore_axis_name="subcore")

    half_windows = (n_ent // 2) // _GATHER_WINDOW

    @pl.kernel(
        out_type=(
            jax.ShapeDtypeStruct((2, n_ent // 2, d), ent_table.dtype),
            jax.ShapeDtypeStruct((n_rel, d), rel_table.dtype),
        ),
        mesh=mesh,
    )
    def gather_kernel(ent_hbm, rel_hbm, ie_hbm, ir_hbm, oe_hbm, or_hbm):
        def ent_body(i_vmem, o_vmem):
            pltpu.sync_copy(ent_hbm.at[i_vmem.at[0]], o_vmem.at[0])

        pltpu.emit_pipeline(
            ent_body,
            grid=(n_ent // _GATHER_WINDOW,),
            in_specs=[pl.BlockSpec((1, _GATHER_WINDOW), index_map=lambda i: (0, i))],
            out_specs=[pl.BlockSpec(
                (1, _GATHER_WINDOW, d),
                index_map=lambda i: (i // half_windows, i % half_windows, 0))],
            core_axis_name=("core", "subcore"),
            dimension_semantics=(pltpu.PARALLEL,),
        )(ie_hbm, oe_hbm)

        def rel_body(i_vmem, o_vmem):
            pltpu.sync_copy(rel_hbm.at[i_vmem.at[0]], o_vmem)

        pltpu.emit_pipeline(
            rel_body,
            grid=(n_rel // _GATHER_WINDOW,),
            in_specs=[pl.BlockSpec((1, _GATHER_WINDOW), index_map=lambda i: (0, i))],
            out_specs=[pl.BlockSpec((_GATHER_WINDOW, d), index_map=lambda i: (i, 0))],
            core_axis_name=("core", "subcore"),
            dimension_semantics=(pltpu.PARALLEL,),
        )(ir_hbm, or_hbm)

    return gather_kernel(ent_table, rel_table,
                         ent_idx.reshape(1, n_ent), rel_idx.reshape(1, n_rel))


def _score_body(ht_ref, r_ref, w_ref, o_ref):
    h = ht_ref[0]
    t = ht_ref[1]
    r = r_ref[...]
    w = w_ref[...]
    sq = jnp.sum(r * r, axis=1, keepdims=True)
    rn = r * jax.lax.rsqrt(jnp.maximum(sq, 1e-12))
    wb = w.astype(jnp.bfloat16)
    hf = jnp.dot(h.astype(jnp.bfloat16), wb, preferred_element_type=jnp.float32)
    tf = jnp.dot(t.astype(jnp.bfloat16), wb, preferred_element_type=jnp.float32)
    rf = jnp.dot(rn.astype(jnp.bfloat16), wb, preferred_element_type=jnp.float32)
    hc, hs = hf[:, :DIM], hf[:, DIM:]
    tc, ts = tf[:, :DIM], tf[:, DIM:]
    rc, rs = rf[:, :DIM], rf[:, DIM:]
    re = (rc * hc - rs * hs) * tc + (rc * hs + rs * hc) * ts
    dot = jnp.sum(re, axis=1, keepdims=True) * (1.0 / DIM)
    o_ref[...] = -jax.nn.sigmoid(dot)


def _chunk_sizes(batch):
    return (batch // 2, batch // 2)


def _tc_score(ht3, r, wcs):
    batch = r.shape[0]
    n_blk = batch // _B_BLK
    return pl.pallas_call(
        _score_body,
        grid=(n_blk,),
        in_specs=[
            pl.BlockSpec((2, _B_BLK, DIM), lambda i: (0, i, 0)),
            pl.BlockSpec((_B_BLK, DIM), lambda i: (i, 0)),
            pl.BlockSpec((DIM, 2 * DIM), lambda i: (0, 0)),
        ],
        out_specs=pl.BlockSpec((_B_BLK, 1), lambda i: (i, 0)),
        out_shape=jax.ShapeDtypeStruct((batch, 1), jnp.float32),
        compiler_params=pltpu.CompilerParams(
            dimension_semantics=("parallel",),
        ),
    )(ht3, r, wcs)


def kernel(batch_h, batch_t, batch_r, ent_embeddings, rel_embeddings):
    batch = batch_h.shape[0]
    wcs = jnp.asarray(_WCS)
    sizes = _chunk_sizes(batch)
    outs = []
    off = 0
    for ch in sizes:
        h_idx = jax.lax.dynamic_slice_in_dim(batch_h, off, ch)
        t_idx = jax.lax.dynamic_slice_in_dim(batch_t, off, ch)
        r_idx = jax.lax.dynamic_slice_in_dim(batch_r, off, ch)
        ht_idx = jnp.concatenate([h_idx, t_idx]).astype(jnp.int32)
        ht, r = _sc_gather(ent_embeddings, rel_embeddings,
                           ht_idx, r_idx.astype(jnp.int32))
        outs.append(_tc_score(ht, r, wcs))
        off += ch
    return jnp.concatenate(outs, axis=0).reshape(batch, 1)

# --- scband reference (transcript-rebuilt; emitter-appended) ---
"""Pipeline reference for scband-hol-e-29343216566844 (READ-ONLY COPY).

The authoritative reference and input builder live on the scoring server;
editing this copy changes nothing except your own understanding.
"""

import jax, jax.numpy as jnp
import numpy as np

ENT_TOT = 100000
REL_TOT = 1000
DIM = 128
BATCH = 16384


def _xavier_uniform(key, shape):
    fan_in, fan_out = shape[0], shape[1]
    limit = np.sqrt(6.0 / (fan_in + fan_out))
    return jax.random.uniform(key, shape, minval=-limit, maxval=limit, dtype=jnp.float32)


def setup_inputs(seed: int = 0) -> dict:
    key = jax.random.key(seed)
    k1, k2, k3, k4, k5 = jax.random.split(key, 5)
    ent_embeddings = _xavier_uniform(k1, (ENT_TOT, DIM))
    rel_embeddings = _xavier_uniform(k2, (REL_TOT, DIM))
    batch_h = jax.random.randint(k3, (BATCH,), 0, ENT_TOT, dtype=jnp.int64 if jax.config.jax_enable_x64 else jnp.int32)
    batch_t = jax.random.randint(k4, (BATCH,), 0, ENT_TOT, dtype=jnp.int64 if jax.config.jax_enable_x64 else jnp.int32)
    batch_r = jax.random.randint(k5, (BATCH,), 0, REL_TOT, dtype=jnp.int64 if jax.config.jax_enable_x64 else jnp.int32)
    return {
        'batch_h': batch_h,
        'batch_t': batch_t,
        'batch_r': batch_r,
        'ent_embeddings': ent_embeddings,
        'rel_embeddings': rel_embeddings,
    }


def _ccorr(a, b):
    # circular correlation: real(ifft(conj(fft(a)) * fft(b)))
    fa = jnp.fft.fft(a.astype(jnp.complex64), axis=-1)
    fb = jnp.fft.fft(b.astype(jnp.complex64), axis=-1)
    return jnp.real(jnp.fft.ifft(jnp.conj(fa) * fb, axis=-1)).astype(jnp.float32)


def _calc(head, tail, rel):
    # tf.nn.l2_normalize(rel, 1)
    sq = jnp.sum(rel * rel, axis=1, keepdims=True)
    relation_mention = rel * jax.lax.rsqrt(jnp.maximum(sq, 1e-12))
    entity_mention = _ccorr(head, tail)
    return -jax.nn.sigmoid(jnp.sum(relation_mention * entity_mention, axis=1, keepdims=True))


def reference(batch_h, batch_t, batch_r, ent_embeddings, rel_embeddings):
    h = jnp.take(ent_embeddings, batch_h, axis=0)
    t = jnp.take(ent_embeddings, batch_t, axis=0)
    r = jnp.take(rel_embeddings, batch_r, axis=0)
    score = _calc(h, t, r)
    return score

if __name__ == "__main__":
    import jax
    _d = setup_inputs()
    print(jax.jit(kernel)(*tuple(_d.values())))

</pallas_src>

<mosaic_0001>
#map = affine_map<(d0, d1) -> (0, 0)>
#map1 = affine_map<(d0, d1) -> (0, 0, 0)>
module attributes {stable_mosaic.version = 14 : i64} {
  func.func @gather_kernel(%arg0: i32, %arg1: i32, %arg2: memref<100000x128xf32, #tpu.memory_space<hbm>>, %arg3: memref<1000x128xf32, #tpu.memory_space<hbm>>, %arg4: memref<1x16384xi32, #tpu.memory_space<hbm>>, %arg5: memref<1x8192xi32, #tpu.memory_space<hbm>>, %arg6: memref<2x8192x128xf32, #tpu.memory_space<hbm>>, %arg7: memref<8192x128xf32, #tpu.memory_space<hbm>>) attributes {dimension_semantics = [#tpu.dimension_semantics<core_parallel>, #tpu.dimension_semantics<subcore_parallel>], iteration_bounds = array<i64: 2, 16>, scalar_prefetch = 0 : i64, scratch_operands = 0 : i64, tpu.core_type = #tpu.core_type<sc_vector_subcore>, window_params = [{transform_indices = #map}, {transform_indices = #map}, {transform_indices = #map}, {transform_indices = #map}, {transform_indices = #map1}, {transform_indices = #map}]} {
    %mul3A = arith.constant 1 : i32
    %mul3A_0 = arith.muli %arg1, %mul3A : i32
    %add3A = arith.constant 0 : i32
    %add3A_1 = arith.addi %add3A, %mul3A_0 : i32
    %mul3A_2 = arith.constant 16 : i32
    %mul3A_3 = arith.muli %arg0, %mul3A_2 : i32
    %add3A_4 = arith.addi %add3A_1, %mul3A_3 : i32
    %mul3A_5 = arith.constant 2 : i32
    %mul3A_6 = arith.muli %add3A_4, %mul3A_5 : i32
    "tpu.region"() ({
      %run_scoped3A = memref.alloca() : memref<2x1x256xi32, #tpu.memory_space<vmem>>
      %run_scoped3A_16 = tpu.sem_alloc : memref<2x!tpu.dma_semaphore, #tpu.memory_space<semaphore_mem>>
      %run_scoped3A_17 = memref.alloca() : memref<2x1x256x128xf32, #tpu.memory_space<vmem>>
      %run_scoped3A_18 = tpu.sem_alloc : memref<2x!tpu.dma_semaphore, #tpu.memory_space<semaphore_mem>>
      %add3A_19 = arith.constant 0 : i32
      %add3A_20 = arith.addi %add3A_19, %mul3A_6 : i32
      %select_n3A = arith.constant true
      %select_n3A_21 = arith.constant 0 : i32
      %select_n3A_22 = arith.constant -1 : i32
      %select_n3A_23 = arith.select %select_n3A, %select_n3A_22, %select_n3A_21 : i32
      %eq3A = arith.constant -1 : i32
      %eq3A_24 = arith.cmpi eq, %select_n3A_23, %eq3A : i32
      %select_n3A_25 = arith.constant 1 : i32
      %select_n3A_26 = arith.select %eq3A_24, %select_n3A_25, %select_n3A_23 : i32
      %add3A_27 = arith.addi %select_n3A_26, %mul3A_6 : i32
      %select_n3A_28 = arith.constant true
      %select_n3A_29 = arith.constant 0 : i32
      %select_n3A_30 = arith.constant 1 : i32
      %select_n3A_31 = arith.select %select_n3A_28, %select_n3A_30, %select_n3A_29 : i32
      %eq3A_32 = arith.constant 2 : i32
      %eq3A_33 = arith.cmpi eq, %select_n3A_31, %eq3A_32 : i32
      %select_n3A_34 = arith.constant 0 : i32
      %select_n3A_35 = arith.select %eq3A_33, %select_n3A_34, %select_n3A_31 : i32
      %add3A_36 = arith.addi %select_n3A_35, %mul3A_6 : i32
      %add3A_37 = arith.constant 1 : i32
      %add3A_38 = arith.addi %select_n3A_35, %add3A_37 : i32
      %select_n3A_39 = arith.constant true
      %select_n3A_40 = arith.select %select_n3A_39, %add3A_38, %select_n3A_35 : i32
      %eq3A_41 = arith.constant 2 : i32
      %eq3A_42 = arith.cmpi eq, %select_n3A_40, %eq3A_41 : i32
      %select_n3A_43 = arith.constant 0 : i32
      %select_n3A_44 = arith.select %eq3A_42, %select_n3A_43, %select_n3A_40 : i32
      %add3A_45 = arith.addi %select_n3A_44, %mul3A_6 : i32
      "tpu.trace_start"() <{level = 10 : i32, message = "ep_initialize_0"}> : () -> ()
      %rem3A = arith.constant 0 : i32
      %rem3A_46 = arith.constant 2 : i32
      %rem3A_47 = arith.remui %rem3A, %rem3A_46 : i32
      %mul3A_48 = arith.constant 256 : i32
      %mul3A_49 = arith.muli %mul3A_48, %add3A_20 : i32
      %dma_start3A = arith.constant 0 : i32
      %dma_start3A_50 = arith.constant 0 : i32
      %dma_start3A_51 = tpu.memref_slice %run_scoped3A[%rem3A_47, %dma_start3A, %dma_start3A_50] : memref<2x1x256xi32, #tpu.memory_space<vmem>> -> memref<1x1x256xi32, #tpu.memory_space<vmem>>
      %dma_start3A_52 = tpu.memref_squeeze %dma_start3A_51 : memref<1x1x256xi32, #tpu.memory_space<vmem>> -> memref<1x256xi32, #tpu.memory_space<vmem>>
      %dma_start3A_53 = arith.constant 0 : i32
      %dma_start3A_54 = tpu.memref_slice %arg4[%dma_start3A_53, %mul3A_49] : memref<1x16384xi32, #tpu.memory_space<hbm>> -> memref<1x256xi32, #tpu.memory_space<hbm>>
      %dma_start3A_55 = tpu.memref_slice %run_scoped3A_16[%rem3A_47] : memref<2x!tpu.dma_semaphore, #tpu.memory_space<semaphore_mem>> -> memref<1x!tpu.dma_semaphore, #tpu.memory_space<semaphore_mem>>
      %dma_start3A_56 = tpu.memref_squeeze %dma_start3A_55 : memref<1x!tpu.dma_semaphore, #tpu.memory_space<semaphore_mem>> -> memref<!tpu.dma_semaphore, #tpu.memory_space<semaphore_mem>>
      %dma_start3A_57 = arith.constant 0 : i32
      %dma_start3A_58 = arith.constant 0 : i32
      %dma_start3A_59 = tpu.memref_slice %run_scoped3A[%rem3A_47, %dma_start3A_57, %dma_start3A_58] : memref<2x1x256xi32, #tpu.memory_space<vmem>> -> memref<1x1x256xi32, #tpu.memory_space<vmem>>
      %dma_start3A_60 = tpu.memref_squeeze %dma_start3A_59 : memref<1x1x256xi32, #tpu.memory_space<vmem>> -> memref<1x256xi32, #tpu.memory_space<vmem>>
      %dma_start3A_61 = arith.constant 0 : i32
      %dma_start3A_62 = tpu.memref_slice %arg4[%dma_start3A_61, %mul3A_49] : memref<1x16384xi32, #tpu.memory_space<hbm>> -> memref<1x256xi32, #tpu.memory_space<hbm>>
      tpu.enqueue_dma source(%dma_start3A_62 : memref<1x256xi32, #tpu.memory_space<hbm>>) target(%dma_start3A_60 : memref<1x256xi32, #tpu.memory_space<vmem>>) target_semaphore(%dma_start3A_56 : memref<!tpu.dma_semaphore, #tpu.memory_space<semaphore_mem>>)
      %add3A_63 = arith.constant 0 : i32
      %add3A_64 = arith.constant 1 : i32
      %add3A_65 = arith.addi %add3A_63, %add3A_64 : i32
      %select_n3A_66 = arith.constant true
      %select_n3A_67 = arith.constant 0 : i32
      %select_n3A_68 = arith.select %select_n3A_66, %add3A_65, %select_n3A_67 : i32
      "tpu.trace_stop"() : () -> ()
      %scan3A = arith.constant 0 : i32
      %scan3A_69 = arith.constant 0 : i32
      %scan3A_70 = arith.constant 0 : i32
      %scan3A_71 = arith.constant 0 : i32
      %scan3A_72 = arith.constant 0 : i32
      %scan3A_73 = arith.constant 2 : i32
      %scan3A_74 = arith.addi %scan3A_72, %scan3A_73 : i32
      %scan3A_75 = arith.constant 1 : i32
      %scan3A_76:5 = scf.for %scan3A_168 = %scan3A_72 to %scan3A_74 step %scan3A_75 iter_args(%scan3A_169 = %select_n3A_68, %scan3A_170 = %scan3A, %scan3A_171 = %scan3A_69, %scan3A_172 = %scan3A_70, %scan3A_173 = %scan3A_71) -> (i32, i32, i32, i32, i32)  : i32 {
        %eq3A_174 = arith.constant 0 : i32
        %eq3A_175 = arith.cmpi eq, %scan3A_168, %eq3A_174 : i32
        %eq3A_176 = arith.constant 1 : i32
        %eq3A_177 = arith.cmpi eq, %scan3A_168, %eq3A_176 : i32
        %add3A_178 = arith.addi %scan3A_173, %mul3A_6 : i32
        %sub3A_179 = arith.constant 1 : i32
        %sub3A_180 = arith.subi %scan3A_173, %sub3A_179 : i32
        %select_n3A_181 = arith.constant true
        %select_n3A_182 = arith.select %select_n3A_181, %sub3A_180, %scan3A_173 : i32
        %eq3A_183 = arith.constant -1 : i32
        %eq3A_184 = arith.cmpi eq, %select_n3A_182, %eq3A_183 : i32
        %select_n3A_185 = arith.constant 1 : i32
        %select_n3A_186 = arith.select %eq3A_184, %select_n3A_185, %select_n3A_182 : i32
        %add3A_187 = arith.addi %select_n3A_186, %mul3A_6 : i32
        %add3A_188 = arith.constant 1 : i32
        %add3A_189 = arith.addi %scan3A_173, %add3A_188 : i32
        %select_n3A_190 = arith.constant true
        %select_n3A_191 = arith.select %select_n3A_190, %add3A_189, %scan3A_173 : i32
        %eq3A_192 = arith.constant 2 : i32
        %eq3A_193 = arith.cmpi eq, %select_n3A_191, %eq3A_192 : i32
        %select_n3A_194 = arith.constant 0 : i32
        %select_n3A_195 = arith.select %eq3A_193, %select_n3A_194, %select_n3A_191 : i32
        %add3A_196 = arith.addi %select_n3A_195, %mul3A_6 : i32
        %add3A_197 = arith.constant 1 : i32
        %add3A_198 = arith.addi %select_n3A_195, %add3A_197 : i32
        %select_n3A_199 = arith.constant true
        %select_n3A_200 = arith.select %select_n3A_199, %add3A_198, %select_n3A_195 : i32
        %eq3A_201 = arith.constant 2 : i32
        %eq3A_202 = arith.cmpi eq, %select_n3A_200, %eq3A_201 : i32
        %select_n3A_203 = arith.constant 0 : i32
        %select_n3A_204 = arith.select %eq3A_202, %select_n3A_203, %select_n3A_200 : i32
        %add3A_205 = arith.addi %select_n3A_204, %mul3A_6 : i32
        %ne3A_206 = arith.cmpi ne, %add3A_178, %add3A_196 : i32
        %or3A = arith.constant false
        %or3A_207 = arith.ori %or3A, %ne3A_206 : i1
        %ge3A = arith.constant 1 : i32
        %ge3A_208 = arith.cmpi sge, %scan3A_168, %ge3A : i32
        %not3A = arith.constant true
        %not3A_209 = arith.xori %ge3A_208, %not3A : i1
        %and3A_210 = arith.andi %or3A_207, %not3A_209 : i1
        %convert_element_type3A = arith.extui %and3A_210 : i1 to i32
        %cond3A = arith.constant 0 : i32
        %cond3A_211 = arith.cmpi ne, %convert_element_type3A, %cond3A : i32
        scf.if %cond3A_211 {
          "tpu.trace_start"() <{level = 10 : i32, message = "ep_copy_in"}> : () -> ()
          %rem3A_642 = arith.constant 2 : i32
          %rem3A_643 = arith.remui %scan3A_169, %rem3A_642 : i32
          %mul3A_644 = arith.constant 256 : i32
          %mul3A_645 = arith.muli %mul3A_644, %add3A_196 : i32
          %dma_start3A_646 = arith.constant 0 : i32
          %dma_start3A_647 = arith.constant 0 : i32
          %dma_start3A_648 = tpu.memref_slice %run_scoped3A[%rem3A_643, %dma_start3A_646, %dma_start3A_647] : memref<2x1x256xi32, #tpu.memory_space<vmem>> -> memref<1x1x256xi32, #tpu.memory_space<vmem>>
          %dma_start3A_649 = tpu.memref_squeeze %dma_start3A_648 : memref<1x1x256xi32, #tpu.memory_space<vmem>> -> memref<1x256xi32, #tpu.memory_space<vmem>>
          %dma_start3A_650 = arith.constant 0 : i32
          %dma_start3A_651 = tpu.memref_slice %arg4[%dma_start3A_650, %mul3A_645] : memref<1x16384xi32, #tpu.memory_space<hbm>> -> memref<1x256xi32, #tpu.memory_space<hbm>>
          %dma_start3A_652 = tpu.memref_slice %run_scoped3A_16[%rem3A_643] : memref<2x!tpu.dma_semaphore, #tpu.memory_space<semaphore_mem>> -> memref<1x!tpu.dma_semaphore, #tpu.memory_space<semaphore_mem>>
          %dma_start3A_653 = tpu.memref_squeeze %dma_start3A_652 : memref<1x!tpu.dma_semaphore, #tpu.memory_space<semaphore_mem>> -> memref<!tpu.dma_semaphore, #tpu.memory_space<semaphore_mem>>
          %dma_start3A_654 = arith.constant 0 : i32
          %dma_start3A_655 = arith.constant 0 : i32
          %dma_start3A_656 = tpu.memref_slice %run_scoped3A[%rem3A_643, %dma_start3A_654, %dma_start3A_655] : memref<2x1x256xi32, #tpu.memory_space<vmem>> -> memref<1x1x256xi32, #tpu.memory_space<vmem>>
          %dma_start3A_657 = tpu.memref_squeeze %dma_start3A_656 : memref<1x1x256xi32, #tpu.memory_space<vmem>> -> memref<1x256xi32, #tpu.memory_space<vmem>>
          %dma_start3A_658 = arith.constant 0 : i32
          %dma_start3A_659 = tpu.memref_slice %arg4[%dma_start3A_658, %mul3A_645] : memref<1x16384xi32, #tpu.memory_space<hbm>> -> memref<1x256xi32, #tpu.memory_space<hbm>>
          tpu.enqueue_dma source(%dma_start3A_659 : memref<1x256xi32, #tpu.memory_space<hbm>>) target(%dma_start3A_657 : memref<1x256xi32, #tpu.memory_space<vmem>>) target_semaphore(%dma_start3A_653 : memref<!tpu.dma_semaphore, #tpu.memory_space<semaphore_mem>>)
          "tpu.trace_stop"() : () -> ()
        } else {
        }
        %and3A_212 = arith.constant true
        %and3A_213 = arith.andi %and3A_210, %and3A_212 : i1
        %add3A_214 = arith.constant 1 : i32
        %add3A_215 = arith.addi %scan3A_169, %add3A_214 : i32
        %select_n3A_216 = arith.select %and3A_213, %add3A_215, %scan3A_169 : i32
        %jit3A_217 = arith.constant 32 : i32
        %div3A_218 = arith.divsi %add3A_178, %jit3A_217 : i32
        %sign3A_219 = arith.constant 0 : i32
        %sign3A_220 = arith.cmpi sgt, %add3A_178, %sign3A_219 : i32
        %sign3A_221 = arith.extui %sign3A_220 : i1 to i32
        %sign3A_222 = arith.constant 0 : i32
        %sign3A_223 = arith.cmpi slt, %add3A_178, %sign3A_222 : i32
        %sign3A_224 = arith.extui %sign3A_223 : i1 to i32
        %sign3A_225 = arith.subi %sign3A_221, %sign3A_224 : i32
        %sign3A_226 = arith.constant 0 : i32
        %sign3A_227 = arith.cmpi sgt, %jit3A_217, %sign3A_226 : i32
        %sign3A_228 = arith.extui %sign3A_227 : i1 to i32
        %sign3A_229 = arith.constant 0 : i32
        %sign3A_230 = arith.cmpi slt, %jit3A_217, %sign3A_229 : i32
        %sign3A_231 = arith.extui %sign3A_230 : i1 to i32
        %sign3A_232 = arith.subi %sign3A_228, %sign3A_231 : i32
        %ne3A_233 = arith.cmpi ne, %sign3A_225, %sign3A_232 : i32
        %rem3A_234 = arith.remsi %add3A_178, %jit3A_217 : i32
        %ne3A_235 = arith.constant 0 : i32
        %ne3A_236 = arith.cmpi ne, %rem3A_234, %ne3A_235 : i32
        %and3A_237 = arith.andi %ne3A_233, %ne3A_236 : i1
        %sub3A_238 = arith.constant 1 : i32
        %sub3A_239 = arith.subi %div3A_218, %sub3A_238 : i32
        %select_n3A_240 = arith.select %and3A_237, %sub3A_239, %div3A_218 : i32
        %jit3A_241 = arith.constant 32 : i32
        %eq3A_242 = arith.constant 0 : i32
        %eq3A_243 = arith.cmpi eq, %jit3A_241, %eq3A_242 : i32
        %jit3A_244 = arith.constant 1 : i32
        %select_n3A_245 = arith.select %eq3A_243, %jit3A_244, %jit3A_241 : i32
        %rem3A_246 = arith.remsi %add3A_178, %select_n3A_245 : i32
        %ne3A_247 = arith.constant 0 : i32
        %ne3A_248 = arith.cmpi ne, %rem3A_246, %ne3A_247 : i32
        %lt3A_249 = arith.constant 0 : i32
        %lt3A_250 = arith.cmpi slt, %rem3A_246, %lt3A_249 : i32
        %lt3A_251 = arith.constant 0 : i32
        %lt3A_252 = arith.cmpi slt, %select_n3A_245, %lt3A_251 : i32
        %ne3A_253 = arith.xori %lt3A_250, %lt3A_252 : i1
        %and3A_254 = arith.andi %ne3A_253, %ne3A_248 : i1
        %add3A_255 = arith.addi %rem3A_246, %select_n3A_245 : i32
        %select_n3A_256 = arith.select %and3A_254, %add3A_255, %rem3A_246 : i32
        %jit3A_257 = arith.constant 32 : i32
        %div3A_258 = arith.divsi %add3A_196, %jit3A_257 : i32
        %sign3A_259 = arith.constant 0 : i32
        %sign3A_260 = arith.cmpi sgt, %add3A_196, %sign3A_259 : i32
        %sign3A_261 = arith.extui %sign3A_260 : i1 to i32
        %sign3A_262 = arith.constant 0 : i32
        %sign3A_263 = arith.cmpi slt, %add3A_196, %sign3A_262 : i32
        %sign3A_264 = arith.extui %sign3A_263 : i1 to i32
        %sign3A_265 = arith.subi %sign3A_261, %sign3A_264 : i32
        %sign3A_266 = arith.constant 0 : i32
        %sign3A_267 = arith.cmpi sgt, %jit3A_257, %sign3A_266 : i32
        %sign3A_268 = arith.extui %sign3A_267 : i1 to i32
        %sign3A_269 = arith.constant 0 : i32
        %sign3A_270 = arith.cmpi slt, %jit3A_257, %sign3A_269 : i32
        %sign3A_271 = arith.extui %sign3A_270 : i1 to i32
        %sign3A_272 = arith.subi %sign3A_268, %sign3A_271 : i32
        %ne3A_273 = arith.cmpi ne, %sign3A_265, %sign3A_272 : i32
        %rem3A_274 = arith.remsi %add3A_196, %jit3A_257 : i32
        %ne3A_275 = arith.constant 0 : i32
        %ne3A_276 = arith.cmpi ne, %rem3A_274, %ne3A_275 : i32
        %and3A_277 = arith.andi %ne3A_273, %ne3A_276 : i1
        %sub3A_278 = arith.constant 1 : i32
        %sub3A_279 = arith.subi %div3A_258, %sub3A_278 : i32
        %select_n3A_280 = arith.select %and3A_277, %sub3A_279, %div3A_258 : i32
        %jit3A_281 = arith.constant 32 : i32
        %eq3A_282 = arith.constant 0 : i32
        %eq3A_283 = arith.cmpi eq, %jit3A_281, %eq3A_282 : i32
        %jit3A_284 = arith.constant 1 : i32
        %select_n3A_285 = arith.select %eq3A_283, %jit3A_284, %jit3A_281 : i32
        %rem3A_286 = arith.remsi %add3A_196, %select_n3A_285 : i32
        %ne3A_287 = arith.constant 0 : i32
        %ne3A_288 = arith.cmpi ne, %rem3A_286, %ne3A_287 : i32
        %lt3A_289 = arith.constant 0 : i32
        %lt3A_290 = arith.cmpi slt, %rem3A_286, %lt3A_289 : i32
        %lt3A_291 = arith.constant 0 : i32
        %lt3A_292 = arith.cmpi slt, %select_n3A_285, %lt3A_291 : i32
        %ne3A_293 = arith.xori %lt3A_290, %lt3A_292 : i1
        %and3A_294 = arith.andi %ne3A_293, %ne3A_288 : i1
        %add3A_295 = arith.addi %rem3A_286, %select_n3A_285 : i32
        %select_n3A_296 = arith.select %and3A_294, %add3A_295, %rem3A_286 : i32
        %ne3A_297 = arith.cmpi ne, %select_n3A_240, %select_n3A_280 : i32
        %ne3A_298 = arith.cmpi ne, %select_n3A_256, %select_n3A_296 : i32
        %or3A_299 = arith.constant false
        %or3A_300 = arith.ori %or3A_299, %ne3A_297 : i1
        %or3A_301 = arith.ori %or3A_300, %ne3A_298 : i1
        %or3A_302 = arith.constant false
        %or3A_303 = arith.ori %or3A_301, %or3A_302 : i1
        %ge3A_304 = arith.constant 1 : i32
        %ge3A_305 = arith.cmpi sge, %scan3A_168, %ge3A_304 : i32
        %not3A_306 = arith.constant true
        %not3A_307 = arith.xori %ge3A_305, %not3A_306 : i1
        %and3A_308 = arith.andi %or3A_303, %not3A_307 : i1
        %ne3A_309 = arith.cmpi ne, %add3A_178, %add3A_187 : i32
        %or3A_310 = arith.constant false
        %or3A_311 = arith.ori %or3A_310, %ne3A_309 : i1
        %or3A_312 = arith.ori %or3A_311, %eq3A_175 : i1
        %convert_element_type3A_313 = arith.extui %or3A_312 : i1 to i32
        %cond3A_314 = arith.constant 0 : i32
        %cond3A_315 = arith.cmpi ne, %convert_element_type3A_313, %cond3A_314 : i32
        scf.if %cond3A_315 {
          "tpu.trace_start"() <{level = 10 : i32, message = "ep_wait_in"}> : () -> ()
          %mul3A_642 = arith.constant 256 : i32
          %mul3A_643 = arith.muli %mul3A_642, %add3A_178 : i32
          %rem3A_644 = arith.constant 2 : i32
          %rem3A_645 = arith.remui %scan3A_170, %rem3A_644 : i32
          %dma_wait3A_646 = arith.constant 0 : i32
          %dma_wait3A_647 = arith.constant 0 : i32
          %dma_wait3A_648 = tpu.memref_slice %run_scoped3A[%rem3A_645, %dma_wait3A_646, %dma_wait3A_647] : memref<2x1x256xi32, #tpu.memory_space<vmem>> -> memref<1x1x256xi32, #tpu.memory_space<vmem>>
          %dma_wait3A_649 = tpu.memref_squeeze %dma_wait3A_648 : memref<1x1x256xi32, #tpu.memory_space<vmem>> -> memref<1x256xi32, #tpu.memory_space<vmem>>
          %dma_wait3A_650 = arith.constant 0 : i32
          %dma_wait3A_651 = tpu.memref_slice %arg4[%dma_wait3A_650, %mul3A_643] : memref<1x16384xi32, #tpu.memory_space<hbm>> -> memref<1x256xi32, #tpu.memory_space<hbm>>
          %dma_wait3A_652 = tpu.memref_slice %run_scoped3A_16[%rem3A_645] : memref<2x!tpu.dma_semaphore, #tpu.memory_space<semaphore_mem>> -> memref<1x!tpu.dma_semaphore, #tpu.memory_space<semaphore_mem>>
          %dma_wait3A_653 = tpu.memref_squeeze %dma_wait3A_652 : memref<1x!tpu.dma_semaphore, #tpu.memory_space<semaphore_mem>> -> memref<!tpu.dma_semaphore, #tpu.memory_space<semaphore_mem>>
          %dma_wait3A_654 = arith.constant 0 : i32
          %dma_wait3A_655 = arith.constant 0 : i32
          %dma_wait3A_656 = tpu.memref_slice %run_scoped3A[%rem3A_645, %dma_wait3A_654, %dma_wait3A_655] : memref<2x1x256xi32, #tpu.memory_space<vmem>> -> memref<1x1x256xi32, #tpu.memory_space<vmem>>
          %dma_wait3A_657 = tpu.memref_squeeze %dma_wait3A_656 : memref<1x1x256xi32, #tpu.memory_space<vmem>> -> memref<1x256xi32, #tpu.memory_space<vmem>>
          %dma_wait3A_658 = arith.constant 0 : i32
          %dma_wait3A_659 = tpu.memref_slice %arg4[%dma_wait3A_658, %mul3A_643] : memref<1x16384xi32, #tpu.memory_space<hbm>> -> memref<1x256xi32, #tpu.memory_space<hbm>>
          tpu.wait_dma2 semaphore(%dma_wait3A_653 : memref<!tpu.dma_semaphore, #tpu.memory_space<semaphore_mem>>) src(%dma_wait3A_659 : memref<1x256xi32, #tpu.memory_space<hbm>>) dst(%dma_wait3A_657 : memref<1x256xi32, #tpu.memory_space<vmem>>)
          "tpu.trace_stop"() : () -> ()
        } else {
        }
        %jit3A_316 = arith.constant 32 : i32
        %div3A_317 = arith.divsi %add3A_178, %jit3A_316 : i32
        %sign3A_318 = arith.constant 0 : i32
        %sign3A_319 = arith.cmpi sgt, %add3A_178, %sign3A_318 : i32
        %sign3A_320 = arith.extui %sign3A_319 : i1 to i32
        %sign3A_321 = arith.constant 0 : i32
        %sign3A_322 = arith.cmpi slt, %add3A_178, %sign3A_321 : i32
        %sign3A_323 = arith.extui %sign3A_322 : i1 to i32
        %sign3A_324 = arith.subi %sign3A_320, %sign3A_323 : i32
        %sign3A_325 = arith.constant 0 : i32
        %sign3A_326 = arith.cmpi sgt, %jit3A_316, %sign3A_325 : i32
        %sign3A_327 = arith.extui %sign3A_326 : i1 to i32
        %sign3A_328 = arith.constant 0 : i32
        %sign3A_329 = arith.cmpi slt, %jit3A_316, %sign3A_328 : i32
        %sign3A_330 = arith.extui %sign3A_329 : i1 to i32
        %sign3A_331 = arith.subi %sign3A_327, %sign3A_330 : i32
        %ne3A_332 = arith.cmpi ne, %sign3A_324, %sign3A_331 : i32
        %rem3A_333 = arith.remsi %add3A_178, %jit3A_316 : i32
        %ne3A_334 = arith.constant 0 : i32
        %ne3A_335 = arith.cmpi ne, %rem3A_333, %ne3A_334 : i32
        %and3A_336 = arith.andi %ne3A_332, %ne3A_335 : i1
        %sub3A_337 = arith.constant 1 : i32
        %sub3A_338 = arith.subi %div3A_317, %sub3A_337 : i32
        %select_n3A_339 = arith.select %and3A_336, %sub3A_338, %div3A_317 : i32
        %jit3A_340 = arith.constant 32 : i32
        %eq3A_341 = arith.constant 0 : i32
        %eq3A_342 = arith.cmpi eq, %jit3A_340, %eq3A_341 : i32
        %jit3A_343 = arith.constant 1 : i32
        %select_n3A_344 = arith.select %eq3A_342, %jit3A_343, %jit3A_340 : i32
        %rem3A_345 = arith.remsi %add3A_178, %select_n3A_344 : i32
        %ne3A_346 = arith.constant 0 : i32
        %ne3A_347 = arith.cmpi ne, %rem3A_345, %ne3A_346 : i32
        %lt3A_348 = arith.constant 0 : i32
        %lt3A_349 = arith.cmpi slt, %rem3A_345, %lt3A_348 : i32
        %lt3A_350 = arith.constant 0 : i32
        %lt3A_351 = arith.cmpi slt, %select_n3A_344, %lt3A_350 : i32
        %ne3A_352 = arith.xori %lt3A_349, %lt3A_351 : i1
        %and3A_353 = arith.andi %ne3A_352, %ne3A_347 : i1
        %add3A_354 = arith.addi %rem3A_345, %select_n3A_344 : i32
        %select_n3A_355 = arith.select %and3A_353, %add3A_354, %rem3A_345 : i32
        %jit3A_356 = arith.constant 32 : i32
        %div3A_357 = arith.divsi %add3A_187, %jit3A_356 : i32
        %sign3A_358 = arith.constant 0 : i32
        %sign3A_359 = arith.cmpi sgt, %add3A_187, %sign3A_358 : i32
        %sign3A_360 = arith.extui %sign3A_359 : i1 to i32
        %sign3A_361 = arith.constant 0 : i32
        %sign3A_362 = arith.cmpi slt, %add3A_187, %sign3A_361 : i32
        %sign3A_363 = arith.extui %sign3A_362 : i1 to i32
        %sign3A_364 = arith.subi %sign3A_360, %sign3A_363 : i32
        %sign3A_365 = arith.constant 0 : i32
        %sign3A_366 = arith.cmpi sgt, %jit3A_356, %sign3A_365 : i32
        %sign3A_367 = arith.extui %sign3A_366 : i1 to i32
        %sign3A_368 = arith.constant 0 : i32
        %sign3A_369 = arith.cmpi slt, %jit3A_356, %sign3A_368 : i32
        %sign3A_370 = arith.extui %sign3A_369 : i1 to i32
        %sign3A_371 = arith.subi %sign3A_367, %sign3A_370 : i32
        %ne3A_372 = arith.cmpi ne, %sign3A_364, %sign3A_371 : i32
        %rem3A_373 = arith.remsi %add3A_187, %jit3A_356 : i32
        %ne3A_374 = arith.constant 0 : i32
        %ne3A_375 = arith.cmpi ne, %rem3A_373, %ne3A_374 : i32
        %and3A_376 = arith.andi %ne3A_372, %ne3A_375 : i1
        %sub3A_377 = arith.constant 1 : i32
        %sub3A_378 = arith.subi %div3A_357, %sub3A_377 : i32
        %select_n3A_379 = arith.select %and3A_376, %sub3A_378, %div3A_357 : i32
        %jit3A_380 = arith.constant 32 : i32
        %eq3A_381 = arith.constant 0 : i32
        %eq3A_382 = arith.cmpi eq, %jit3A_380, %eq3A_381 : i32
        %jit3A_383 = arith.constant 1 : i32
        %select_n3A_384 = arith.select %eq3A_382, %jit3A_383, %jit3A_380 : i32
        %rem3A_385 = arith.remsi %add3A_187, %select_n3A_384 : i32
        %ne3A_386 = arith.constant 0 : i32
        %ne3A_387 = arith.cmpi ne, %rem3A_385, %ne3A_386 : i32
        %lt3A_388 = arith.constant 0 : i32
        %lt3A_389 = arith.cmpi slt, %rem3A_385, %lt3A_388 : i32
        %lt3A_390 = arith.constant 0 : i32
        %lt3A_391 = arith.cmpi slt, %select_n3A_384, %lt3A_390 : i32
        %ne3A_392 = arith.xori %lt3A_389, %lt3A_391 : i1
        %and3A_393 = arith.andi %ne3A_392, %ne3A_387 : i1
        %add3A_394 = arith.addi %rem3A_385, %select_n3A_384 : i32
        %select_n3A_395 = arith.select %and3A_393, %add3A_394, %rem3A_385 : i32
        %ne3A_396 = arith.cmpi ne, %select_n3A_339, %select_n3A_379 : i32
        %ne3A_397 = arith.cmpi ne, %select_n3A_355, %select_n3A_395 : i32
        %or3A_398 = arith.constant false
        %or3A_399 = arith.ori %or3A_398, %ne3A_396 : i1
        %or3A_400 = arith.ori %or3A_399, %ne3A_397 : i1
        %or3A_401 = arith.constant false
        %or3A_402 = arith.ori %or3A_400, %or3A_401 : i1
        %or3A_403 = arith.ori %or3A_402, %eq3A_175 : i1
        %convert_element_type3A_404 = arith.extui %or3A_403 : i1 to i32
        %cond3A_405 = arith.constant 0 : i32
        %cond3A_406 = arith.cmpi ne, %convert_element_type3A_404, %cond3A_405 : i32
        scf.if %cond3A_406 {
        } else {
        }
        %rem3A_407 = arith.constant 2 : i32
        %rem3A_408 = arith.remui %scan3A_170, %rem3A_407 : i32
        %rem3A_409 = arith.constant 2 : i32
        %rem3A_410 = arith.remui %scan3A_171, %rem3A_409 : i32
        %run_scoped3A_411 = arith.constant 0 : i32
        %run_scoped3A_412 = arith.constant 0 : i32
        "tpu.trace_start"() <{level = 10 : i32, message = "ep_run_kernel"}> : () -> ()
        "tpu.region"() ({
          %run_scoped3A_642 = tpu.sem_alloc : memref<!tpu.dma_semaphore, #tpu.memory_space<semaphore_mem>>
          %dma_start3A_643 = arith.constant 0 : i32
          %dma_start3A_644 = arith.constant 0 : i32
          %dma_start3A_645 = arith.constant 0 : i32
          %dma_start3A_646 = tpu.memref_slice %run_scoped3A_17[%rem3A_410, %dma_start3A_643, %dma_start3A_644, %dma_start3A_645] : memref<2x1x256x128xf32, #tpu.memory_space<vmem>> -> memref<1x1x256x128xf32, #tpu.memory_space<vmem>>
          %dma_start3A_647 = tpu.memref_squeeze %dma_start3A_646 : memref<1x1x256x128xf32, #tpu.memory_space<vmem>> -> memref<1x256x128xf32, #tpu.memory_space<vmem>>
          %dma_start3A_648 = arith.constant 0 : i32
          %dma_start3A_649 = arith.constant 0 : i32
          %dma_start3A_650 = tpu.memref_slice %dma_start3A_647[%run_scoped3A_412, %dma_start3A_648, %dma_start3A_649] : memref<1x256x128xf32, #tpu.memory_space<vmem>> -> memref<1x256x128xf32, #tpu.memory_space<vmem>>
          %dma_start3A_651 = tpu.memref_squeeze %dma_start3A_650 : memref<1x256x128xf32, #tpu.memory_space<vmem>> -> memref<256x128xf32, #tpu.memory_space<vmem>>
          %dma_start3A_652 = arith.constant 0 : i32
          %dma_start3A_653 = arith.constant 0 : i32
          %dma_start3A_654 = tpu.memref_slice %run_scoped3A[%rem3A_408, %dma_start3A_652, %dma_start3A_653] : memref<2x1x256xi32, #tpu.memory_space<vmem>> -> memref<1x1x256xi32, #tpu.memory_space<vmem>>
          %dma_start3A_655 = tpu.memref_squeeze %dma_start3A_654 : memref<1x1x256xi32, #tpu.memory_space<vmem>> -> memref<1x256xi32, #tpu.memory_space<vmem>>
          %dma_start3A_656 = arith.constant 0 : i32
          %dma_start3A_657 = tpu.memref_slice %dma_start3A_655[%run_scoped3A_411, %dma_start3A_656] : memref<1x256xi32, #tpu.memory_space<vmem>> -> memref<1x256xi32, #tpu.memory_space<vmem>>
          %dma_start3A_658 = tpu.memref_squeeze %dma_start3A_657 : memref<1x256xi32, #tpu.memory_space<vmem>> -> memref<256xi32, #tpu.memory_space<vmem>>
          %dma_start3A_659 = arith.constant 0 : i32
          %dma_start3A_660 = arith.constant 0 : i32
          %dma_start3A_661 = tpu.memref_slice %arg2[%dma_start3A_659, %dma_start3A_660] : memref<100000x128xf32, #tpu.memory_space<hbm>> -> memref<100000x128xf32, #tpu.memory_space<hbm>>
          tpu.enqueue_indirect_dma source(%dma_start3A_661 : memref<100000x128xf32, #tpu.memory_space<hbm>>) target(%dma_start3A_651 : memref<256x128xf32, #tpu.memory_space<vmem>>) offsets(%dma_start3A_658 : memref<256xi32, #tpu.memory_space<vmem>>) semaphore(%run_scoped3A_642 : memref<!tpu.dma_semaphore, #tpu.memory_space<semaphore_mem>>)
          %dma_wait3A_662 = arith.constant 0 : i32
          %dma_wait3A_663 = arith.constant 0 : i32
          %dma_wait3A_664 = arith.constant 0 : i32
          %dma_wait3A_665 = tpu.memref_slice %run_scoped3A_17[%rem3A_410, %dma_wait3A_662, %dma_wait3A_663, %dma_wait3A_664] : memref<2x1x256x128xf32, #tpu.memory_space<vmem>> -> memref<1x1x256x128xf32, #tpu.memory_space<vmem>>
          %dma_wait3A_666 = tpu.memref_squeeze %dma_wait3A_665 : memref<1x1x256x128xf32, #tpu.memory_space<vmem>> -> memref<1x256x128xf32, #tpu.memory_space<vmem>>
          %dma_wait3A_667 = arith.constant 0 : i32
          %dma_wait3A_668 = arith.constant 0 : i32
          %dma_wait3A_669 = tpu.memref_slice %dma_wait3A_666[%run_scoped3A_412, %dma_wait3A_667, %dma_wait3A_668] : memref<1x256x128xf32, #tpu.memory_space<vmem>> -> memref<1x256x128xf32, #tpu.memory_space<vmem>>
          %dma_wait3A_670 = tpu.memref_squeeze %dma_wait3A_669 : memref<1x256x128xf32, #tpu.memory_space<vmem>> -> memref<256x128xf32, #tpu.memory_space<vmem>>
          %dma_wait3A_671 = arith.constant 0 : i32
          %dma_wait3A_672 = arith.constant 0 : i32
          %dma_wait3A_673 = tpu.memref_slice %run_scoped3A[%rem3A_408, %dma_wait3A_671, %dma_wait3A_672] : memref<2x1x256xi32, #tpu.memory_space<vmem>> -> memref<1x1x256xi32, #tpu.memory_space<vmem>>
          %dma_wait3A_674 = tpu.memref_squeeze %dma_wait3A_673 : memref<1x1x256xi32, #tpu.memory_space<vmem>> -> memref<1x256xi32, #tpu.memory_space<vmem>>
          %dma_wait3A_675 = arith.constant 0 : i32
          %dma_wait3A_676 = tpu.memref_slice %dma_wait3A_674[%run_scoped3A_411, %dma_wait3A_675] : memref<1x256xi32, #tpu.memory_space<vmem>> -> memref<1x256xi32, #tpu.memory_space<vmem>>
          %dma_wait3A_677 = tpu.memref_squeeze %dma_wait3A_676 : memref<1x256xi32, #tpu.memory_space<vmem>> -> memref<256xi32, #tpu.memory_space<vmem>>
          %dma_wait3A_678 = arith.constant 0 : i32
          %dma_wait3A_679 = arith.constant 0 : i32
          %dma_wait3A_680 = tpu.memref_slice %arg2[%dma_wait3A_678, %dma_wait3A_679] : memref<100000x128xf32, #tpu.memory_space<hbm>> -> memref<100000x128xf32, #tpu.memory_space<hbm>>
          tpu.wait_indirect_dma semaphore(%run_scoped3A_642 : memref<!tpu.dma_semaphore, #tpu.memory_space<semaphore_mem>>) src(%dma_wait3A_680 : memref<100000x128xf32, #tpu.memory_space<hbm>>) dst(%dma_wait3A_670 : memref<256x128xf32, #tpu.memory_space<vmem>>)
          tpu.yield
        }) : () -> ()
        "tpu.trace_stop"() : () -> ()
        %ne3A_413 = arith.cmpi ne, %add3A_178, %add3A_196 : i32
        %or3A_414 = arith.constant false
        %or3A_415 = arith.ori %or3A_414, %ne3A_413 : i1
        %or3A_416 = arith.ori %or3A_415, %eq3A_177 : i1
        %convert_element_type3A_417 = arith.extui %or3A_416 : i1 to i32
        %cond3A_418 = arith.constant 0 : i32
        %cond3A_419 = arith.cmpi ne, %convert_element_type3A_417, %cond3A_418 : i32
        scf.if %cond3A_419 {
        } else {
        }
        %and3A_420 = arith.constant false
        %and3A_421 = arith.andi %or3A_416, %and3A_420 : i1
        %jit3A_422 = arith.constant 32 : i32
        %div3A_423 = arith.divsi %add3A_178, %jit3A_422 : i32
        %sign3A_424 = arith.constant 0 : i32
        %sign3A_425 = arith.cmpi sgt, %add3A_178, %sign3A_424 : i32
        %sign3A_426 = arith.extui %sign3A_425 : i1 to i32
        %sign3A_427 = arith.constant 0 : i32
        %sign3A_428 = arith.cmpi slt, %add3A_178, %sign3A_427 : i32
        %sign3A_429 = arith.extui %sign3A_428 : i1 to i32
        %sign3A_430 = arith.subi %sign3A_426, %sign3A_429 : i32
        %sign3A_431 = arith.constant 0 : i32
        %sign3A_432 = arith.cmpi sgt, %jit3A_422, %sign3A_431 : i32
        %sign3A_433 = arith.extui %sign3A_432 : i1 to i32
        %sign3A_434 = arith.constant 0 : i32
        %sign3A_435 = arith.cmpi slt, %jit3A_422, %sign3A_434 : i32
        %sign3A_436 = arith.extui %sign3A_435 : i1 to i32
        %sign3A_437 = arith.subi %sign3A_433, %sign3A_436 : i32
        %ne3A_438 = arith.cmpi ne, %sign3A_430, %sign3A_437 : i32
        %rem3A_439 = arith.remsi %add3A_178, %jit3A_422 : i32
        %ne3A_440 = arith.constant 0 : i32
        %ne3A_441 = arith.cmpi ne, %rem3A_439, %ne3A_440 : i32
        %and3A_442 = arith.andi %ne3A_438, %ne3A_441 : i1
        %sub3A_443 = arith.constant 1 : i32
        %sub3A_444 = arith.subi %div3A_423, %sub3A_443 : i32
        %select_n3A_445 = arith.select %and3A_442, %sub3A_444, %div3A_423 : i32
        %jit3A_446 = arith.constant 32 : i32
        %eq3A_447 = arith.constant 0 : i32
        %eq3A_448 = arith.cmpi eq, %jit3A_446, %eq3A_447 : i32
        %jit3A_449 = arith.constant 1 : i32
        %select_n3A_450 = arith.select %eq3A_448, %jit3A_449, %jit3A_446 : i32
        %rem3A_451 = arith.remsi %add3A_178, %select_n3A_450 : i32
        %ne3A_452 = arith.constant 0 : i32
        %ne3A_453 = arith.cmpi ne, %rem3A_451, %ne3A_452 : i32
        %lt3A_454 = arith.constant 0 : i32
        %lt3A_455 = arith.cmpi slt, %rem3A_451, %lt3A_454 : i32
        %lt3A_456 = arith.constant 0 : i32
        %lt3A_457 = arith.cmpi slt, %select_n3A_450, %lt3A_456 : i32
        %ne3A_458 = arith.xori %lt3A_455, %lt3A_457 : i1
        %and3A_459 = arith.andi %ne3A_458, %ne3A_453 : i1
        %add3A_460 = arith.addi %rem3A_451, %select_n3A_450 : i32
        %select_n3A_461 = arith.select %and3A_459, %add3A_460, %rem3A_451 : i32
        %jit3A_462 = arith.constant 32 : i32
        %div3A_463 = arith.divsi %add3A_196, %jit3A_462 : i32
        %sign3A_464 = arith.constant 0 : i32
        %sign3A_465 = arith.cmpi sgt, %add3A_196, %sign3A_464 : i32
        %sign3A_466 = arith.extui %sign3A_465 : i1 to i32
        %sign3A_467 = arith.constant 0 : i32
        %sign3A_468 = arith.cmpi slt, %add3A_196, %sign3A_467 : i32
        %sign3A_469 = arith.extui %sign3A_468 : i1 to i32
        %sign3A_470 = arith.subi %sign3A_466, %sign3A_469 : i32
        %sign3A_471 = arith.constant 0 : i32
        %sign3A_472 = arith.cmpi sgt, %jit3A_462, %sign3A_471 : i32
        %sign3A_473 = arith.extui %sign3A_472 : i1 to i32
        %sign3A_474 = arith.constant 0 : i32
        %sign3A_475 = arith.cmpi slt, %jit3A_462, %sign3A_474 : i32
        %sign3A_476 = arith.extui %sign3A_475 : i1 to i32
        %sign3A_477 = arith.subi %sign3A_473, %sign3A_476 : i32
        %ne3A_478 = arith.cmpi ne, %sign3A_470, %sign3A_477 : i32
        %rem3A_479 = arith.remsi %add3A_196, %jit3A_462 : i32
        %ne3A_480 = arith.constant 0 : i32
        %ne3A_481 = arith.cmpi ne, %rem3A_479, %ne3A_480 : i32
        %and3A_482 = arith.andi %ne3A_478, %ne3A_481 : i1
        %sub3A_483 = arith.constant 1 : i32
        %sub3A_484 = arith.subi %div3A_463, %sub3A_483 : i32
        %select_n3A_485 = arith.select %and3A_482, %sub3A_484, %div3A_463 : i32
        %jit3A_486 = arith.constant 32 : i32
        %eq3A_487 = arith.constant 0 : i32
        %eq3A_488 = arith.cmpi eq, %jit3A_486, %eq3A_487 : i32
        %jit3A_489 = arith.constant 1 : i32
        %select_n3A_490 = arith.select %eq3A_488, %jit3A_489, %jit3A_486 : i32
        %rem3A_491 = arith.remsi %add3A_196, %select_n3A_490 : i32
        %ne3A_492 = arith.constant 0 : i32
        %ne3A_493 = arith.cmpi ne, %rem3A_491, %ne3A_492 : i32
        %lt3A_494 = arith.constant 0 : i32
        %lt3A_495 = arith.cmpi slt, %rem3A_491, %lt3A_494 : i32
        %lt3A_496 = arith.constant 0 : i32
        %lt3A_497 = arith.cmpi slt, %select_n3A_490, %lt3A_496 : i32
        %ne3A_498 = arith.xori %lt3A_495, %lt3A_497 : i1
        %and3A_499 = arith.andi %ne3A_498, %ne3A_493 : i1
        %add3A_500 = arith.addi %rem3A_491, %select_n3A_490 : i32
        %select_n3A_501 = arith.select %and3A_499, %add3A_500, %rem3A_491 : i32
        %ne3A_502 = arith.cmpi ne, %select_n3A_445, %select_n3A_485 : i32
        %ne3A_503 = arith.cmpi ne, %select_n3A_461, %select_n3A_501 : i32
        %or3A_504 = arith.constant false
        %or3A_505 = arith.ori %or3A_504, %ne3A_502 : i1
        %or3A_506 = arith.ori %or3A_505, %ne3A_503 : i1
        %or3A_507 = arith.constant false
        %or3A_508 = arith.ori %or3A_506, %or3A_507 : i1
        %or3A_509 = arith.ori %or3A_508, %eq3A_177 : i1
        %convert_element_type3A_510 = arith.extui %or3A_509 : i1 to i32
        %cond3A_511 = arith.constant 0 : i32
        %cond3A_512 = arith.cmpi ne, %convert_element_type3A_510, %cond3A_511 : i32
        scf.if %cond3A_512 {
          "tpu.trace_start"() <{level = 10 : i32, message = "ep_copy_out"}> : () -> ()
          %rem3A_642 = arith.constant 2 : i32
          %rem3A_643 = arith.remui %scan3A_171, %rem3A_642 : i32
          %jit3A_644 = arith.constant 32 : i32
          %div3A_645 = arith.divsi %add3A_178, %jit3A_644 : i32
          %sign3A_646 = arith.constant 0 : i32
          %sign3A_647 = arith.cmpi sgt, %add3A_178, %sign3A_646 : i32
          %sign3A_648 = arith.extui %sign3A_647 : i1 to i32
          %sign3A_649 = arith.constant 0 : i32
          %sign3A_650 = arith.cmpi slt, %add3A_178, %sign3A_649 : i32
          %sign3A_651 = arith.extui %sign3A_650 : i1 to i32
          %sign3A_652 = arith.subi %sign3A_648, %sign3A_651 : i32
          %sign3A_653 = arith.constant 0 : i32
          %sign3A_654 = arith.cmpi sgt, %jit3A_644, %sign3A_653 : i32
          %sign3A_655 = arith.extui %sign3A_654 : i1 to i32
          %sign3A_656 = arith.constant 0 : i32
          %sign3A_657 = arith.cmpi slt, %jit3A_644, %sign3A_656 : i32
          %sign3A_658 = arith.extui %sign3A_657 : i1 to i32
          %sign3A_659 = arith.subi %sign3A_655, %sign3A_658 : i32
          %ne3A_660 = arith.cmpi ne, %sign3A_652, %sign3A_659 : i32
          %rem3A_661 = arith.remsi %add3A_178, %jit3A_644 : i32
          %ne3A_662 = arith.constant 0 : i32
          %ne3A_663 = arith.cmpi ne, %rem3A_661, %ne3A_662 : i32
          %and3A_664 = arith.andi %ne3A_660, %ne3A_663 : i1
          %sub3A_665 = arith.constant 1 : i32
          %sub3A_666 = arith.subi %div3A_645, %sub3A_665 : i32
          %select_n3A_667 = arith.select %and3A_664, %sub3A_666, %div3A_645 : i32
          %jit3A_668 = arith.constant 32 : i32
          %eq3A_669 = arith.constant 0 : i32
          %eq3A_670 = arith.cmpi eq, %jit3A_668, %eq3A_669 : i32
          %jit3A_671 = arith.constant 1 : i32
          %select_n3A_672 = arith.select %eq3A_670, %jit3A_671, %jit3A_668 : i32
          %rem3A_673 = arith.remsi %add3A_178, %select_n3A_672 : i32
          %ne3A_674 = arith.constant 0 : i32
          %ne3A_675 = arith.cmpi ne, %rem3A_673, %ne3A_674 : i32
          %lt3A_676 = arith.constant 0 : i32
          %lt3A_677 = arith.cmpi slt, %rem3A_673, %lt3A_676 : i32
          %lt3A_678 = arith.constant 0 : i32
          %lt3A_679 = arith.cmpi slt, %select_n3A_672, %lt3A_678 : i32
          %ne3A_680 = arith.xori %lt3A_677, %lt3A_679 : i1
          %and3A_681 = arith.andi %ne3A_680, %ne3A_675 : i1
          %add3A_682 = arith.addi %rem3A_673, %select_n3A_672 : i32
          %select_n3A_683 = arith.select %and3A_681, %add3A_682, %rem3A_673 : i32
          %mul3A_684 = arith.constant 1 : i32
          %mul3A_685 = arith.muli %mul3A_684, %select_n3A_667 : i32
          %mul3A_686 = arith.constant 256 : i32
          %mul3A_687 = arith.muli %mul3A_686, %select_n3A_683 : i32
          %dma_start3A_688 = arith.constant 0 : i32
          %dma_start3A_689 = arith.constant 0 : i32
          %dma_start3A_690 = arith.constant 0 : i32
          %dma_start3A_691 = tpu.memref_slice %run_scoped3A_17[%rem3A_643, %dma_start3A_688, %dma_start3A_689, %dma_start3A_690] : memref<2x1x256x128xf32, #tpu.memory_space<vmem>> -> memref<1x1x256x128xf32, #tpu.memory_space<vmem>>
          %dma_start3A_692 = tpu.memref_squeeze %dma_start3A_691 : memref<1x1x256x128xf32, #tpu.memory_space<vmem>> -> memref<1x256x128xf32, #tpu.memory_space<vmem>>
          %dma_start3A_693 = arith.constant 0 : i32
          %dma_start3A_694 = tpu.memref_slice %arg6[%mul3A_685, %mul3A_687, %dma_start3A_693] : memref<2x8192x128xf32, #tpu.memory_space<hbm>> -> memref<1x256x128xf32, #tpu.memory_space<hbm>>
          %dma_start3A_695 = tpu.memref_slice %run_scoped3A_18[%rem3A_643] : memref<2x!tpu.dma_semaphore, #tpu.memory_space<semaphore_mem>> -> memref<1x!tpu.dma_semaphore, #tpu.memory_space<semaphore_mem>>
          %dma_start3A_696 = tpu.memref_squeeze %dma_start3A_695 : memref<1x!tpu.dma_semaphore, #tpu.memory_space<semaphore_mem>> -> memref<!tpu.dma_semaphore, #tpu.memory_space<semaphore_mem>>
          %dma_start3A_697 = arith.constant 0 : i32
          %dma_start3A_698 = tpu.memref_slice %arg6[%mul3A_685, %mul3A_687, %dma_start3A_697] : memref<2x8192x128xf32, #tpu.memory_space<hbm>> -> memref<1x256x128xf32, #tpu.memory_space<hbm>>
          %dma_start3A_699 = arith.constant 0 : i32
          %dma_start3A_700 = arith.constant 0 : i32
          %dma_start3A_701 = arith.constant 0 : i32
          %dma_start3A_702 = tpu.memref_slice %run_scoped3A_17[%rem3A_643, %dma_start3A_699, %dma_start3A_700, %dma_start3A_701] : memref<2x1x256x128xf32, #tpu.memory_space<vmem>> -> memref<1x1x256x128xf32, #tpu.memory_space<vmem>>
          %dma_start3A_703 = tpu.memref_squeeze %dma_start3A_702 : memref<1x1x256x128xf32, #tpu.memory_space<vmem>> -> memref<1x256x128xf32, #tpu.memory_space<vmem>>
          tpu.enqueue_dma source(%dma_start3A_703 : memref<1x256x128xf32, #tpu.memory_space<vmem>>) target(%dma_start3A_698 : memref<1x256x128xf32, #tpu.memory_space<hbm>>) target_semaphore(%dma_start3A_696 : memref<!tpu.dma_semaphore, #tpu.memory_space<semaphore_mem>>)
          "tpu.trace_stop"() : () -> ()
        } else {
        }
        %and3A_513 = arith.constant true
        %and3A_514 = arith.andi %or3A_509, %and3A_513 : i1
        %add3A_515 = arith.constant 1 : i32
        %add3A_516 = arith.addi %scan3A_171, %add3A_515 : i32
        %select_n3A_517 = arith.select %and3A_514, %add3A_516, %scan3A_171 : i32
        %ne3A_518 = arith.cmpi ne, %add3A_178, %add3A_187 : i32
        %or3A_519 = arith.constant false
        %or3A_520 = arith.ori %or3A_519, %ne3A_518 : i1
        %not3A_521 = arith.constant true
        %not3A_522 = arith.xori %eq3A_175, %not3A_521 : i1
        %and3A_523 = arith.andi %or3A_520, %not3A_522 : i1
        %convert_element_type3A_524 = arith.extui %and3A_523 : i1 to i32
        %cond3A_525 = arith.constant 0 : i32
        %cond3A_526 = arith.cmpi ne, %convert_element_type3A_524, %cond3A_525 : i32
        scf.if %cond3A_526 {
        } else {
        }
        %and3A_527 = arith.constant false
        %and3A_528 = arith.andi %and3A_523, %and3A_527 : i1
        %jit3A_529 = arith.constant 32 : i32
        %div3A_530 = arith.divsi %add3A_178, %jit3A_529 : i32
        %sign3A_531 = arith.constant 0 : i32
        %sign3A_532 = arith.cmpi sgt, %add3A_178, %sign3A_531 : i32
        %sign3A_533 = arith.extui %sign3A_532 : i1 to i32
        %sign3A_534 = arith.constant 0 : i32
        %sign3A_535 = arith.cmpi slt, %add3A_178, %sign3A_534 : i32
        %sign3A_536 = arith.extui %sign3A_535 : i1 to i32
        %sign3A_537 = arith.subi %sign3A_533, %sign3A_536 : i32
        %sign3A_538 = arith.constant 0 : i32
        %sign3A_539 = arith.cmpi sgt, %jit3A_529, %sign3A_538 : i32
        %sign3A_540 = arith.extui %sign3A_539 : i1 to i32
        %sign3A_541 = arith.constant 0 : i32
        %sign3A_542 = arith.cmpi slt, %jit3A_529, %sign3A_541 : i32
        %sign3A_543 = arith.extui %sign3A_542 : i1 to i32
        %sign3A_544 = arith.subi %sign3A_540, %sign3A_543 : i32
        %ne3A_545 = arith.cmpi ne, %sign3A_537, %sign3A_544 : i32
        %rem3A_546 = arith.remsi %add3A_178, %jit3A_529 : i32
        %ne3A_547 = arith.constant 0 : i32
        %ne3A_548 = arith.cmpi ne, %rem3A_546, %ne3A_547 : i32
        %and3A_549 = arith.andi %ne3A_545, %ne3A_548 : i1
        %sub3A_550 = arith.constant 1 : i32
        %sub3A_551 = arith.subi %div3A_530, %sub3A_550 : i32
        %select_n3A_552 = arith.select %and3A_549, %sub3A_551, %div3A_530 : i32
        %jit3A_553 = arith.constant 32 : i32
        %eq3A_554 = arith.constant 0 : i32
        %eq3A_555 = arith.cmpi eq, %jit3A_553, %eq3A_554 : i32
        %jit3A_556 = arith.constant 1 : i32
        %select_n3A_557 = arith.select %eq3A_555, %jit3A_556, %jit3A_553 : i32
        %rem3A_558 = arith.remsi %add3A_178, %select_n3A_557 : i32
        %ne3A_559 = arith.constant 0 : i32
        %ne3A_560 = arith.cmpi ne, %rem3A_558, %ne3A_559 : i32
        %lt3A_561 = arith.constant 0 : i32
        %lt3A_562 = arith.cmpi slt, %rem3A_558, %lt3A_561 : i32
        %lt3A_563 = arith.constant 0 : i32
        %lt3A_564 = arith.cmpi slt, %select_n3A_557, %lt3A_563 : i32
        %ne3A_565 = arith.xori %lt3A_562, %lt3A_564 : i1
        %and3A_566 = arith.andi %ne3A_565, %ne3A_560 : i1
        %add3A_567 = arith.addi %rem3A_558, %select_n3A_557 : i32
        %select_n3A_568 = arith.select %and3A_566, %add3A_567, %rem3A_558 : i32
        %jit3A_569 = arith.constant 32 : i32
        %div3A_570 = arith.divsi %add3A_187, %jit3A_569 : i32
        %sign3A_571 = arith.constant 0 : i32
        %sign3A_572 = arith.cmpi sgt, %add3A_187, %sign3A_571 : i32
        %sign3A_573 = arith.extui %sign3A_572 : i1 to i32
        %sign3A_574 = arith.constant 0 : i32
        %sign3A_575 = arith.cmpi slt, %add3A_187, %sign3A_574 : i32
        %sign3A_576 = arith.extui %sign3A_575 : i1 to i32
        %sign3A_577 = arith.subi %sign3A_573, %sign3A_576 : i32
        %sign3A_578 = arith.constant 0 : i32
        %sign3A_579 = arith.cmpi sgt, %jit3A_569, %sign3A_578 : i32
        %sign3A_580 = arith.extui %sign3A_579 : i1 to i32
        %sign3A_581 = arith.constant 0 : i32
        %sign3A_582 = arith.cmpi slt, %jit3A_569, %sign3A_581 : i32
        %sign3A_583 = arith.extui %sign3A_582 : i1 to i32
        %sign3A_584 = arith.subi %sign3A_580, %sign3A_583 : i32
        %ne3A_585 = arith.cmpi ne, %sign3A_577, %sign3A_584 : i32
        %rem3A_586 = arith.remsi %add3A_187, %jit3A_569 : i32
        %ne3A_587 = arith.constant 0 : i32
        %ne3A_588 = arith.cmpi ne, %rem3A_586, %ne3A_587 : i32
        %and3A_589 = arith.andi %ne3A_585, %ne3A_588 : i1
        %sub3A_590 = arith.constant 1 : i32
        %sub3A_591 = arith.subi %div3A_570, %sub3A_590 : i32
        %select_n3A_592 = arith.select %and3A_589, %sub3A_591, %div3A_570 : i32
        %jit3A_593 = arith.constant 32 : i32
        %eq3A_594 = arith.constant 0 : i32
        %eq3A_595 = arith.cmpi eq, %jit3A_593, %eq3A_594 : i32
        %jit3A_596 = arith.constant 1 : i32
        %select_n3A_597 = arith.select %eq3A_595, %jit3A_596, %jit3A_593 : i32
        %rem3A_598 = arith.remsi %add3A_187, %select_n3A_597 : i32
        %ne3A_599 = arith.constant 0 : i32
        %ne3A_600 = arith.cmpi ne, %rem3A_598, %ne3A_599 : i32
        %lt3A_601 = arith.constant 0 : i32
        %lt3A_602 = arith.cmpi slt, %rem3A_598, %lt3A_601 : i32
        %lt3A_603 = arith.constant 0 : i32
        %lt3A_604 = arith.cmpi slt, %select_n3A_597, %lt3A_603 : i32
        %ne3A_605 = arith.xori %lt3A_602, %lt3A_604 : i1
        %and3A_606 = arith.andi %ne3A_605, %ne3A_600 : i1
        %add3A_607 = arith.addi %rem3A_598, %select_n3A_597 : i32
        %select_n3A_608 = arith.select %and3A_606, %add3A_607, %rem3A_598 : i32
        %ne3A_609 = arith.cmpi ne, %select_n3A_552, %select_n3A_592 : i32
        %ne3A_610 = arith.cmpi ne, %select_n3A_568, %select_n3A_608 : i32
        %or3A_611 = arith.constant false
        %or3A_612 = arith.ori %or3A_611, %ne3A_609 : i1
        %or3A_613 = arith.ori %or3A_612, %ne3A_610 : i1
        %or3A_614 = arith.constant false
        %or3A_615 = arith.ori %or3A_613, %or3A_614 : i1
        %not3A_616 = arith.constant true
        %not3A_617 = arith.xori %eq3A_175, %not3A_616 : i1
        %and3A_618 = arith.andi %or3A_615, %not3A_617 : i1
        %convert_element_type3A_619 = arith.extui %and3A_618 : i1 to i32
        %cond3A_620 = arith.constant 0 : i32
        %cond3A_621 = arith.cmpi ne, %convert_element_type3A_619, %cond3A_620 : i32
        scf.if %cond3A_621 {
          "tpu.trace_start"() <{level = 10 : i32, message = "ep_wait_out"}> : () -> ()
          %rem3A_642 = arith.constant 2 : i32
          %rem3A_643 = arith.remui %scan3A_172, %rem3A_642 : i32
          %jit3A_644 = arith.constant 32 : i32
          %div3A_645 = arith.divsi %add3A_187, %jit3A_644 : i32
          %sign3A_646 = arith.constant 0 : i32
          %sign3A_647 = arith.cmpi sgt, %add3A_187, %sign3A_646 : i32
          %sign3A_648 = arith.extui %sign3A_647 : i1 to i32
          %sign3A_649 = arith.constant 0 : i32
          %sign3A_650 = arith.cmpi slt, %add3A_187, %sign3A_649 : i32
          %sign3A_651 = arith.extui %sign3A_650 : i1 to i32
          %sign3A_652 = arith.subi %sign3A_648, %sign3A_651 : i32
          %sign3A_653 = arith.constant 0 : i32
          %sign3A_654 = arith.cmpi sgt, %jit3A_644, %sign3A_653 : i32
          %sign3A_655 = arith.extui %sign3A_654 : i1 to i32
          %sign3A_656 = arith.constant 0 : i32
          %sign3A_657 = arith.cmpi slt, %jit3A_644, %sign3A_656 : i32
          %sign3A_658 = arith.extui %sign3A_657 : i1 to i32
          %sign3A_659 = arith.subi %sign3A_655, %sign3A_658 : i32
          %ne3A_660 = arith.cmpi ne, %sign3A_652, %sign3A_659 : i32
          %rem3A_661 = arith.remsi %add3A_187, %jit3A_644 : i32
          %ne3A_662 = arith.constant 0 : i32
          %ne3A_663 = arith.cmpi ne, %rem3A_661, %ne3A_662 : i32
          %and3A_664 = arith.andi %ne3A_660, %ne3A_663 : i1
          %sub3A_665 = arith.constant 1 : i32
          %sub3A_666 = arith.subi %div3A_645, %sub3A_665 : i32
          %select_n3A_667 = arith.select %and3A_664, %sub3A_666, %div3A_645 : i32
          %jit3A_668 = arith.constant 32 : i32
          %eq3A_669 = arith.constant 0 : i32
          %eq3A_670 = arith.cmpi eq, %jit3A_668, %eq3A_669 : i32
          %jit3A_671 = arith.constant 1 : i32
          %select_n3A_672 = arith.select %eq3A_670, %jit3A_671, %jit3A_668 : i32
          %rem3A_673 = arith.remsi %add3A_187, %select_n3A_672 : i32
          %ne3A_674 = arith.constant 0 : i32
          %ne3A_675 = arith.cmpi ne, %rem3A_673, %ne3A_674 : i32
          %lt3A_676 = arith.constant 0 : i32
          %lt3A_677 = arith.cmpi slt, %rem3A_673, %lt3A_676 : i32
          %lt3A_678 = arith.constant 0 : i32
          %lt3A_679 = arith.cmpi slt, %select_n3A_672, %lt3A_678 : i32
          %ne3A_680 = arith.xori %lt3A_677, %lt3A_679 : i1
          %and3A_681 = arith.andi %ne3A_680, %ne3A_675 : i1
          %add3A_682 = arith.addi %rem3A_673, %select_n3A_672 : i32
          %select_n3A_683 = arith.select %and3A_681, %add3A_682, %rem3A_673 : i32
          %mul3A_684 = arith.constant 1 : i32
          %mul3A_685 = arith.muli %mul3A_684, %select_n3A_667 : i32
          %mul3A_686 = arith.constant 256 : i32
          %mul3A_687 = arith.muli %mul3A_686, %select_n3A_683 : i32
          %dma_wait3A_688 = arith.constant 0 : i32
          %dma_wait3A_689 = arith.constant 0 : i32
          %dma_wait3A_690 = arith.constant 0 : i32
          %dma_wait3A_691 = tpu.memref_slice %run_scoped3A_17[%rem3A_643, %dma_wait3A_688, %dma_wait3A_689, %dma_wait3A_690] : memref<2x1x256x128xf32, #tpu.memory_space<vmem>> -> memref<1x1x256x128xf32, #tpu.memory_space<vmem>>
          %dma_wait3A_692 = tpu.memref_squeeze %dma_wait3A_691 : memref<1x1x256x128xf32, #tpu.memory_space<vmem>> -> memref<1x256x128xf32, #tpu.memory_space<vmem>>
          %dma_wait3A_693 = arith.constant 0 : i32
          %dma_wait3A_694 = tpu.memref_slice %arg6[%mul3A_685, %mul3A_687, %dma_wait3A_693] : memref<2x8192x128xf32, #tpu.memory_space<hbm>> -> memref<1x256x128xf32, #tpu.memory_space<hbm>>
          %dma_wait3A_695 = tpu.memref_slice %run_scoped3A_18[%rem3A_643] : memref<2x!tpu.dma_semaphore, #tpu.memory_space<semaphore_mem>> -> memref<1x!tpu.dma_semaphore, #tpu.memory_space<semaphore_mem>>
          %dma_wait3A_696 = tpu.memref_squeeze %dma_wait3A_695 : memref<1x!tpu.dma_semaphore, #tpu.memory_space<semaphore_mem>> -> memref<!tpu.dma_semaphore, #tpu.memory_space<semaphore_mem>>
          %dma_wait3A_697 = arith.constant 0 : i32
          %dma_wait3A_698 = tpu.memref_slice %arg6[%mul3A_685, %mul3A_687, %dma_wait3A_697] : memref<2x8192x128xf32, #tpu.memory_space<hbm>> -> memref<1x256x128xf32, #tpu.memory_space<hbm>>
          %dma_wait3A_699 = arith.constant 0 : i32
          %dma_wait3A_700 = arith.constant 0 : i32
          %dma_wait3A_701 = arith.constant 0 : i32
          %dma_wait3A_702 = tpu.memref_slice %run_scoped3A_17[%rem3A_643, %dma_wait3A_699, %dma_wait3A_700, %dma_wait3A_701] : memref<2x1x256x128xf32, #tpu.memory_space<vmem>> -> memref<1x1x256x128xf32, #tpu.memory_space<vmem>>
          %dma_wait3A_703 = tpu.memref_squeeze %dma_wait3A_702 : memref<1x1x256x128xf32, #tpu.memory_space<vmem>> -> memref<1x256x128xf32, #tpu.memory_space<vmem>>
          tpu.wait_dma2 semaphore(%dma_wait3A_696 : memref<!tpu.dma_semaphore, #tpu.memory_space<semaphore_mem>>) src(%dma_wait3A_703 : memref<1x256x128xf32, #tpu.memory_space<vmem>>) dst(%dma_wait3A_698 : memref<1x256x128xf32, #tpu.memory_space<hbm>>)
          "tpu.trace_stop"() : () -> ()
        } else {
        }
        %and3A_622 = arith.constant true
        %and3A_623 = arith.andi %and3A_618, %and3A_622 : i1
        %add3A_624 = arith.constant 1 : i32
        %add3A_625 = arith.addi %scan3A_172, %add3A_624 : i32
        %select_n3A_626 = arith.select %and3A_623, %add3A_625, %scan3A_172 : i32
        %ne3A_627 = arith.cmpi ne, %add3A_178, %add3A_196 : i32
        %or3A_628 = arith.constant false
        %or3A_629 = arith.ori %or3A_628, %ne3A_627 : i1
        %or3A_630 = arith.ori %or3A_629, %eq3A_177 : i1
        %add3A_631 = arith.constant 1 : i32
        %add3A_632 = arith.addi %scan3A_170, %add3A_631 : i32
        %select_n3A_633 = arith.select %or3A_630, %add3A_632, %scan3A_170 : i32
        %add3A_634 = arith.constant 1 : i32
        %add3A_635 = arith.addi %scan3A_173, %add3A_634 : i32
        %select_n3A_636 = arith.constant true
        %select_n3A_637 = arith.select %select_n3A_636, %add3A_635, %scan3A_173 : i32
        %eq3A_638 = arith.constant 2 : i32
        %eq3A_639 = arith.cmpi eq, %select_n3A_637, %eq3A_638 : i32
        %select_n3A_640 = arith.constant 0 : i32
        %select_n3A_641 = arith.select %eq3A_639, %select_n3A_640, %select_n3A_637 : i32
        scf.yield %select_n3A_216, %select_n3A_633, %select_n3A_517, %select_n3A_626, %select_n3A_641 : i32, i32, i32, i32, i32
      }
      %scan3A_77 = arith.constant 2 : i32
      %sub3A = arith.constant 1 : i32
      %sub3A_78 = arith.subi %scan3A_76#4, %sub3A : i32
      %select_n3A_79 = arith.constant true
      %select_n3A_80 = arith.select %select_n3A_79, %sub3A_78, %scan3A_76#4 : i32
      %eq3A_81 = arith.constant -1 : i32
      %eq3A_82 = arith.cmpi eq, %select_n3A_80, %eq3A_81 : i32
      %select_n3A_83 = arith.constant 1 : i32
      %select_n3A_84 = arith.select %eq3A_82, %select_n3A_83, %select_n3A_80 : i32
      %add3A_85 = arith.addi %select_n3A_84, %mul3A_6 : i32
      %sub3A_86 = arith.constant 1 : i32
      %sub3A_87 = arith.subi %select_n3A_84, %sub3A_86 : i32
      %select_n3A_88 = arith.constant true
      %select_n3A_89 = arith.select %select_n3A_88, %sub3A_87, %select_n3A_84 : i32
      %eq3A_90 = arith.constant -1 : i32
      %eq3A_91 = arith.cmpi eq, %select_n3A_89, %eq3A_90 : i32
      %select_n3A_92 = arith.constant 1 : i32
      %select_n3A_93 = arith.select %eq3A_91, %select_n3A_92, %select_n3A_89 : i32
      %add3A_94 = arith.addi %select_n3A_93, %mul3A_6 : i32
      %add3A_95 = arith.constant 1 : i32
      %add3A_96 = arith.addi %select_n3A_84, %add3A_95 : i32
      %select_n3A_97 = arith.constant true
      %select_n3A_98 = arith.select %select_n3A_97, %add3A_96, %select_n3A_84 : i32
      %eq3A_99 = arith.constant 2 : i32
      %eq3A_100 = arith.cmpi eq, %select_n3A_98, %eq3A_99 : i32
      %select_n3A_101 = arith.constant 0 : i32
      %select_n3A_102 = arith.select %eq3A_100, %select_n3A_101, %select_n3A_98 : i32
      %add3A_103 = arith.addi %select_n3A_102, %mul3A_6 : i32
      %add3A_104 = arith.constant 1 : i32
      %add3A_105 = arith.addi %select_n3A_102, %add3A_104 : i32
      %select_n3A_106 = arith.constant true
      %select_n3A_107 = arith.select %select_n3A_106, %add3A_105, %select_n3A_102 : i32
      %eq3A_108 = arith.constant 2 : i32
      %eq3A_109 = arith.cmpi eq, %select_n3A_107, %eq3A_108 : i32
      %select_n3A_110 = arith.constant 0 : i32
      %select_n3A_111 = arith.select %eq3A_109, %select_n3A_110, %select_n3A_107 : i32
      %add3A_112 = arith.addi %select_n3A_111, %mul3A_6 : i32
      "tpu.trace_start"() <{level = 10 : i32, message = "ep_finalize"}> : () -> ()
      %rem3A_113 = arith.constant 2 : i32
      %rem3A_114 = arith.remui %scan3A_76#3, %rem3A_113 : i32
      %jit3A = arith.constant 32 : i32
      %div3A = arith.divsi %add3A_85, %jit3A : i32
      %sign3A = arith.constant 0 : i32
      %sign3A_115 = arith.cmpi sgt, %add3A_85, %sign3A : i32
      %sign3A_116 = arith.extui %sign3A_115 : i1 to i32
      %sign3A_117 = arith.constant 0 : i32
      %sign3A_118 = arith.cmpi slt, %add3A_85, %sign3A_117 : i32
      %sign3A_119 = arith.extui %sign3A_118 : i1 to i32
      %sign3A_120 = arith.subi %sign3A_116, %sign3A_119 : i32
      %sign3A_121 = arith.constant 0 : i32
      %sign3A_122 = arith.cmpi sgt, %jit3A, %sign3A_121 : i32
      %sign3A_123 = arith.extui %sign3A_122 : i1 to i32
      %sign3A_124 = arith.constant 0 : i32
      %sign3A_125 = arith.cmpi slt, %jit3A, %sign3A_124 : i32
      %sign3A_126 = arith.extui %sign3A_125 : i1 to i32
      %sign3A_127 = arith.subi %sign3A_123, %sign3A_126 : i32
      %ne3A = arith.cmpi ne, %sign3A_120, %sign3A_127 : i32
      %rem3A_128 = arith.remsi %add3A_85, %jit3A : i32
      %ne3A_129 = arith.constant 0 : i32
      %ne3A_130 = arith.cmpi ne, %rem3A_128, %ne3A_129 : i32
      %and3A = arith.andi %ne3A, %ne3A_130 : i1
      %sub3A_131 = arith.constant 1 : i32
      %sub3A_132 = arith.subi %div3A, %sub3A_131 : i32
      %select_n3A_133 = arith.select %and3A, %sub3A_132, %div3A : i32
      %jit3A_134 = arith.constant 32 : i32
      %eq3A_135 = arith.constant 0 : i32
      %eq3A_136 = arith.cmpi eq, %jit3A_134, %eq3A_135 : i32
      %jit3A_137 = arith.constant 1 : i32
      %select_n3A_138 = arith.select %eq3A_136, %jit3A_137, %jit3A_134 : i32
      %rem3A_139 = arith.remsi %add3A_85, %select_n3A_138 : i32
      %ne3A_140 = arith.constant 0 : i32
      %ne3A_141 = arith.cmpi ne, %rem3A_139, %ne3A_140 : i32
      %lt3A = arith.constant 0 : i32
      %lt3A_142 = arith.cmpi slt, %rem3A_139, %lt3A : i32
      %lt3A_143 = arith.constant 0 : i32
      %lt3A_144 = arith.cmpi slt, %select_n3A_138, %lt3A_143 : i32
      %ne3A_145 = arith.xori %lt3A_142, %lt3A_144 : i1
      %and3A_146 = arith.andi %ne3A_145, %ne3A_141 : i1
      %add3A_147 = arith.addi %rem3A_139, %select_n3A_138 : i32
      %select_n3A_148 = arith.select %and3A_146, %add3A_147, %rem3A_139 : i32
      %mul3A_149 = arith.constant 1 : i32
      %mul3A_150 = arith.muli %mul3A_149, %select_n3A_133 : i32
      %mul3A_151 = arith.constant 256 : i32
      %mul3A_152 = arith.muli %mul3A_151, %select_n3A_148 : i32
      %dma_wait3A = arith.constant 0 : i32
      %dma_wait3A_153 = arith.constant 0 : i32
      %dma_wait3A_154 = arith.constant 0 : i32
      %dma_wait3A_155 = tpu.memref_slice %run_scoped3A_17[%rem3A_114, %dma_wait3A, %dma_wait3A_153, %dma_wait3A_154] : memref<2x1x256x128xf32, #tpu.memory_space<vmem>> -> memref<1x1x256x128xf32, #tpu.memory_space<vmem>>
      %dma_wait3A_156 = tpu.memref_squeeze %dma_wait3A_155 : memref<1x1x256x128xf32, #tpu.memory_space<vmem>> -> memref<1x256x128xf32, #tpu.memory_space<vmem>>
      %dma_wait3A_157 = arith.constant 0 : i32
      %dma_wait3A_158 = tpu.memref_slice %arg6[%mul3A_150, %mul3A_152, %dma_wait3A_157] : memref<2x8192x128xf32, #tpu.memory_space<hbm>> -> memref<1x256x128xf32, #tpu.memory_space<hbm>>
      %dma_wait3A_159 = tpu.memref_slice %run_scoped3A_18[%rem3A_114] : memref<2x!tpu.dma_semaphore, #tpu.memory_space<semaphore_mem>> -> memref<1x!tpu.dma_semaphore, #tpu.memory_space<semaphore_mem>>
      %dma_wait3A_160 = tpu.memref_squeeze %dma_wait3A_159 : memref<1x!tpu.dma_semaphore, #tpu.memory_space<semaphore_mem>> -> memref<!tpu.dma_semaphore, #tpu.memory_space<semaphore_mem>>
      %dma_wait3A_161 = arith.constant 0 : i32
      %dma_wait3A_162 = tpu.memref_slice %arg6[%mul3A_150, %mul3A_152, %dma_wait3A_161] : memref<2x8192x128xf32, #tpu.memory_space<hbm>> -> memref<1x256x128xf32, #tpu.memory_space<hbm>>
      %dma_wait3A_163 = arith.constant 0 : i32
      %dma_wait3A_164 = arith.constant 0 : i32
      %dma_wait3A_165 = arith.constant 0 : i32
      %dma_wait3A_166 = tpu.memref_slice %run_scoped3A_17[%rem3A_114, %dma_wait3A_163, %dma_wait3A_164, %dma_wait3A_165] : memref<2x1x256x128xf32, #tpu.memory_space<vmem>> -> memref<1x1x256x128xf32, #tpu.memory_space<vmem>>
      %dma_wait3A_167 = tpu.memref_squeeze %dma_wait3A_166 : memref<1x1x256x128xf32, #tpu.memory_space<vmem>> -> memref<1x256x128xf32, #tpu.memory_space<vmem>>
      tpu.wait_dma2 semaphore(%dma_wait3A_160 : memref<!tpu.dma_semaphore, #tpu.memory_space<semaphore_mem>>) src(%dma_wait3A_167 : memref<1x256x128xf32, #tpu.memory_space<vmem>>) dst(%dma_wait3A_162 : memref<1x256x128xf32, #tpu.memory_space<hbm>>)
      "tpu.trace_stop"() : () -> ()
      tpu.yield
    }) : () -> ()
    %mul3A_7 = arith.constant 1 : i32
    %mul3A_8 = arith.muli %arg1, %mul3A_7 : i32
    %add3A_9 = arith.constant 0 : i32
    %add3A_10 = arith.addi %add3A_9, %mul3A_8 : i32
    %mul3A_11 = arith.constant 16 : i32
    %mul3A_12 = arith.muli %arg0, %mul3A_11 : i32
    %add3A_13 = arith.addi %add3A_10, %mul3A_12 : i32
    %mul3A_14 = arith.constant 1 : i32
    %mul3A_15 = arith.muli %add3A_13, %mul3A_14 : i32
    "tpu.region"() ({
      %run_scoped3A = memref.alloca() : memref<2x1x256xi32, #tpu.memory_space<vmem>>
      %run_scoped3A_16 = tpu.sem_alloc : memref<2x!tpu.dma_semaphore, #tpu.memory_space<semaphore_mem>>
      %run_scoped3A_17 = memref.alloca() : memref<2x256x128xf32, #tpu.memory_space<vmem>>
      %run_scoped3A_18 = tpu.sem_alloc : memref<2x!tpu.dma_semaphore, #tpu.memory_space<semaphore_mem>>
      %add3A_19 = arith.constant 0 : i32
      %add3A_20 = arith.addi %add3A_19, %mul3A_15 : i32
      %select_n3A = arith.constant true
      %select_n3A_21 = arith.constant 0 : i32
      %select_n3A_22 = arith.constant -1 : i32
      %select_n3A_23 = arith.select %select_n3A, %select_n3A_22, %select_n3A_21 : i32
      %eq3A = arith.constant -1 : i32
      %eq3A_24 = arith.cmpi eq, %select_n3A_23, %eq3A : i32
      %select_n3A_25 = arith.constant 0 : i32
      %select_n3A_26 = arith.select %eq3A_24, %select_n3A_25, %select_n3A_23 : i32
      %add3A_27 = arith.constant 0 : i32
      %add3A_28 = arith.addi %add3A_27, %mul3A_15 : i32
      %select_n3A_29 = arith.constant true
      %select_n3A_30 = arith.constant 0 : i32
      %select_n3A_31 = arith.constant 1 : i32
      %select_n3A_32 = arith.select %select_n3A_29, %select_n3A_31, %select_n3A_30 : i32
      %eq3A_33 = arith.constant 1 : i32
      %eq3A_34 = arith.cmpi eq, %select_n3A_32, %eq3A_33 : i32
      %select_n3A_35 = arith.constant 0 : i32
      %select_n3A_36 = arith.select %eq3A_34, %select_n3A_35, %select_n3A_32 : i32
      %add3A_37 = arith.constant 0 : i32
      %add3A_38 = arith.addi %add3A_37, %mul3A_15 : i32
      %select_n3A_39 = arith.constant true
      %select_n3A_40 = arith.constant 0 : i32
      %select_n3A_41 = arith.constant 1 : i32
      %select_n3A_42 = arith.select %select_n3A_39, %select_n3A_41, %select_n3A_40 : i32
      %eq3A_43 = arith.constant 1 : i32
      %eq3A_44 = arith.cmpi eq, %select_n3A_42, %eq3A_43 : i32
      %select_n3A_45 = arith.constant 0 : i32
      %select_n3A_46 = arith.select %eq3A_44, %select_n3A_45, %select_n3A_42 : i32
      %add3A_47 = arith.constant 0 : i32
      %add3A_48 = arith.addi %add3A_47, %mul3A_15 : i32
      "tpu.trace_start"() <{level = 10 : i32, message = "ep_initialize_0"}> : () -> ()
      %rem3A = arith.constant 0 : i32
      %rem3A_49 = arith.constant 2 : i32
      %rem3A_50 = arith.remui %rem3A, %rem3A_49 : i32
      %mul3A_51 = arith.constant 256 : i32
      %mul3A_52 = arith.muli %mul3A_51, %add3A_20 : i32
      %dma_start3A = arith.constant 0 : i32
      %dma_start3A_53 = arith.constant 0 : i32
      %dma_start3A_54 = tpu.memref_slice %run_scoped3A[%rem3A_50, %dma_start3A, %dma_start3A_53] : memref<2x1x256xi32, #tpu.memory_space<vmem>> -> memref<1x1x256xi32, #tpu.memory_space<vmem>>
      %dma_start3A_55 = tpu.memref_squeeze %dma_start3A_54 : memref<1x1x256xi32, #tpu.memory_space<vmem>> -> memref<1x256xi32, #tpu.memory_space<vmem>>
      %dma_start3A_56 = arith.constant 0 : i32
      %dma_start3A_57 = tpu.memref_slice %arg5[%dma_start3A_56, %mul3A_52] : memref<1x8192xi32, #tpu.memory_space<hbm>> -> memref<1x256xi32, #tpu.memory_space<hbm>>
      %dma_start3A_58 = tpu.memref_slice %run_scoped3A_16[%rem3A_50] : memref<2x!tpu.dma_semaphore, #tpu.memory_space<semaphore_mem>> -> memref<1x!tpu.dma_semaphore, #tpu.memory_space<semaphore_mem>>
      %dma_start3A_59 = tpu.memref_squeeze %dma_start3A_58 : memref<1x!tpu.dma_semaphore, #tpu.memory_space<semaphore_mem>> -> memref<!tpu.dma_semaphore, #tpu.memory_space<semaphore_mem>>
      %dma_start3A_60 = arith.constant 0 : i32
      %dma_start3A_61 = arith.constant 0 : i32
      %dma_start3A_62 = tpu.memref_slice %run_scoped3A[%rem3A_50, %dma_start3A_60, %dma_start3A_61] : memref<2x1x256xi32, #tpu.memory_space<vmem>> -> memref<1x1x256xi32, #tpu.memory_space<vmem>>
      %dma_start3A_63 = tpu.memref_squeeze %dma_start3A_62 : memref<1x1x256xi32, #tpu.memory_space<vmem>> -> memref<1x256xi32, #tpu.memory_space<vmem>>
      %dma_start3A_64 = arith.constant 0 : i32
      %dma_start3A_65 = tpu.memref_slice %arg5[%dma_start3A_64, %mul3A_52] : memref<1x8192xi32, #tpu.memory_space<hbm>> -> memref<1x256xi32, #tpu.memory_space<hbm>>
      tpu.enqueue_dma source(%dma_start3A_65 : memref<1x256xi32, #tpu.memory_space<hbm>>) target(%dma_start3A_63 : memref<1x256xi32, #tpu.memory_space<vmem>>) target_semaphore(%dma_start3A_59 : memref<!tpu.dma_semaphore, #tpu.memory_space<semaphore_mem>>)
      %add3A_66 = arith.constant 0 : i32
      %add3A_67 = arith.constant 1 : i32
      %add3A_68 = arith.addi %add3A_66, %add3A_67 : i32
      %select_n3A_69 = arith.constant true
      %select_n3A_70 = arith.constant 0 : i32
      %select_n3A_71 = arith.select %select_n3A_69, %add3A_68, %select_n3A_70 : i32
      "tpu.trace_stop"() : () -> ()
      %scan3A = arith.constant 0 : i32
      %scan3A_72 = arith.constant 0 : i32
      %scan3A_73 = arith.constant 0 : i32
      %scan3A_74 = arith.constant 0 : i32
      %scan3A_75 = arith.constant 0 : i32
      %eq3A_76 = arith.constant 0 : i32
      %eq3A_77 = arith.cmpi eq, %scan3A_75, %eq3A_76 : i32
      %eq3A_78 = arith.constant 0 : i32
      %eq3A_79 = arith.cmpi eq, %scan3A_75, %eq3A_78 : i32
      %add3A_80 = arith.constant 0 : i32
      %add3A_81 = arith.addi %add3A_80, %mul3A_15 : i32
      %select_n3A_82 = arith.constant true
      %select_n3A_83 = arith.constant 0 : i32
      %select_n3A_84 = arith.constant -1 : i32
      %select_n3A_85 = arith.select %select_n3A_82, %select_n3A_84, %select_n3A_83 : i32
      %eq3A_86 = arith.constant -1 : i32
      %eq3A_87 = arith.cmpi eq, %select_n3A_85, %eq3A_86 : i32
      %select_n3A_88 = arith.constant 0 : i32
      %select_n3A_89 = arith.select %eq3A_87, %select_n3A_88, %select_n3A_85 : i32
      %add3A_90 = arith.constant 0 : i32
      %add3A_91 = arith.addi %add3A_90, %mul3A_15 : i32
      %select_n3A_92 = arith.constant true
      %select_n3A_93 = arith.constant 0 : i32
      %select_n3A_94 = arith.constant 1 : i32
      %select_n3A_95 = arith.select %select_n3A_92, %select_n3A_94, %select_n3A_93 : i32
      %eq3A_96 = arith.constant 1 : i32
      %eq3A_97 = arith.cmpi eq, %select_n3A_95, %eq3A_96 : i32
      %select_n3A_98 = arith.constant 0 : i32
      %select_n3A_99 = arith.select %eq3A_97, %select_n3A_98, %select_n3A_95 : i32
      %add3A_100 = arith.constant 0 : i32
      %add3A_101 = arith.addi %add3A_100, %mul3A_15 : i32
      %select_n3A_102 = arith.constant true
      %select_n3A_103 = arith.constant 0 : i32
      %select_n3A_104 = arith.constant 1 : i32
      %select_n3A_105 = arith.select %select_n3A_102, %select_n3A_104, %select_n3A_103 : i32
      %eq3A_106 = arith.constant 1 : i32
      %eq3A_107 = arith.cmpi eq, %select_n3A_105, %eq3A_106 : i32
      %select_n3A_108 = arith.constant 0 : i32
      %select_n3A_109 = arith.select %eq3A_107, %select_n3A_108, %select_n3A_105 : i32
      %add3A_110 = arith.constant 0 : i32
      %add3A_111 = arith.addi %add3A_110, %mul3A_15 : i32
      %ne3A = arith.cmpi ne, %add3A_81, %add3A_101 : i32
      %or3A = arith.constant false
      %or3A_112 = arith.ori %or3A, %ne3A : i1
      %ge3A = arith.constant 0 : i32
      %ge3A_113 = arith.cmpi sge, %scan3A_75, %ge3A : i32
      %not3A = arith.constant true
      %not3A_114 = arith.xori %ge3A_113, %not3A : i1
      %and3A = arith.andi %or3A_112, %not3A_114 : i1
      %convert_element_type3A = arith.extui %and3A : i1 to i32
      %cond3A = arith.constant 0 : i32
      %cond3A_115 = arith.cmpi ne, %convert_element_type3A, %cond3A : i32
      scf.if %cond3A_115 {
        "tpu.trace_start"() <{level = 10 : i32, message = "ep_copy_in"}> : () -> ()
        %rem3A_275 = arith.constant 2 : i32
        %rem3A_276 = arith.remui %select_n3A_71, %rem3A_275 : i32
        %mul3A_277 = arith.constant 256 : i32
        %mul3A_278 = arith.muli %mul3A_277, %add3A_101 : i32
        %dma_start3A_279 = arith.constant 0 : i32
        %dma_start3A_280 = arith.constant 0 : i32
        %dma_start3A_281 = tpu.memref_slice %run_scoped3A[%rem3A_276, %dma_start3A_279, %dma_start3A_280] : memref<2x1x256xi32, #tpu.memory_space<vmem>> -> memref<1x1x256xi32, #tpu.memory_space<vmem>>
        %dma_start3A_282 = tpu.memref_squeeze %dma_start3A_281 : memref<1x1x256xi32, #tpu.memory_space<vmem>> -> memref<1x256xi32, #tpu.memory_space<vmem>>
        %dma_start3A_283 = arith.constant 0 : i32
        %dma_start3A_284 = tpu.memref_slice %arg5[%dma_start3A_283, %mul3A_278] : memref<1x8192xi32, #tpu.memory_space<hbm>> -> memref<1x256xi32, #tpu.memory_space<hbm>>
        %dma_start3A_285 = tpu.memref_slice %run_scoped3A_16[%rem3A_276] : memref<2x!tpu.dma_semaphore, #tpu.memory_space<semaphore_mem>> -> memref<1x!tpu.dma_semaphore, #tpu.memory_space<semaphore_mem>>
        %dma_start3A_286 = tpu.memref_squeeze %dma_start3A_285 : memref<1x!tpu.dma_semaphore, #tpu.memory_space<semaphore_mem>> -> memref<!tpu.dma_semaphore, #tpu.memory_space<semaphore_mem>>
        %dma_start3A_287 = arith.constant 0 : i32
        %dma_start3A_288 = arith.constant 0 : i32
        %dma_start3A_289 = tpu.memref_slice %run_scoped3A[%rem3A_276, %dma_start3A_287, %dma_start3A_288] : memref<2x1x256xi32, #tpu.memory_space<vmem>> -> memref<1x1x256xi32, #tpu.memory_space<vmem>>
        %dma_start3A_290 = tpu.memref_squeeze %dma_start3A_289 : memref<1x1x256xi32, #tpu.memory_space<vmem>> -> memref<1x256xi32, #tpu.memory_space<vmem>>
        %dma_start3A_291 = arith.constant 0 : i32
        %dma_start3A_292 = tpu.memref_slice %arg5[%dma_start3A_291, %mul3A_278] : memref<1x8192xi32, #tpu.memory_space<hbm>> -> memref<1x256xi32, #tpu.memory_space<hbm>>
        tpu.enqueue_dma source(%dma_start3A_292 : memref<1x256xi32, #tpu.memory_space<hbm>>) target(%dma_start3A_290 : memref<1x256xi32, #tpu.memory_space<vmem>>) target_semaphore(%dma_start3A_286 : memref<!tpu.dma_semaphore, #tpu.memory_space<semaphore_mem>>)
        "tpu.trace_stop"() : () -> ()
      } else {
      }
      %and3A_116 = arith.constant true
      %and3A_117 = arith.andi %and3A, %and3A_116 : i1
      %add3A_118 = arith.constant 1 : i32
      %add3A_119 = arith.addi %select_n3A_71, %add3A_118 : i32
      %select_n3A_120 = arith.select %and3A_117, %add3A_119, %select_n3A_71 : i32
      %ne3A_121 = arith.cmpi ne, %add3A_81, %add3A_101 : i32
      %or3A_122 = arith.constant false
      %or3A_123 = arith.ori %or3A_122, %ne3A_121 : i1
      %or3A_124 = arith.constant false
      %or3A_125 = arith.ori %or3A_123, %or3A_124 : i1
      %ge3A_126 = arith.constant 0 : i32
      %ge3A_127 = arith.cmpi sge, %scan3A_75, %ge3A_126 : i32
      %not3A_128 = arith.constant true
      %not3A_129 = arith.xori %ge3A_127, %not3A_128 : i1
      %and3A_130 = arith.andi %or3A_125, %not3A_129 : i1
      %ne3A_131 = arith.cmpi ne, %add3A_81, %add3A_91 : i32
      %or3A_132 = arith.constant false
      %or3A_133 = arith.ori %or3A_132, %ne3A_131 : i1
      %or3A_134 = arith.ori %or3A_133, %eq3A_77 : i1
      %convert_element_type3A_135 = arith.extui %or3A_134 : i1 to i32
      %cond3A_136 = arith.constant 0 : i32
      %cond3A_137 = arith.cmpi ne, %convert_element_type3A_135, %cond3A_136 : i32
      scf.if %cond3A_137 {
        "tpu.trace_start"() <{level = 10 : i32, message = "ep_wait_in"}> : () -> ()
        %mul3A_275 = arith.constant 256 : i32
        %mul3A_276 = arith.muli %mul3A_275, %add3A_81 : i32
        %rem3A_277 = arith.constant 2 : i32
        %rem3A_278 = arith.remui %scan3A, %rem3A_277 : i32
        %dma_wait3A_279 = arith.constant 0 : i32
        %dma_wait3A_280 = arith.constant 0 : i32
        %dma_wait3A_281 = tpu.memref_slice %run_scoped3A[%rem3A_278, %dma_wait3A_279, %dma_wait3A_280] : memref<2x1x256xi32, #tpu.memory_space<vmem>> -> memref<1x1x256xi32, #tpu.memory_space<vmem>>
        %dma_wait3A_282 = tpu.memref_squeeze %dma_wait3A_281 : memref<1x1x256xi32, #tpu.memory_space<vmem>> -> memref<1x256xi32, #tpu.memory_space<vmem>>
        %dma_wait3A_283 = arith.constant 0 : i32
        %dma_wait3A_284 = tpu.memref_slice %arg5[%dma_wait3A_283, %mul3A_276] : memref<1x8192xi32, #tpu.memory_space<hbm>> -> memref<1x256xi32, #tpu.memory_space<hbm>>
        %dma_wait3A_285 = tpu.memref_slice %run_scoped3A_16[%rem3A_278] : memref<2x!tpu.dma_semaphore, #tpu.memory_space<semaphore_mem>> -> memref<1x!tpu.dma_semaphore, #tpu.memory_space<semaphore_mem>>
        %dma_wait3A_286 = tpu.memref_squeeze %dma_wait3A_285 : memref<1x!tpu.dma_semaphore, #tpu.memory_space<semaphore_mem>> -> memref<!tpu.dma_semaphore, #tpu.memory_space<semaphore_mem>>
        %dma_wait3A_287 = arith.constant 0 : i32
        %dma_wait3A_288 = arith.constant 0 : i32
        %dma_wait3A_289 = tpu.memref_slice %run_scoped3A[%rem3A_278, %dma_wait3A_287, %dma_wait3A_288] : memref<2x1x256xi32, #tpu.memory_space<vmem>> -> memref<1x1x256xi32, #tpu.memory_space<vmem>>
        %dma_wait3A_290 = tpu.memref_squeeze %dma_wait3A_289 : memref<1x1x256xi32, #tpu.memory_space<vmem>> -> memref<1x256xi32, #tpu.memory_space<vmem>>
        %dma_wait3A_291 = arith.constant 0 : i32
        %dma_wait3A_292 = tpu.memref_slice %arg5[%dma_wait3A_291, %mul3A_276] : memref<1x8192xi32, #tpu.memory_space<hbm>> -> memref<1x256xi32, #tpu.memory_space<hbm>>
        tpu.wait_dma2 semaphore(%dma_wait3A_286 : memref<!tpu.dma_semaphore, #tpu.memory_space<semaphore_mem>>) src(%dma_wait3A_292 : memref<1x256xi32, #tpu.memory_space<hbm>>) dst(%dma_wait3A_290 : memref<1x256xi32, #tpu.memory_space<vmem>>)
        "tpu.trace_stop"() : () -> ()
      } else {
      }
      %ne3A_138 = arith.cmpi ne, %add3A_81, %add3A_91 : i32
      %or3A_139 = arith.constant false
      %or3A_140 = arith.ori %or3A_139, %ne3A_138 : i1
      %or3A_141 = arith.constant false
      %or3A_142 = arith.ori %or3A_140, %or3A_141 : i1
      %or3A_143 = arith.ori %or3A_142, %eq3A_77 : i1
      %convert_element_type3A_144 = arith.extui %or3A_143 : i1 to i32
      %cond3A_145 = arith.constant 0 : i32
      %cond3A_146 = arith.cmpi ne, %convert_element_type3A_144, %cond3A_145 : i32
      scf.if %cond3A_146 {
      } else {
      }
      %rem3A_147 = arith.constant 2 : i32
      %rem3A_148 = arith.remui %scan3A, %rem3A_147 : i32
      %rem3A_149 = arith.constant 2 : i32
      %rem3A_150 = arith.remui %scan3A_72, %rem3A_149 : i32
      %run_scoped3A_151 = arith.constant 0 : i32
      "tpu.trace_start"() <{level = 10 : i32, message = "ep_run_kernel"}> : () -> ()
      "tpu.region"() ({
        %run_scoped3A_275 = tpu.sem_alloc : memref<!tpu.dma_semaphore, #tpu.memory_space<semaphore_mem>>
        %dma_start3A_276 = arith.constant 0 : i32
        %dma_start3A_277 = arith.constant 0 : i32
        %dma_start3A_278 = tpu.memref_slice %run_scoped3A_17[%rem3A_150, %dma_start3A_276, %dma_start3A_277] : memref<2x256x128xf32, #tpu.memory_space<vmem>> -> memref<1x256x128xf32, #tpu.memory_space<vmem>>
        %dma_start3A_279 = tpu.memref_squeeze %dma_start3A_278 : memref<1x256x128xf32, #tpu.memory_space<vmem>> -> memref<256x128xf32, #tpu.memory_space<vmem>>
        %dma_start3A_280 = arith.constant 0 : i32
        %dma_start3A_281 = arith.constant 0 : i32
        %dma_start3A_282 = tpu.memref_slice %run_scoped3A[%rem3A_148, %dma_start3A_280, %dma_start3A_281] : memref<2x1x256xi32, #tpu.memory_space<vmem>> -> memref<1x1x256xi32, #tpu.memory_space<vmem>>
        %dma_start3A_283 = tpu.memref_squeeze %dma_start3A_282 : memref<1x1x256xi32, #tpu.memory_space<vmem>> -> memref<1x256xi32, #tpu.memory_space<vmem>>
        %dma_start3A_284 = arith.constant 0 : i32
        %dma_start3A_285 = tpu.memref_slice %dma_start3A_283[%run_scoped3A_151, %dma_start3A_284] : memref<1x256xi32, #tpu.memory_space<vmem>> -> memref<1x256xi32, #tpu.memory_space<vmem>>
        %dma_start3A_286 = tpu.memref_squeeze %dma_start3A_285 : memref<1x256xi32, #tpu.memory_space<vmem>> -> memref<256xi32, #tpu.memory_space<vmem>>
        %dma_start3A_287 = arith.constant 0 : i32
        %dma_start3A_288 = arith.constant 0 : i32
        %dma_start3A_289 = tpu.memref_slice %arg3[%dma_start3A_287, %dma_start3A_288] : memref<1000x128xf32, #tpu.memory_space<hbm>> -> memref<1000x128xf32, #tpu.memory_space<hbm>>
        tpu.enqueue_indirect_dma source(%dma_start3A_289 : memref<1000x128xf32, #tpu.memory_space<hbm>>) target(%dma_start3A_279 : memref<256x128xf32, #tpu.memory_space<vmem>>) offsets(%dma_start3A_286 : memref<256xi32, #tpu.memory_space<vmem>>) semaphore(%run_scoped3A_275 : memref<!tpu.dma_semaphore, #tpu.memory_space<semaphore_mem>>)
        %dma_wait3A_290 = arith.constant 0 : i32
        %dma_wait3A_291 = arith.constant 0 : i32
        %dma_wait3A_292 = tpu.memref_slice %run_scoped3A_17[%rem3A_150, %dma_wait3A_290, %dma_wait3A_291] : memref<2x256x128xf32, #tpu.memory_space<vmem>> -> memref<1x256x128xf32, #tpu.memory_space<vmem>>
        %dma_wait3A_293 = tpu.memref_squeeze %dma_wait3A_292 : memref<1x256x128xf32, #tpu.memory_space<vmem>> -> memref<256x128xf32, #tpu.memory_space<vmem>>
        %dma_wait3A_294 = arith.constant 0 : i32
        %dma_wait3A_295 = arith.constant 0 : i32
        %dma_wait3A_296 = tpu.memref_slice %run_scoped3A[%rem3A_148, %dma_wait3A_294, %dma_wait3A_295] : memref<2x1x256xi32, #tpu.memory_space<vmem>> -> memref<1x1x256xi32, #tpu.memory_space<vmem>>
        %dma_wait3A_297 = tpu.memref_squeeze %dma_wait3A_296 : memref<1x1x256xi32, #tpu.memory_space<vmem>> -> memref<1x256xi32, #tpu.memory_space<vmem>>
        %dma_wait3A_298 = arith.constant 0 : i32
        %dma_wait3A_299 = tpu.memref_slice %dma_wait3A_297[%run_scoped3A_151, %dma_wait3A_298] : memref<1x256xi32, #tpu.memory_space<vmem>> -> memref<1x256xi32, #tpu.memory_space<vmem>>
        %dma_wait3A_300 = tpu.memref_squeeze %dma_wait3A_299 : memref<1x256xi32, #tpu.memory_space<vmem>> -> memref<256xi32, #tpu.memory_space<vmem>>
        %dma_wait3A_301 = arith.constant 0 : i32
        %dma_wait3A_302 = arith.constant 0 : i32
        %dma_wait3A_303 = tpu.memref_slice %arg3[%dma_wait3A_301, %dma_wait3A_302] : memref<1000x128xf32, #tpu.memory_space<hbm>> -> memref<1000x128xf32, #tpu.memory_space<hbm>>
        tpu.wait_indirect_dma semaphore(%run_scoped3A_275 : memref<!tpu.dma_semaphore, #tpu.memory_space<semaphore_mem>>) src(%dma_wait3A_303 : memref<1000x128xf32, #tpu.memory_space<hbm>>) dst(%dma_wait3A_293 : memref<256x128xf32, #tpu.memory_space<vmem>>)
        tpu.yield
      }) : () -> ()
      "tpu.trace_stop"() : () -> ()
      %ne3A_152 = arith.cmpi ne, %add3A_81, %add3A_101 : i32
      %or3A_153 = arith.constant false
      %or3A_154 = arith.ori %or3A_153, %ne3A_152 : i1
      %or3A_155 = arith.ori %or3A_154, %eq3A_79 : i1
      %convert_element_type3A_156 = arith.extui %or3A_155 : i1 to i32
      %cond3A_157 = arith.constant 0 : i32
      %cond3A_158 = arith.cmpi ne, %convert_element_type3A_156, %cond3A_157 : i32
      scf.if %cond3A_158 {
      } else {
      }
      %and3A_159 = arith.constant false
      %and3A_160 = arith.andi %or3A_155, %and3A_159 : i1
      %ne3A_161 = arith.cmpi ne, %add3A_81, %add3A_101 : i32
      %or3A_162 = arith.constant false
      %or3A_163 = arith.ori %or3A_162, %ne3A_161 : i1
      %or3A_164 = arith.constant false
      %or3A_165 = arith.ori %or3A_163, %or3A_164 : i1
      %or3A_166 = arith.ori %or3A_165, %eq3A_79 : i1
      %convert_element_type3A_167 = arith.extui %or3A_166 : i1 to i32
      %cond3A_168 = arith.constant 0 : i32
      %cond3A_169 = arith.cmpi ne, %convert_element_type3A_167, %cond3A_168 : i32
      scf.if %cond3A_169 {
        "tpu.trace_start"() <{level = 10 : i32, message = "ep_copy_out"}> : () -> ()
        %rem3A_275 = arith.constant 2 : i32
        %rem3A_276 = arith.remui %scan3A_72, %rem3A_275 : i32
        %mul3A_277 = arith.constant 256 : i32
        %mul3A_278 = arith.muli %mul3A_277, %add3A_81 : i32
        %dma_start3A_279 = arith.constant 0 : i32
        %dma_start3A_280 = arith.constant 0 : i32
        %dma_start3A_281 = tpu.memref_slice %run_scoped3A_17[%rem3A_276, %dma_start3A_279, %dma_start3A_280] : memref<2x256x128xf32, #tpu.memory_space<vmem>> -> memref<1x256x128xf32, #tpu.memory_space<vmem>>
        %dma_start3A_282 = tpu.memref_squeeze %dma_start3A_281 : memref<1x256x128xf32, #tpu.memory_space<vmem>> -> memref<256x128xf32, #tpu.memory_space<vmem>>
        %dma_start3A_283 = arith.constant 0 : i32
        %dma_start3A_284 = tpu.memref_slice %arg7[%mul3A_278, %dma_start3A_283] : memref<8192x128xf32, #tpu.memory_space<hbm>> -> memref<256x128xf32, #tpu.memory_space<hbm>>
        %dma_start3A_285 = tpu.memref_slice %run_scoped3A_18[%rem3A_276] : memref<2x!tpu.dma_semaphore, #tpu.memory_space<semaphore_mem>> -> memref<1x!tpu.dma_semaphore, #tpu.memory_space<semaphore_mem>>
        %dma_start3A_286 = tpu.memref_squeeze %dma_start3A_285 : memref<1x!tpu.dma_semaphore, #tpu.memory_space<semaphore_mem>> -> memref<!tpu.dma_semaphore, #tpu.memory_space<semaphore_mem>>
        %dma_start3A_287 = arith.constant 0 : i32
        %dma_start3A_288 = tpu.memref_slice %arg7[%mul3A_278, %dma_start3A_287] : memref<8192x128xf32, #tpu.memory_space<hbm>> -> memref<256x128xf32, #tpu.memory_space<hbm>>
        %dma_start3A_289 = arith.constant 0 : i32
        %dma_start3A_290 = arith.constant 0 : i32
        %dma_start3A_291 = tpu.memref_slice %run_scoped3A_17[%rem3A_276, %dma_start3A_289, %dma_start3A_290] : memref<2x256x128xf32, #tpu.memory_space<vmem>> -> memref<1x256x128xf32, #tpu.memory_space<vmem>>
        %dma_start3A_292 = tpu.memref_squeeze %dma_start3A_291 : memref<1x256x128xf32, #tpu.memory_space<vmem>> -> memref<256x128xf32, #tpu.memory_space<vmem>>
        tpu.enqueue_dma source(%dma_start3A_292 : memref<256x128xf32, #tpu.memory_space<vmem>>) target(%dma_start3A_288 : memref<256x128xf32, #tpu.memory_space<hbm>>) target_semaphore(%dma_start3A_286 : memref<!tpu.dma_semaphore, #tpu.memory_space<semaphore_mem>>)
        "tpu.trace_stop"() : () -> ()
      } else {
      }
      %and3A_170 = arith.constant true
      %and3A_171 = arith.andi %or3A_166, %and3A_170 : i1
      %add3A_172 = arith.constant 1 : i32
      %add3A_173 = arith.addi %scan3A_72, %add3A_172 : i32
      %select_n3A_174 = arith.select %and3A_171, %add3A_173, %scan3A_72 : i32
      %ne3A_175 = arith.cmpi ne, %add3A_81, %add3A_91 : i32
      %or3A_176 = arith.constant false
      %or3A_177 = arith.ori %or3A_176, %ne3A_175 : i1
      %not3A_178 = arith.constant true
      %not3A_179 = arith.xori %eq3A_77, %not3A_178 : i1
      %and3A_180 = arith.andi %or3A_177, %not3A_179 : i1
      %convert_element_type3A_181 = arith.extui %and3A_180 : i1 to i32
      %cond3A_182 = arith.constant 0 : i32
      %cond3A_183 = arith.cmpi ne, %convert_element_type3A_181, %cond3A_182 : i32
      scf.if %cond3A_183 {
      } else {
      }
      %and3A_184 = arith.constant false
      %and3A_185 = arith.andi %and3A_180, %and3A_184 : i1
      %ne3A_186 = arith.cmpi ne, %add3A_81, %add3A_91 : i32
      %or3A_187 = arith.constant false
      %or3A_188 = arith.ori %or3A_187, %ne3A_186 : i1
      %or3A_189 = arith.constant false
      %or3A_190 = arith.ori %or3A_188, %or3A_189 : i1
      %not3A_191 = arith.constant true
      %not3A_192 = arith.xori %eq3A_77, %not3A_191 : i1
      %and3A_193 = arith.andi %or3A_190, %not3A_192 : i1
      %convert_element_type3A_194 = arith.extui %and3A_193 : i1 to i32
      %cond3A_195 = arith.constant 0 : i32
      %cond3A_196 = arith.cmpi ne, %convert_element_type3A_194, %cond3A_195 : i32
      scf.if %cond3A_196 {
        "tpu.trace_start"() <{level = 10 : i32, message = "ep_wait_out"}> : () -> ()
        %rem3A_275 = arith.constant 2 : i32
        %rem3A_276 = arith.remui %scan3A_73, %rem3A_275 : i32
        %mul3A_277 = arith.constant 256 : i32
        %mul3A_278 = arith.muli %mul3A_277, %add3A_91 : i32
        %dma_wait3A_279 = arith.constant 0 : i32
        %dma_wait3A_280 = arith.constant 0 : i32
        %dma_wait3A_281 = tpu.memref_slice %run_scoped3A_17[%rem3A_276, %dma_wait3A_279, %dma_wait3A_280] : memref<2x256x128xf32, #tpu.memory_space<vmem>> -> memref<1x256x128xf32, #tpu.memory_space<vmem>>
        %dma_wait3A_282 = tpu.memref_squeeze %dma_wait3A_281 : memref<1x256x128xf32, #tpu.memory_space<vmem>> -> memref<256x128xf32, #tpu.memory_space<vmem>>
        %dma_wait3A_283 = arith.constant 0 : i32
        %dma_wait3A_284 = tpu.memref_slice %arg7[%mul3A_278, %dma_wait3A_283] : memref<8192x128xf32, #tpu.memory_space<hbm>> -> memref<256x128xf32, #tpu.memory_space<hbm>>
        %dma_wait3A_285 = tpu.memref_slice %run_scoped3A_18[%rem3A_276] : memref<2x!tpu.dma_semaphore, #tpu.memory_space<semaphore_mem>> -> memref<1x!tpu.dma_semaphore, #tpu.memory_space<semaphore_mem>>
        %dma_wait3A_286 = tpu.memref_squeeze %dma_wait3A_285 : memref<1x!tpu.dma_semaphore, #tpu.memory_space<semaphore_mem>> -> memref<!tpu.dma_semaphore, #tpu.memory_space<semaphore_mem>>
        %dma_wait3A_287 = arith.constant 0 : i32
        %dma_wait3A_288 = tpu.memref_slice %arg7[%mul3A_278, %dma_wait3A_287] : memref<8192x128xf32, #tpu.memory_space<hbm>> -> memref<256x128xf32, #tpu.memory_space<hbm>>
        %dma_wait3A_289 = arith.constant 0 : i32
        %dma_wait3A_290 = arith.constant 0 : i32
        %dma_wait3A_291 = tpu.memref_slice %run_scoped3A_17[%rem3A_276, %dma_wait3A_289, %dma_wait3A_290] : memref<2x256x128xf32, #tpu.memory_space<vmem>> -> memref<1x256x128xf32, #tpu.memory_space<vmem>>
        %dma_wait3A_292 = tpu.memref_squeeze %dma_wait3A_291 : memref<1x256x128xf32, #tpu.memory_space<vmem>> -> memref<256x128xf32, #tpu.memory_space<vmem>>
        tpu.wait_dma2 semaphore(%dma_wait3A_286 : memref<!tpu.dma_semaphore, #tpu.memory_space<semaphore_mem>>) src(%dma_wait3A_292 : memref<256x128xf32, #tpu.memory_space<vmem>>) dst(%dma_wait3A_288 : memref<256x128xf32, #tpu.memory_space<hbm>>)
        "tpu.trace_stop"() : () -> ()
      } else {
      }
      %and3A_197 = arith.constant true
      %and3A_198 = arith.andi %and3A_193, %and3A_197 : i1
      %add3A_199 = arith.constant 1 : i32
      %add3A_200 = arith.addi %scan3A_73, %add3A_199 : i32
      %select_n3A_201 = arith.select %and3A_198, %add3A_200, %scan3A_73 : i32
      %ne3A_202 = arith.cmpi ne, %add3A_81, %add3A_101 : i32
      %or3A_203 = arith.constant false
      %or3A_204 = arith.ori %or3A_203, %ne3A_202 : i1
      %or3A_205 = arith.ori %or3A_204, %eq3A_79 : i1
      %add3A_206 = arith.constant 1 : i32
      %add3A_207 = arith.addi %scan3A, %add3A_206 : i32
      %select_n3A_208 = arith.select %or3A_205, %add3A_207, %scan3A : i32
      %select_n3A_209 = arith.constant true
      %select_n3A_210 = arith.constant 0 : i32
      %select_n3A_211 = arith.constant 1 : i32
      %select_n3A_212 = arith.select %select_n3A_209, %select_n3A_211, %select_n3A_210 : i32
      %eq3A_213 = arith.constant 1 : i32
      %eq3A_214 = arith.cmpi eq, %select_n3A_212, %eq3A_213 : i32
      %select_n3A_215 = arith.constant 0 : i32
      %select_n3A_216 = arith.select %eq3A_214, %select_n3A_215, %select_n3A_212 : i32
      %scan3A_217 = arith.constant 0 : i32
      %scan3A_218 = arith.constant 1 : i32
      %sub3A = arith.constant 1 : i32
      %sub3A_219 = arith.subi %scan3A_217, %sub3A : i32
      %select_n3A_220 = arith.constant true
      %select_n3A_221 = arith.select %select_n3A_220, %sub3A_219, %scan3A_217 : i32
      %eq3A_222 = arith.constant -1 : i32
      %eq3A_223 = arith.cmpi eq, %select_n3A_221, %eq3A_222 : i32
      %select_n3A_224 = arith.constant 0 : i32
      %select_n3A_225 = arith.select %eq3A_223, %select_n3A_224, %select_n3A_221 : i32
      %add3A_226 = arith.constant 0 : i32
      %add3A_227 = arith.addi %add3A_226, %mul3A_15 : i32
      %select_n3A_228 = arith.constant true
      %select_n3A_229 = arith.constant 0 : i32
      %select_n3A_230 = arith.constant -1 : i32
      %select_n3A_231 = arith.select %select_n3A_228, %select_n3A_230, %select_n3A_229 : i32
      %eq3A_232 = arith.constant -1 : i32
      %eq3A_233 = arith.cmpi eq, %select_n3A_231, %eq3A_232 : i32
      %select_n3A_234 = arith.constant 0 : i32
      %select_n3A_235 = arith.select %eq3A_233, %select_n3A_234, %select_n3A_231 : i32
      %add3A_236 = arith.constant 0 : i32
      %add3A_237 = arith.addi %add3A_236, %mul3A_15 : i32
      %select_n3A_238 = arith.constant true
      %select_n3A_239 = arith.constant 0 : i32
      %select_n3A_240 = arith.constant 1 : i32
      %select_n3A_241 = arith.select %select_n3A_238, %select_n3A_240, %select_n3A_239 : i32
      %eq3A_242 = arith.constant 1 : i32
      %eq3A_243 = arith.cmpi eq, %select_n3A_241, %eq3A_242 : i32
      %select_n3A_244 = arith.constant 0 : i32
      %select_n3A_245 = arith.select %eq3A_243, %select_n3A_244, %select_n3A_241 : i32
      %add3A_246 = arith.constant 0 : i32
      %add3A_247 = arith.addi %add3A_246, %mul3A_15 : i32
      %select_n3A_248 = arith.constant true
      %select_n3A_249 = arith.constant 0 : i32
      %select_n3A_250 = arith.constant 1 : i32
      %select_n3A_251 = arith.select %select_n3A_248, %select_n3A_250, %select_n3A_249 : i32
      %eq3A_252 = arith.constant 1 : i32
      %eq3A_253 = arith.cmpi eq, %select_n3A_251, %eq3A_252 : i32
      %select_n3A_254 = arith.constant 0 : i32
      %select_n3A_255 = arith.select %eq3A_253, %select_n3A_254, %select_n3A_251 : i32
      %add3A_256 = arith.constant 0 : i32
      %add3A_257 = arith.addi %add3A_256, %mul3A_15 : i32
      "tpu.trace_start"() <{level = 10 : i32, message = "ep_finalize"}> : () -> ()
      %rem3A_258 = arith.constant 2 : i32
      %rem3A_259 = arith.remui %select_n3A_201, %rem3A_258 : i32
      %mul3A_260 = arith.constant 256 : i32
      %mul3A_261 = arith.muli %mul3A_260, %add3A_227 : i32
      %dma_wait3A = arith.constant 0 : i32
      %dma_wait3A_262 = arith.constant 0 : i32
      %dma_wait3A_263 = tpu.memref_slice %run_scoped3A_17[%rem3A_259, %dma_wait3A, %dma_wait3A_262] : memref<2x256x128xf32, #tpu.memory_space<vmem>> -> memref<1x256x128xf32, #tpu.memory_space<vmem>>
      %dma_wait3A_264 = tpu.memref_squeeze %dma_wait3A_263 : memref<1x256x128xf32, #tpu.memory_space<vmem>> -> memref<256x128xf32, #tpu.memory_space<vmem>>
      %dma_wait3A_265 = arith.constant 0 : i32
      %dma_wait3A_266 = tpu.memref_slice %arg7[%mul3A_261, %dma_wait3A_265] : memref<8192x128xf32, #tpu.memory_space<hbm>> -> memref<256x128xf32, #tpu.memory_space<hbm>>
      %dma_wait3A_267 = tpu.memref_slice %run_scoped3A_18[%rem3A_259] : memref<2x!tpu.dma_semaphore, #tpu.memory_space<semaphore_mem>> -> memref<1x!tpu.dma_semaphore, #tpu.memory_space<semaphore_mem>>
      %dma_wait3A_268 = tpu.memref_squeeze %dma_wait3A_267 : memref<1x!tpu.dma_semaphore, #tpu.memory_space<semaphore_mem>> -> memref<!tpu.dma_semaphore, #tpu.memory_space<semaphore_mem>>
      %dma_wait3A_269 = arith.constant 0 : i32
      %dma_wait3A_270 = tpu.memref_slice %arg7[%mul3A_261, %dma_wait3A_269] : memref<8192x128xf32, #tpu.memory_space<hbm>> -> memref<256x128xf32, #tpu.memory_space<hbm>>
      %dma_wait3A_271 = arith.constant 0 : i32
      %dma_wait3A_272 = arith.constant 0 : i32
      %dma_wait3A_273 = tpu.memref_slice %run_scoped3A_17[%rem3A_259, %dma_wait3A_271, %dma_wait3A_272] : memref<2x256x128xf32, #tpu.memory_space<vmem>> -> memref<1x256x128xf32, #tpu.memory_space<vmem>>
      %dma_wait3A_274 = tpu.memref_squeeze %dma_wait3A_273 : memref<1x256x128xf32, #tpu.memory_space<vmem>> -> memref<256x128xf32, #tpu.memory_space<vmem>>
      tpu.wait_dma2 semaphore(%dma_wait3A_268 : memref<!tpu.dma_semaphore, #tpu.memory_space<semaphore_mem>>) src(%dma_wait3A_274 : memref<256x128xf32, #tpu.memory_space<vmem>>) dst(%dma_wait3A_270 : memref<256x128xf32, #tpu.memory_space<hbm>>)
      "tpu.trace_stop"() : () -> ()
      tpu.yield
    }) : () -> ()
    return
  }
}

#map = affine_map<(d0, d1) -> (0, 0)>
#map1 = affine_map<(d0, d1) -> (0, 0, 0)>
module attributes {stable_mosaic.version = 14 : i64} {
  func.func @gather_kernel(%arg0: i32, %arg1: i32, %arg2: memref<100000x128xf32, #tpu.memory_space<hbm>>, %arg3: memref<1000x128xf32, #tpu.memory_space<hbm>>, %arg4: memref<1x16384xi32, #tpu.memory_space<hbm>>, %arg5: memref<1x8192xi32, #tpu.memory_space<hbm>>, %arg6: memref<2x8192x128xf32, #tpu.memory_space<hbm>>, %arg7: memref<8192x128xf32, #tpu.memory_space<hbm>>) attributes {dimension_semantics = [#tpu.dimension_semantics<core_parallel>, #tpu.dimension_semantics<subcore_parallel>], iteration_bounds = array<i64: 2, 16>, scalar_prefetch = 0 : i64, scratch_operands = 0 : i64, tpu.core_type = #tpu.core_type<sc_vector_subcore>, window_params = [{transform_indices = #map}, {transform_indices = #map}, {transform_indices = #map}, {transform_indices = #map}, {transform_indices = #map1}, {transform_indices = #map}]} {
    %mul3A = arith.constant 1 : i32
    %mul3A_0 = arith.muli %arg1, %mul3A : i32
    %add3A = arith.constant 0 : i32
    %add3A_1 = arith.addi %add3A, %mul3A_0 : i32
    %mul3A_2 = arith.constant 16 : i32
    %mul3A_3 = arith.muli %arg0, %mul3A_2 : i32
    %add3A_4 = arith.addi %add3A_1, %mul3A_3 : i32
    %mul3A_5 = arith.constant 2 : i32
    %mul3A_6 = arith.muli %add3A_4, %mul3A_5 : i32
    "tpu.region"() ({
      %run_scoped3A = memref.alloca() : memref<2x1x256xi32, #tpu.memory_space<vmem>>
      %run_scoped3A_16 = tpu.sem_alloc : memref<2x!tpu.dma_semaphore, #tpu.memory_space<semaphore_mem>>
      %run_scoped3A_17 = memref.alloca() : memref<2x1x256x128xf32, #tpu.memory_space<vmem>>
      %run_scoped3A_18 = tpu.sem_alloc : memref<2x!tpu.dma_semaphore, #tpu.memory_space<semaphore_mem>>
      %add3A_19 = arith.constant 0 : i32
      %add3A_20 = arith.addi %add3A_19, %mul3A_6 : i32
      %select_n3A = arith.constant true
      %select_n3A_21 = arith.constant 0 : i32
      %select_n3A_22 = arith.constant -1 : i32
      %select_n3A_23 = arith.select %select_n3A, %select_n3A_22, %select_n3A_21 : i32
      %eq3A = arith.constant -1 : i32
      %eq3A_24 = arith.cmpi eq, %select_n3A_23, %eq3A : i32
      %select_n3A_25 = arith.constant 1 : i32
      %select_n3A_26 = arith.select %eq3A_24, %select_n3A_25, %select_n3A_23 : i32
      %add3A_27 = arith.addi %select_n3A_26, %mul3A_6 : i32
      %select_n3A_28 = arith.constant true
      %select_n3A_29 = arith.constant 0 : i32
      %select_n3A_30 = arith.constant 1 : i32
      %select_n3A_31 = arith.select %select_n3A_28, %select_n3A_30, %select_n3A_29 : i32
      %eq3A_32 = arith.constant 2 : i32
      %eq3A_33 = arith.cmpi eq, %select_n3A_31, %eq3A_32 : i32
      %select_n3A_34 = arith.constant 0 : i32
      %select_n3A_35 = arith.select %eq3A_33, %select_n3A_34, %select_n3A_31 : i32
      %add3A_36 = arith.addi %select_n3A_35, %mul3A_6 : i32
      %add3A_37 = arith.constant 1 : i32
      %add3A_38 = arith.addi %select_n3A_35, %add3A_37 : i32
      %select_n3A_39 = arith.constant true
      %select_n3A_40 = arith.select %select_n3A_39, %add3A_38, %select_n3A_35 : i32
      %eq3A_41 = arith.constant 2 : i32
      %eq3A_42 = arith.cmpi eq, %select_n3A_40, %eq3A_41 : i32
      %select_n3A_43 = arith.constant 0 : i32
      %select_n3A_44 = arith.select %eq3A_42, %select_n3A_43, %select_n3A_40 : i32
      %add3A_45 = arith.addi %select_n3A_44, %mul3A_6 : i32
      "tpu.trace_start"() <{level = 10 : i32, message = "ep_initialize_0"}> : () -> ()
      %rem3A = arith.constant 0 : i32
      %rem3A_46 = arith.constant 2 : i32
      %rem3A_47 = arith.remui %rem3A, %rem3A_46 : i32
      %mul3A_48 = arith.constant 256 : i32
      %mul3A_49 = arith.muli %mul3A_48, %add3A_20 : i32
      %dma_start3A = arith.constant 0 : i32
      %dma_start3A_50 = arith.constant 0 : i32
      %dma_start3A_51 = tpu.memref_slice %run_scoped3A[%rem3A_47, %dma_start3A, %dma_start3A_50] : memref<2x1x256xi32, #tpu.memory_space<vmem>> -> memref<1x1x256xi32, #tpu.memory_space<vmem>>
      %dma_start3A_52 = tpu.memref_squeeze %dma_start3A_51 : memref<1x1x256xi32, #tpu.memory_space<vmem>> -> memref<1x256xi32, #tpu.memory_space<vmem>>
      %dma_start3A_53 = arith.constant 0 : i32
      %dma_start3A_54 = tpu.memref_slice %arg4[%dma_start3A_53, %mul3A_49] : memref<1x16384xi32, #tpu.memory_space<hbm>> -> memref<1x256xi32, #tpu.memory_space<hbm>>
      %dma_start3A_55 = tpu.memref_slice %run_scoped3A_16[%rem3A_47] : memref<2x!tpu.dma_semaphore, #tpu.memory_space<semaphore_mem>> -> memref<1x!tpu.dma_semaphore, #tpu.memory_space<semaphore_mem>>
      %dma_start3A_56 = tpu.memref_squeeze %dma_start3A_55 : memref<1x!tpu.dma_semaphore, #tpu.memory_space<semaphore_mem>> -> memref<!tpu.dma_semaphore, #tpu.memory_space<semaphore_mem>>
      %dma_start3A_57 = arith.constant 0 : i32
      %dma_start3A_58 = arith.constant 0 : i32
      %dma_start3A_59 = tpu.memref_slice %run_scoped3A[%rem3A_47, %dma_start3A_57, %dma_start3A_58] : memref<2x1x256xi32, #tpu.memory_space<vmem>> -> memref<1x1x256xi32, #tpu.memory_space<vmem>>
      %dma_start3A_60 = tpu.memref_squeeze %dma_start3A_59 : memref<1x1x256xi32, #tpu.memory_space<vmem>> -> memref<1x256xi32, #tpu.memory_space<vmem>>
      %dma_start3A_61 = arith.constant 0 : i32
      %dma_start3A_62 = tpu.memref_slice %arg4[%dma_start3A_61, %mul3A_49] : memref<1x16384xi32, #tpu.memory_space<hbm>> -> memref<1x256xi32, #tpu.memory_space<hbm>>
      tpu.enqueue_dma source(%dma_start3A_62 : memref<1x256xi32, #tpu.memory_space<hbm>>) target(%dma_start3A_60 : memref<1x256xi32, #tpu.memory_space<vmem>>) target_semaphore(%dma_start3A_56 : memref<!tpu.dma_semaphore, #tpu.memory_space<semaphore_mem>>)
      %add3A_63 = arith.constant 0 : i32
      %add3A_64 = arith.constant 1 : i32
      %add3A_65 = arith.addi %add3A_63, %add3A_64 : i32
      %select_n3A_66 = arith.constant true
      %select_n3A_67 = arith.constant 0 : i32
      %select_n3A_68 = arith.select %select_n3A_66, %add3A_65, %select_n3A_67 : i32
      "tpu.trace_stop"() : () -> ()
      %scan3A = arith.constant 0 : i32
      %scan3A_69 = arith.constant 0 : i32
      %scan3A_70 = arith.constant 0 : i32
      %scan3A_71 = arith.constant 0 : i32
      %scan3A_72 = arith.constant 0 : i32
      %scan3A_73 = arith.constant 2 : i32
      %scan3A_74 = arith.addi %scan3A_72, %scan3A_73 : i32
      %scan3A_75 = arith.constant 1 : i32
      %scan3A_76:5 = scf.for %scan3A_168 = %scan3A_72 to %scan3A_74 step %scan3A_75 iter_args(%scan3A_169 = %select_n3A_68, %scan3A_170 = %scan3A, %scan3A_171 = %scan3A_69, %scan3A_172 = %scan3A_70, %scan3A_173 = %scan3A_71) -> (i32, i32, i32, i32, i32)  : i32 {
        %eq3A_174 = arith.constant 0 : i32
        %eq3A_175 = arith.cmpi eq, %scan3A_168, %eq3A_174 : i32
        %eq3A_176 = arith.constant 1 : i32
        %eq3A_177 = arith.cmpi eq, %scan3A_168, %eq3A_176 : i32
        %add3A_178 = arith.addi %scan3A_173, %mul3A_6 : i32
        %sub3A_179 = arith.constant 1 : i32
        %sub3A_180 = arith.subi %scan3A_173, %sub3A_179 : i32
        %select_n3A_181 = arith.constant true
        %select_n3A_182 = arith.select %select_n3A_181, %sub3A_180, %scan3A_173 : i32
        %eq3A_183 = arith.constant -1 : i32
        %eq3A_184 = arith.cmpi eq, %select_n3A_182, %eq3A_183 : i32
        %select_n3A_185 = arith.constant 1 : i32
        %select_n3A_186 = arith.select %eq3A_184, %select_n3A_185, %select_n3A_182 : i32
        %add3A_187 = arith.addi %select_n3A_186, %mul3A_6 : i32
        %add3A_188 = arith.constant 1 : i32
        %add3A_189 = arith.addi %scan3A_173, %add3A_188 : i32
        %select_n3A_190 = arith.constant true
        %select_n3A_191 = arith.select %select_n3A_190, %add3A_189, %scan3A_173 : i32
        %eq3A_192 = arith.constant 2 : i32
        %eq3A_193 = arith.cmpi eq, %select_n3A_191, %eq3A_192 : i32
        %select_n3A_194 = arith.constant 0 : i32
        %select_n3A_195 = arith.select %eq3A_193, %select_n3A_194, %select_n3A_191 : i32
        %add3A_196 = arith.addi %select_n3A_195, %mul3A_6 : i32
        %add3A_197 = arith.constant 1 : i32
        %add3A_198 = arith.addi %select_n3A_195, %add3A_197 : i32
        %select_n3A_199 = arith.constant true
        %select_n3A_200 = arith.select %select_n3A_199, %add3A_198, %select_n3A_195 : i32
        %eq3A_201 = arith.constant 2 : i32
        %eq3A_202 = arith.cmpi eq, %select_n3A_200, %eq3A_201 : i32
        %select_n3A_203 = arith.constant 0 : i32
        %select_n3A_204 = arith.select %eq3A_202, %select_n3A_203, %select_n3A_200 : i32
        %add3A_205 = arith.addi %select_n3A_204, %mul3A_6 : i32
        %ne3A_206 = arith.cmpi ne, %add3A_178, %add3A_196 : i32
        %or3A = arith.constant false
        %or3A_207 = arith.ori %or3A, %ne3A_206 : i1
        %ge3A = arith.constant 1 : i32
        %ge3A_208 = arith.cmpi sge, %scan3A_168, %ge3A : i32
        %not3A = arith.constant true
        %not3A_209 = arith.xori %ge3A_208, %not3A : i1
        %and3A_210 = arith.andi %or3A_207, %not3A_209 : i1
        %convert_element_type3A = arith.extui %and3A_210 : i1 to i32
        %cond3A = arith.constant 0 : i32
        %cond3A_211 = arith.cmpi ne, %convert_element_type3A, %cond3A : i32
        scf.if %cond3A_211 {
          "tpu.trace_start"() <{level = 10 : i32, message = "ep_copy_in"}> : () -> ()
          %rem3A_642 = arith.constant 2 : i32
          %rem3A_643 = arith.remui %scan3A_169, %rem3A_642 : i32
          %mul3A_644 = arith.constant 256 : i32
          %mul3A_645 = arith.muli %mul3A_644, %add3A_196 : i32
          %dma_start3A_646 = arith.constant 0 : i32
          %dma_start3A_647 = arith.constant 0 : i32
          %dma_start3A_648 = tpu.memref_slice %run_scoped3A[%rem3A_643, %dma_start3A_646, %dma_start3A_647] : memref<2x1x256xi32, #tpu.memory_space<vmem>> -> memref<1x1x256xi32, #tpu.memory_space<vmem>>
          %dma_start3A_649 = tpu.memref_squeeze %dma_start3A_648 : memref<1x1x256xi32, #tpu.memory_space<vmem>> -> memref<1x256xi32, #tpu.memory_space<vmem>>
          %dma_start3A_650 = arith.constant 0 : i32
          %dma_start3A_651 = tpu.memref_slice %arg4[%dma_start3A_650, %mul3A_645] : memref<1x16384xi32, #tpu.memory_space<hbm>> -> memref<1x256xi32, #tpu.memory_space<hbm>>
          %dma_start3A_652 = tpu.memref_slice %run_scoped3A_16[%rem3A_643] : memref<2x!tpu.dma_semaphore, #tpu.memory_space<semaphore_mem>> -> memref<1x!tpu.dma_semaphore, #tpu.memory_space<semaphore_mem>>
          %dma_start3A_653 = tpu.memref_squeeze %dma_start3A_652 : memref<1x!tpu.dma_semaphore, #tpu.memory_space<semaphore_mem>> -> memref<!tpu.dma_semaphore, #tpu.memory_space<semaphore_mem>>
          %dma_start3A_654 = arith.constant 0 : i32
          %dma_start3A_655 = arith.constant 0 : i32
          %dma_start3A_656 = tpu.memref_slice %run_scoped3A[%rem3A_643, %dma_start3A_654, %dma_start3A_655] : memref<2x1x256xi32, #tpu.memory_space<vmem>> -> memref<1x1x256xi32, #tpu.memory_space<vmem>>
          %dma_start3A_657 = tpu.memref_squeeze %dma_start3A_656 : memref<1x1x256xi32, #tpu.memory_space<vmem>> -> memref<1x256xi32, #tpu.memory_space<vmem>>
          %dma_start3A_658 = arith.constant 0 : i32
          %dma_start3A_659 = tpu.memref_slice %arg4[%dma_start3A_658, %mul3A_645] : memref<1x16384xi32, #tpu.memory_space<hbm>> -> memref<1x256xi32, #tpu.memory_space<hbm>>
          tpu.enqueue_dma source(%dma_start3A_659 : memref<1x256xi32, #tpu.memory_space<hbm>>) target(%dma_start3A_657 : memref<1x256xi32, #tpu.memory_space<vmem>>) target_semaphore(%dma_start3A_653 : memref<!tpu.dma_semaphore, #tpu.memory_space<semaphore_mem>>)
          "tpu.trace_stop"() : () -> ()
        } else {
        }
        %and3A_212 = arith.constant true
        %and3A_213 = arith.andi %and3A_210, %and3A_212 : i1
        %add3A_214 = arith.constant 1 : i32
        %add3A_215 = arith.addi %scan3A_169, %add3A_214 : i32
        %select_n3A_216 = arith.select %and3A_213, %add3A_215, %scan3A_169 : i32
        %jit3A_217 = arith.constant 32 : i32
        %div3A_218 = arith.divsi %add3A_178, %jit3A_217 : i32
        %sign3A_219 = arith.constant 0 : i32
        %sign3A_220 = arith.cmpi sgt, %add3A_178, %sign3A_219 : i32
        %sign3A_221 = arith.extui %sign3A_220 : i1 to i32
        %sign3A_222 = arith.constant 0 : i32
        %sign3A_223 = arith.cmpi slt, %add3A_178, %sign3A_222 : i32
        %sign3A_224 = arith.extui %sign3A_223 : i1 to i32
        %sign3A_225 = arith.subi %sign3A_221, %sign3A_224 : i32
        %sign3A_226 = arith.constant 0 : i32
        %sign3A_227 = arith.cmpi sgt, %jit3A_217, %sign3A_226 : i32
        %sign3A_228 = arith.extui %sign3A_227 : i1 to i32
        %sign3A_229 = arith.constant 0 : i32
        %sign3A_230 = arith.cmpi slt, %jit3A_217, %sign3A_229 : i32
        %sign3A_231 = arith.extui %sign3A_230 : i1 to i32
        %sign3A_232 = arith.subi %sign3A_228, %sign3A_231 : i32
        %ne3A_233 = arith.cmpi ne, %sign3A_225, %sign3A_232 : i32
        %rem3A_234 = arith.remsi %add3A_178, %jit3A_217 : i32
        %ne3A_235 = arith.constant 0 : i32
        %ne3A_236 = arith.cmpi ne, %rem3A_234, %ne3A_235 : i32
        %and3A_237 = arith.andi %ne3A_233, %ne3A_236 : i1
        %sub3A_238 = arith.constant 1 : i32
        %sub3A_239 = arith.subi %div3A_218, %sub3A_238 : i32
        %select_n3A_240 = arith.select %and3A_237, %sub3A_239, %div3A_218 : i32
        %jit3A_241 = arith.constant 32 : i32
        %eq3A_242 = arith.constant 0 : i32
        %eq3A_243 = arith.cmpi eq, %jit3A_241, %eq3A_242 : i32
        %jit3A_244 = arith.constant 1 : i32
        %select_n3A_245 = arith.select %eq3A_243, %jit3A_244, %jit3A_241 : i32
        %rem3A_246 = arith.remsi %add3A_178, %select_n3A_245 : i32
        %ne3A_247 = arith.constant 0 : i32
        %ne3A_248 = arith.cmpi ne, %rem3A_246, %ne3A_247 : i32
        %lt3A_249 = arith.constant 0 : i32
        %lt3A_250 = arith.cmpi slt, %rem3A_246, %lt3A_249 : i32
        %lt3A_251 = arith.constant 0 : i32
        %lt3A_252 = arith.cmpi slt, %select_n3A_245, %lt3A_251 : i32
        %ne3A_253 = arith.xori %lt3A_250, %lt3A_252 : i1
        %and3A_254 = arith.andi %ne3A_253, %ne3A_248 : i1
        %add3A_255 = arith.addi %rem3A_246, %select_n3A_245 : i32
        %select_n3A_256 = arith.select %and3A_254, %add3A_255, %rem3A_246 : i32
        %jit3A_257 = arith.constant 32 : i32
        %div3A_258 = arith.divsi %add3A_196, %jit3A_257 : i32
        %sign3A_259 = arith.constant 0 : i32
        %sign3A_260 = arith.cmpi sgt, %add3A_196, %sign3A_259 : i32
        %sign3A_261 = arith.extui %sign3A_260 : i1 to i32
        %sign3A_262 = arith.constant 0 : i32
        %sign3A_263 = arith.cmpi slt, %add3A_196, %sign3A_262 : i32
        %sign3A_264 = arith.extui %sign3A_263 : i1 to i32
        %sign3A_265 = arith.subi %sign3A_261, %sign3A_264 : i32
        %sign3A_266 = arith.constant 0 : i32
        %sign3A_267 = arith.cmpi sgt, %jit3A_257, %sign3A_266 : i32
        %sign3A_268 = arith.extui %sign3A_267 : i1 to i32
        %sign3A_269 = arith.constant 0 : i32
        %sign3A_270 = arith.cmpi slt, %jit3A_257, %sign3A_269 : i32
        %sign3A_271 = arith.extui %sign3A_270 : i1 to i32
        %sign3A_272 = arith.subi %sign3A_268, %sign3A_271 : i32
        %ne3A_273 = arith.cmpi ne, %sign3A_265, %sign3A_272 : i32
        %rem3A_274 = arith.remsi %add3A_196, %jit3A_257 : i32
        %ne3A_275 = arith.constant 0 : i32
        %ne3A_276 = arith.cmpi ne, %rem3A_274, %ne3A_275 : i32
        %and3A_277 = arith.andi %ne3A_273, %ne3A_276 : i1
        %sub3A_278 = arith.constant 1 : i32
        %sub3A_279 = arith.subi %div3A_258, %sub3A_278 : i32
        %select_n3A_280 = arith.select %and3A_277, %sub3A_279, %div3A_258 : i32
        %jit3A_281 = arith.constant 32 : i32
        %eq3A_282 = arith.constant 0 : i32
        %eq3A_283 = arith.cmpi eq, %jit3A_281, %eq3A_282 : i32
        %jit3A_284 = arith.constant 1 : i32
        %select_n3A_285 = arith.select %eq3A_283, %jit3A_284, %jit3A_281 : i32
        %rem3A_286 = arith.remsi %add3A_196, %select_n3A_285 : i32
        %ne3A_287 = arith.constant 0 : i32
        %ne3A_288 = arith.cmpi ne, %rem3A_286, %ne3A_287 : i32
        %lt3A_289 = arith.constant 0 : i32
        %lt3A_290 = arith.cmpi slt, %rem3A_286, %lt3A_289 : i32
        %lt3A_291 = arith.constant 0 : i32
        %lt3A_292 = arith.cmpi slt, %select_n3A_285, %lt3A_291 : i32
        %ne3A_293 = arith.xori %lt3A_290, %lt3A_292 : i1
        %and3A_294 = arith.andi %ne3A_293, %ne3A_288 : i1
        %add3A_295 = arith.addi %rem3A_286, %select_n3A_285 : i32
        %select_n3A_296 = arith.select %and3A_294, %add3A_295, %rem3A_286 : i32
        %ne3A_297 = arith.cmpi ne, %select_n3A_240, %select_n3A_280 : i32
        %ne3A_298 = arith.cmpi ne, %select_n3A_256, %select_n3A_296 : i32
        %or3A_299 = arith.constant false
        %or3A_300 = arith.ori %or3A_299, %ne3A_297 : i1
        %or3A_301 = arith.ori %or3A_300, %ne3A_298 : i1
        %or3A_302 = arith.constant false
        %or3A_303 = arith.ori %or3A_301, %or3A_302 : i1
        %ge3A_304 = arith.constant 1 : i32
        %ge3A_305 = arith.cmpi sge, %scan3A_168, %ge3A_304 : i32
        %not3A_306 = arith.constant true
        %not3A_307 = arith.xori %ge3A_305, %not3A_306 : i1
        %and3A_308 = arith.andi %or3A_303, %not3A_307 : i1
        %ne3A_309 = arith.cmpi ne, %add3A_178, %add3A_187 : i32
        %or3A_310 = arith.constant false
        %or3A_311 = arith.ori %or3A_310, %ne3A_309 : i1
        %or3A_312 = arith.ori %or3A_311, %eq3A_175 : i1
        %convert_element_type3A_313 = arith.extui %or3A_312 : i1 to i32
        %cond3A_314 = arith.constant 0 : i32
        %cond3A_315 = arith.cmpi ne, %convert_element_type3A_313, %cond3A_314 : i32
        scf.if %cond3A_315 {
          "tpu.trace_start"() <{level = 10 : i32, message = "ep_wait_in"}> : () -> ()
          %mul3A_642 = arith.constant 256 : i32
          %mul3A_643 = arith.muli %mul3A_642, %add3A_178 : i32
          %rem3A_644 = arith.constant 2 : i32
          %rem3A_645 = arith.remui %scan3A_170, %rem3A_644 : i32
          %dma_wait3A_646 = arith.constant 0 : i32
          %dma_wait3A_647 = arith.constant 0 : i32
          %dma_wait3A_648 = tpu.memref_slice %run_scoped3A[%rem3A_645, %dma_wait3A_646, %dma_wait3A_647] : memref<2x1x256xi32, #tpu.memory_space<vmem>> -> memref<1x1x256xi32, #tpu.memory_space<vmem>>
          %dma_wait3A_649 = tpu.memref_squeeze %dma_wait3A_648 : memref<1x1x256xi32, #tpu.memory_space<vmem>> -> memref<1x256xi32, #tpu.memory_space<vmem>>
          %dma_wait3A_650 = arith.constant 0 : i32
          %dma_wait3A_651 = tpu.memref_slice %arg4[%dma_wait3A_650, %mul3A_643] : memref<1x16384xi32, #tpu.memory_space<hbm>> -> memref<1x256xi32, #tpu.memory_space<hbm>>
          %dma_wait3A_652 = tpu.memref_slice %run_scoped3A_16[%rem3A_645] : memref<2x!tpu.dma_semaphore, #tpu.memory_space<semaphore_mem>> -> memref<1x!tpu.dma_semaphore, #tpu.memory_space<semaphore_mem>>
          %dma_wait3A_653 = tpu.memref_squeeze %dma_wait3A_652 : memref<1x!tpu.dma_semaphore, #tpu.memory_space<semaphore_mem>> -> memref<!tpu.dma_semaphore, #tpu.memory_space<semaphore_mem>>
          %dma_wait3A_654 = arith.constant 0 : i32
          %dma_wait3A_655 = arith.constant 0 : i32
          %dma_wait3A_656 = tpu.memref_slice %run_scoped3A[%rem3A_645, %dma_wait3A_654, %dma_wait3A_655] : memref<2x1x256xi32, #tpu.memory_space<vmem>> -> memref<1x1x256xi32, #tpu.memory_space<vmem>>
          %dma_wait3A_657 = tpu.memref_squeeze %dma_wait3A_656 : memref<1x1x256xi32, #tpu.memory_space<vmem>> -> memref<1x256xi32, #tpu.memory_space<vmem>>
          %dma_wait3A_658 = arith.constant 0 : i32
          %dma_wait3A_659 = tpu.memref_slice %arg4[%dma_wait3A_658, %mul3A_643] : memref<1x16384xi32, #tpu.memory_space<hbm>> -> memref<1x256xi32, #tpu.memory_space<hbm>>
          tpu.wait_dma2 semaphore(%dma_wait3A_653 : memref<!tpu.dma_semaphore, #tpu.memory_space<semaphore_mem>>) src(%dma_wait3A_659 : memref<1x256xi32, #tpu.memory_space<hbm>>) dst(%dma_wait3A_657 : memref<1x256xi32, #tpu.memory_space<vmem>>)
          "tpu.trace_stop"() : () -> ()
        } else {
        }
        %jit3A_316 = arith.constant 32 : i32
        %div3A_317 = arith.divsi %add3A_178, %jit3A_316 : i32
        %sign3A_318 = arith.constant 0 : i32
        %sign3A_319 = arith.cmpi sgt, %add3A_178, %sign3A_318 : i32
        %sign3A_320 = arith.extui %sign3A_319 : i1 to i32
        %sign3A_321 = arith.constant 0 : i32
        %sign3A_322 = arith.cmpi slt, %add3A_178, %sign3A_321 : i32
        %sign3A_323 = arith.extui %sign3A_322 : i1 to i32
        %sign3A_324 = arith.subi %sign3A_320, %sign3A_323 : i32
        %sign3A_325 = arith.constant 0 : i32
        %sign3A_326 = arith.cmpi sgt, %jit3A_316, %sign3A_325 : i32
        %sign3A_327 = arith.extui %sign3A_326 : i1 to i32
        %sign3A_328 = arith.constant 0 : i32
        %sign3A_329 = arith.cmpi slt, %jit3A_316, %sign3A_328 : i32
        %sign3A_330 = arith.extui %sign3A_329 : i1 to i32
        %sign3A_331 = arith.subi %sign3A_327, %sign3A_330 : i32
        %ne3A_332 = arith.cmpi ne, %sign3A_324, %sign3A_331 : i32
        %rem3A_333 = arith.remsi %add3A_178, %jit3A_316 : i32
        %ne3A_334 = arith.constant 0 : i32
        %ne3A_335 = arith.cmpi ne, %rem3A_333, %ne3A_334 : i32
        %and3A_336 = arith.andi %ne3A_332, %ne3A_335 : i1
        %sub3A_337 = arith.constant 1 : i32
        %sub3A_338 = arith.subi %div3A_317, %sub3A_337 : i32
        %select_n3A_339 = arith.select %and3A_336, %sub3A_338, %div3A_317 : i32
        %jit3A_340 = arith.constant 32 : i32
        %eq3A_341 = arith.constant 0 : i32
        %eq3A_342 = arith.cmpi eq, %jit3A_340, %eq3A_341 : i32
        %jit3A_343 = arith.constant 1 : i32
        %select_n3A_344 = arith.select %eq3A_342, %jit3A_343, %jit3A_340 : i32
        %rem3A_345 = arith.remsi %add3A_178, %select_n3A_344 : i32
        %ne3A_346 = arith.constant 0 : i32
        %ne3A_347 = arith.cmpi ne, %rem3A_345, %ne3A_346 : i32
        %lt3A_348 = arith.constant 0 : i32
        %lt3A_349 = arith.cmpi slt, %rem3A_345, %lt3A_348 : i32
        %lt3A_350 = arith.constant 0 : i32
        %lt3A_351 = arith.cmpi slt, %select_n3A_344, %lt3A_350 : i32
        %ne3A_352 = arith.xori %lt3A_349, %lt3A_351 : i1
        %and3A_353 = arith.andi %ne3A_352, %ne3A_347 : i1
        %add3A_354 = arith.addi %rem3A_345, %select_n3A_344 : i32
        %select_n3A_355 = arith.select %and3A_353, %add3A_354, %rem3A_345 : i32
        %jit3A_356 = arith.constant 32 : i32
        %div3A_357 = arith.divsi %add3A_187, %jit3A_356 : i32
        %sign3A_358 = arith.constant 0 : i32
        %sign3A_359 = arith.cmpi sgt, %add3A_187, %sign3A_358 : i32
        %sign3A_360 = arith.extui %sign3A_359 : i1 to i32
        %sign3A_361 = arith.constant 0 : i32
        %sign3A_362 = arith.cmpi slt, %add3A_187, %sign3A_361 : i32
        %sign3A_363 = arith.extui %sign3A_362 : i1 to i32
        %sign3A_364 = arith.subi %sign3A_360, %sign3A_363 : i32
        %sign3A_365 = arith.constant 0 : i32
        %sign3A_366 = arith.cmpi sgt, %jit3A_356, %sign3A_365 : i32
        %sign3A_367 = arith.extui %sign3A_366 : i1 to i32
        %sign3A_368 = arith.constant 0 : i32
        %sign3A_369 = arith.cmpi slt, %jit3A_356, %sign3A_368 : i32
        %sign3A_370 = arith.extui %sign3A_369 : i1 to i32
        %sign3A_371 = arith.subi %sign3A_367, %sign3A_370 : i32
        %ne3A_372 = arith.cmpi ne, %sign3A_364, %sign3A_371 : i32
        %rem3A_373 = arith.remsi %add3A_187, %jit3A_356 : i32
        %ne3A_374 = arith.constant 0 : i32
        %ne3A_375 = arith.cmpi ne, %rem3A_373, %ne3A_374 : i32
        %and3A_376 = arith.andi %ne3A_372, %ne3A_375 : i1
        %sub3A_377 = arith.constant 1 : i32
        %sub3A_378 = arith.subi %div3A_357, %sub3A_377 : i32
        %select_n3A_379 = arith.select %and3A_376, %sub3A_378, %div3A_357 : i32
        %jit3A_380 = arith.constant 32 : i32
        %eq3A_381 = arith.constant 0 : i32
        %eq3A_382 = arith.cmpi eq, %jit3A_380, %eq3A_381 : i32
        %jit3A_383 = arith.constant 1 : i32
        %select_n3A_384 = arith.select %eq3A_382, %jit3A_383, %jit3A_380 : i32
        %rem3A_385 = arith.remsi %add3A_187, %select_n3A_384 : i32
        %ne3A_386 = arith.constant 0 : i32
        %ne3A_387 = arith.cmpi ne, %rem3A_385, %ne3A_386 : i32
        %lt3A_388 = arith.constant 0 : i32
        %lt3A_389 = arith.cmpi slt, %rem3A_385, %lt3A_388 : i32
        %lt3A_390 = arith.constant 0 : i32
        %lt3A_391 = arith.cmpi slt, %select_n3A_384, %lt3A_390 : i32
        %ne3A_392 = arith.xori %lt3A_389, %lt3A_391 : i1
        %and3A_393 = arith.andi %ne3A_392, %ne3A_387 : i1
        %add3A_394 = arith.addi %rem3A_385, %select_n3A_384 : i32
        %select_n3A_395 = arith.select %and3A_393, %add3A_394, %rem3A_385 : i32
        %ne3A_396 = arith.cmpi ne, %select_n3A_339, %select_n3A_379 : i32
        %ne3A_397 = arith.cmpi ne, %select_n3A_355, %select_n3A_395 : i32
        %or3A_398 = arith.constant false
        %or3A_399 = arith.ori %or3A_398, %ne3A_396 : i1
        %or3A_400 = arith.ori %or3A_399, %ne3A_397 : i1
        %or3A_401 = arith.constant false
        %or3A_402 = arith.ori %or3A_400, %or3A_401 : i1
        %or3A_403 = arith.ori %or3A_402, %eq3A_175 : i1
        %convert_element_type3A_404 = arith.extui %or3A_403 : i1 to i32
        %cond3A_405 = arith.constant 0 : i32
        %cond3A_406 = arith.cmpi ne, %convert_element_type3A_404, %cond3A_405 : i32
        scf.if %cond3A_406 {
        } else {
        }
        %rem3A_407 = arith.constant 2 : i32
        %rem3A_408 = arith.remui %scan3A_170, %rem3A_407 : i32
        %rem3A_409 = arith.constant 2 : i32
        %rem3A_410 = arith.remui %scan3A_171, %rem3A_409 : i32
        %run_scoped3A_411 = arith.constant 0 : i32
        %run_scoped3A_412 = arith.constant 0 : i32
        "tpu.trace_start"() <{level = 10 : i32, message = "ep_run_kernel"}> : () -> ()
        "tpu.region"() ({
          %run_scoped3A_642 = tpu.sem_alloc : memref<!tpu.dma_semaphore, #tpu.memory_space<semaphore_mem>>
          %dma_start3A_643 = arith.constant 0 : i32
          %dma_start3A_644 = arith.constant 0 : i32
          %dma_start3A_645 = arith.constant 0 : i32
          %dma_start3A_646 = tpu.memref_slice %run_scoped3A_17[%rem3A_410, %dma_start3A_643, %dma_start3A_644, %dma_start3A_645] : memref<2x1x256x128xf32, #tpu.memory_space<vmem>> -> memref<1x1x256x128xf32, #tpu.memory_space<vmem>>
          %dma_start3A_647 = tpu.memref_squeeze %dma_start3A_646 : memref<1x1x256x128xf32, #tpu.memory_space<vmem>> -> memref<1x256x128xf32, #tpu.memory_space<vmem>>
          %dma_start3A_648 = arith.constant 0 : i32
          %dma_start3A_649 = arith.constant 0 : i32
          %dma_start3A_650 = tpu.memref_slice %dma_start3A_647[%run_scoped3A_412, %dma_start3A_648, %dma_start3A_649] : memref<1x256x128xf32, #tpu.memory_space<vmem>> -> memref<1x256x128xf32, #tpu.memory_space<vmem>>
          %dma_start3A_651 = tpu.memref_squeeze %dma_start3A_650 : memref<1x256x128xf32, #tpu.memory_space<vmem>> -> memref<256x128xf32, #tpu.memory_space<vmem>>
          %dma_start3A_652 = arith.constant 0 : i32
          %dma_start3A_653 = arith.constant 0 : i32
          %dma_start3A_654 = tpu.memref_slice %run_scoped3A[%rem3A_408, %dma_start3A_652, %dma_start3A_653] : memref<2x1x256xi32, #tpu.memory_space<vmem>> -> memref<1x1x256xi32, #tpu.memory_space<vmem>>
          %dma_start3A_655 = tpu.memref_squeeze %dma_start3A_654 : memref<1x1x256xi32, #tpu.memory_space<vmem>> -> memref<1x256xi32, #tpu.memory_space<vmem>>
          %dma_start3A_656 = arith.constant 0 : i32
          %dma_start3A_657 = tpu.memref_slice %dma_start3A_655[%run_scoped3A_411, %dma_start3A_656] : memref<1x256xi32, #tpu.memory_space<vmem>> -> memref<1x256xi32, #tpu.memory_space<vmem>>
          %dma_start3A_658 = tpu.memref_squeeze %dma_start3A_657 : memref<1x256xi32, #tpu.memory_space<vmem>> -> memref<256xi32, #tpu.memory_space<vmem>>
          %dma_start3A_659 = arith.constant 0 : i32
          %dma_start3A_660 = arith.constant 0 : i32
          %dma_start3A_661 = tpu.memref_slice %arg2[%dma_start3A_659, %dma_start3A_660] : memref<100000x128xf32, #tpu.memory_space<hbm>> -> memref<100000x128xf32, #tpu.memory_space<hbm>>
          tpu.enqueue_indirect_dma source(%dma_start3A_661 : memref<100000x128xf32, #tpu.memory_space<hbm>>) target(%dma_start3A_651 : memref<256x128xf32, #tpu.memory_space<vmem>>) offsets(%dma_start3A_658 : memref<256xi32, #tpu.memory_space<vmem>>) semaphore(%run_scoped3A_642 : memref<!tpu.dma_semaphore, #tpu.memory_space<semaphore_mem>>)
          %dma_wait3A_662 = arith.constant 0 : i32
          %dma_wait3A_663 = arith.constant 0 : i32
          %dma_wait3A_664 = arith.constant 0 : i32
          %dma_wait3A_665 = tpu.memref_slice %run_scoped3A_17[%rem3A_410, %dma_wait3A_662, %dma_wait3A_663, %dma_wait3A_664] : memref<2x1x256x128xf32, #tpu.memory_space<vmem>> -> memref<1x1x256x128xf32, #tpu.memory_space<vmem>>
          %dma_wait3A_666 = tpu.memref_squeeze %dma_wait3A_665 : memref<1x1x256x128xf32, #tpu.memory_space<vmem>> -> memref<1x256x128xf32, #tpu.memory_space<vmem>>
          %dma_wait3A_667 = arith.constant 0 : i32
          %dma_wait3A_668 = arith.constant 0 : i32
          %dma_wait3A_669 = tpu.memref_slice %dma_wait3A_666[%run_scoped3A_412, %dma_wait3A_667, %dma_wait3A_668] : memref<1x256x128xf32, #tpu.memory_space<vmem>> -> memref<1x256x128xf32, #tpu.memory_space<vmem>>
          %dma_wait3A_670 = tpu.memref_squeeze %dma_wait3A_669 : memref<1x256x128xf32, #tpu.memory_space<vmem>> -> memref<256x128xf32, #tpu.memory_space<vmem>>
          %dma_wait3A_671 = arith.constant 0 : i32
          %dma_wait3A_672 = arith.constant 0 : i32
          %dma_wait3A_673 = tpu.memref_slice %run_scoped3A[%rem3A_408, %dma_wait3A_671, %dma_wait3A_672] : memref<2x1x256xi32, #tpu.memory_space<vmem>> -> memref<1x1x256xi32, #tpu.memory_space<vmem>>
          %dma_wait3A_674 = tpu.memref_squeeze %dma_wait3A_673 : memref<1x1x256xi32, #tpu.memory_space<vmem>> -> memref<1x256xi32, #tpu.memory_space<vmem>>
          %dma_wait3A_675 = arith.constant 0 : i32
          %dma_wait3A_676 = tpu.memref_slice %dma_wait3A_674[%run_scoped3A_411, %dma_wait3A_675] : memref<1x256xi32, #tpu.memory_space<vmem>> -> memref<1x256xi32, #tpu.memory_space<vmem>>
          %dma_wait3A_677 = tpu.memref_squeeze %dma_wait3A_676 : memref<1x256xi32, #tpu.memory_space<vmem>> -> memref<256xi32, #tpu.memory_space<vmem>>
          %dma_wait3A_678 = arith.constant 0 : i32
          %dma_wait3A_679 = arith.constant 0 : i32
          %dma_wait3A_680 = tpu.memref_slice %arg2[%dma_wait3A_678, %dma_wait3A_679] : memref<100000x128xf32, #tpu.memory_space<hbm>> -> memref<100000x128xf32, #tpu.memory_space<hbm>>
          tpu.wait_indirect_dma semaphore(%run_scoped3A_642 : memref<!tpu.dma_semaphore, #tpu.memory_space<semaphore_mem>>) src(%dma_wait3A_680 : memref<100000x128xf32, #tpu.memory_space<hbm>>) dst(%dma_wait3A_670 : memref<256x128xf32, #tpu.memory_space<vmem>>)
          tpu.yield
        }) : () -> ()
        "tpu.trace_stop"() : () -> ()
        %ne3A_413 = arith.cmpi ne, %add3A_178, %add3A_196 : i32
        %or3A_414 = arith.constant false
        %or3A_415 = arith.ori %or3A_414, %ne3A_413 : i1
        %or3A_416 = arith.ori %or3A_415, %eq3A_177 : i1
        %convert_element_type3A_417 = arith.extui %or3A_416 : i1 to i32
        %cond3A_418 = arith.constant 0 : i32
        %cond3A_419 = arith.cmpi ne, %convert_element_type3A_417, %cond3A_418 : i32
        scf.if %cond3A_419 {
        } else {
        }
        %and3A_420 = arith.constant false
        %and3A_421 = arith.andi %or3A_416, %and3A_420 : i1
        %jit3A_422 = arith.constant 32 : i32
        %div3A_423 = arith.divsi %add3A_178, %jit3A_422 : i32
        %sign3A_424 = arith.constant 0 : i32
        %sign3A_425 = arith.cmpi sgt, %add3A_178, %sign3A_424 : i32
        %sign3A_426 = arith.extui %sign3A_425 : i1 to i32
        %sign3A_427 = arith.constant 0 : i32
        %sign3A_428 = arith.cmpi slt, %add3A_178, %sign3A_427 : i32
        %sign3A_429 = arith.extui %sign3A_428 : i1 to i32
        %sign3A_430 = arith.subi %sign3A_426, %sign3A_429 : i32
        %sign3A_431 = arith.constant 0 : i32
        %sign3A_432 = arith.cmpi sgt, %jit3A_422, %sign3A_431 : i32
        %sign3A_433 = arith.extui %sign3A_432 : i1 to i32
        %sign3A_434 = arith.constant 0 : i32
        %sign3A_435 = arith.cmpi slt, %jit3A_422, %sign3A_434 : i32
        %sign3A_436 = arith.extui %sign3A_435 : i1 to i32
        %sign3A_437 = arith.subi %sign3A_433, %sign3A_436 : i32
        %ne3A_438 = arith.cmpi ne, %sign3A_430, %sign3A_437 : i32
        %rem3A_439 = arith.remsi %add3A_178, %jit3A_422 : i32
        %ne3A_440 = arith.constant 0 : i32
        %ne3A_441 = arith.cmpi ne, %rem3A_439, %ne3A_440 : i32
        %and3A_442 = arith.andi %ne3A_438, %ne3A_441 : i1
        %sub3A_443 = arith.constant 1 : i32
        %sub3A_444 = arith.subi %div3A_423, %sub3A_443 : i32
        %select_n3A_445 = arith.select %and3A_442, %sub3A_444, %div3A_423 : i32
        %jit3A_446 = arith.constant 32 : i32
        %eq3A_447 = arith.constant 0 : i32
        %eq3A_448 = arith.cmpi eq, %jit3A_446, %eq3A_447 : i32
        %jit3A_449 = arith.constant 1 : i32
        %select_n3A_450 = arith.select %eq3A_448, %jit3A_449, %jit3A_446 : i32
        %rem3A_451 = arith.remsi %add3A_178, %select_n3A_450 : i32
        %ne3A_452 = arith.constant 0 : i32
        %ne3A_453 = arith.cmpi ne, %rem3A_451, %ne3A_452 : i32
        %lt3A_454 = arith.constant 0 : i32
        %lt3A_455 = arith.cmpi slt, %rem3A_451, %lt3A_454 : i32
        %lt3A_456 = arith.constant 0 : i32
        %lt3A_457 = arith.cmpi slt, %select_n3A_450, %lt3A_456 : i32
        %ne3A_458 = arith.xori %lt3A_455, %lt3A_457 : i1
        %and3A_459 = arith.andi %ne3A_458, %ne3A_453 : i1
        %add3A_460 = arith.addi %rem3A_451, %select_n3A_450 : i32
        %select_n3A_461 = arith.select %and3A_459, %add3A_460, %rem3A_451 : i32
        %jit3A_462 = arith.constant 32 : i32
        %div3A_463 = arith.divsi %add3A_196, %jit3A_462 : i32
        %sign3A_464 = arith.constant 0 : i32
        %sign3A_465 = arith.cmpi sgt, %add3A_196, %sign3A_464 : i32
        %sign3A_466 = arith.extui %sign3A_465 : i1 to i32
        %sign3A_467 = arith.constant 0 : i32
        %sign3A_468 = arith.cmpi slt, %add3A_196, %sign3A_467 : i32
        %sign3A_469 = arith.extui %sign3A_468 : i1 to i32
        %sign3A_470 = arith.subi %sign3A_466, %sign3A_469 : i32
        %sign3A_471 = arith.constant 0 : i32
        %sign3A_472 = arith.cmpi sgt, %jit3A_462, %sign3A_471 : i32
        %sign3A_473 = arith.extui %sign3A_472 : i1 to i32
        %sign3A_474 = arith.constant 0 : i32
        %sign3A_475 = arith.cmpi slt, %jit3A_462, %sign3A_474 : i32
        %sign3A_476 = arith.extui %sign3A_475 : i1 to i32
        %sign3A_477 = arith.subi %sign3A_473, %sign3A_476 : i32
        %ne3A_478 = arith.cmpi ne, %sign3A_470, %sign3A_477 : i32
        %rem3A_479 = arith.remsi %add3A_196, %jit3A_462 : i32
        %ne3A_480 = arith.constant 0 : i32
        %ne3A_481 = arith.cmpi ne, %rem3A_479, %ne3A_480 : i32
        %and3A_482 = arith.andi %ne3A_478, %ne3A_481 : i1
        %sub3A_483 = arith.constant 1 : i32
        %sub3A_484 = arith.subi %div3A_463, %sub3A_483 : i32
        %select_n3A_485 = arith.select %and3A_482, %sub3A_484, %div3A_463 : i32
        %jit3A_486 = arith.constant 32 : i32
        %eq3A_487 = arith.constant 0 : i32
        %eq3A_488 = arith.cmpi eq, %jit3A_486, %eq3A_487 : i32
        %jit3A_489 = arith.constant 1 : i32
        %select_n3A_490 = arith.select %eq3A_488, %jit3A_489, %jit3A_486 : i32
        %rem3A_491 = arith.remsi %add3A_196, %select_n3A_490 : i32
        %ne3A_492 = arith.constant 0 : i32
        %ne3A_493 = arith.cmpi ne, %rem3A_491, %ne3A_492 : i32
        %lt3A_494 = arith.constant 0 : i32
        %lt3A_495 = arith.cmpi slt, %rem3A_491, %lt3A_494 : i32
        %lt3A_496 = arith.constant 0 : i32
        %lt3A_497 = arith.cmpi slt, %select_n3A_490, %lt3A_496 : i32
        %ne3A_498 = arith.xori %lt3A_495, %lt3A_497 : i1
        %and3A_499 = arith.andi %ne3A_498, %ne3A_493 : i1
        %add3A_500 = arith.addi %rem3A_491, %select_n3A_490 : i32
        %select_n3A_501 = arith.select %and3A_499, %add3A_500, %rem3A_491 : i32
        %ne3A_502 = arith.cmpi ne, %select_n3A_445, %select_n3A_485 : i32
        %ne3A_503 = arith.cmpi ne, %select_n3A_461, %select_n3A_501 : i32
        %or3A_504 = arith.constant false
        %or3A_505 = arith.ori %or3A_504, %ne3A_502 : i1
        %or3A_506 = arith.ori %or3A_505, %ne3A_503 : i1
        %or3A_507 = arith.constant false
        %or3A_508 = arith.ori %or3A_506, %or3A_507 : i1
        %or3A_509 = arith.ori %or3A_508, %eq3A_177 : i1
        %convert_element_type3A_510 = arith.extui %or3A_509 : i1 to i32
        %cond3A_511 = arith.constant 0 : i32
        %cond3A_512 = arith.cmpi ne, %convert_element_type3A_510, %cond3A_511 : i32
        scf.if %cond3A_512 {
          "tpu.trace_start"() <{level = 10 : i32, message = "ep_copy_out"}> : () -> ()
          %rem3A_642 = arith.constant 2 : i32
          %rem3A_643 = arith.remui %scan3A_171, %rem3A_642 : i32
          %jit3A_644 = arith.constant 32 : i32
          %div3A_645 = arith.divsi %add3A_178, %jit3A_644 : i32
          %sign3A_646 = arith.constant 0 : i32
          %sign3A_647 = arith.cmpi sgt, %add3A_178, %sign3A_646 : i32
          %sign3A_648 = arith.extui %sign3A_647 : i1 to i32
          %sign3A_649 = arith.constant 0 : i32
          %sign3A_650 = arith.cmpi slt, %add3A_178, %sign3A_649 : i32
          %sign3A_651 = arith.extui %sign3A_650 : i1 to i32
          %sign3A_652 = arith.subi %sign3A_648, %sign3A_651 : i32
          %sign3A_653 = arith.constant 0 : i32
          %sign3A_654 = arith.cmpi sgt, %jit3A_644, %sign3A_653 : i32
          %sign3A_655 = arith.extui %sign3A_654 : i1 to i32
          %sign3A_656 = arith.constant 0 : i32
          %sign3A_657 = arith.cmpi slt, %jit3A_644, %sign3A_656 : i32
          %sign3A_658 = arith.extui %sign3A_657 : i1 to i32
          %sign3A_659 = arith.subi %sign3A_655, %sign3A_658 : i32
          %ne3A_660 = arith.cmpi ne, %sign3A_652, %sign3A_659 : i32
          %rem3A_661 = arith.remsi %add3A_178, %jit3A_644 : i32
          %ne3A_662 = arith.constant 0 : i32
          %ne3A_663 = arith.cmpi ne, %rem3A_661, %ne3A_662 : i32
          %and3A_664 = arith.andi %ne3A_660, %ne3A_663 : i1
          %sub3A_665 = arith.constant 1 : i32
          %sub3A_666 = arith.subi %div3A_645, %sub3A_665 : i32
          %select_n3A_667 = arith.select %and3A_664, %sub3A_666, %div3A_645 : i32
          %jit3A_668 = arith.constant 32 : i32
          %eq3A_669 = arith.constant 0 : i32
          %eq3A_670 = arith.cmpi eq, %jit3A_668, %eq3A_669 : i32
          %jit3A_671 = arith.constant 1 : i32
          %select_n3A_672 = arith.select %eq3A_670, %jit3A_671, %jit3A_668 : i32
          %rem3A_673 = arith.remsi %add3A_178, %select_n3A_672 : i32
          %ne3A_674 = arith.constant 0 : i32
          %ne3A_675 = arith.cmpi ne, %rem3A_673, %ne3A_674 : i32
          %lt3A_676 = arith.constant 0 : i32
          %lt3A_677 = arith.cmpi slt, %rem3A_673, %lt3A_676 : i32
          %lt3A_678 = arith.constant 0 : i32
          %lt3A_679 = arith.cmpi slt, %select_n3A_672, %lt3A_678 : i32
          %ne3A_680 = arith.xori %lt3A_677, %lt3A_679 : i1
          %and3A_681 = arith.andi %ne3A_680, %ne3A_675 : i1
          %add3A_682 = arith.addi %rem3A_673, %select_n3A_672 : i32
          %select_n3A_683 = arith.select %and3A_681, %add3A_682, %rem3A_673 : i32
          %mul3A_684 = arith.constant 1 : i32
          %mul3A_685 = arith.muli %mul3A_684, %select_n3A_667 : i32
          %mul3A_686 = arith.constant 256 : i32
          %mul3A_687 = arith.muli %mul3A_686, %select_n3A_683 : i32
          %dma_start3A_688 = arith.constant 0 : i32
          %dma_start3A_689 = arith.constant 0 : i32
          %dma_start3A_690 = arith.constant 0 : i32
          %dma_start3A_691 = tpu.memref_slice %run_scoped3A_17[%rem3A_643, %dma_start3A_688, %dma_start3A_689, %dma_start3A_690] : memref<2x1x256x128xf32, #tpu.memory_space<vmem>> -> memref<1x1x256x128xf32, #tpu.memory_space<vmem>>
          %dma_start3A_692 = tpu.memref_squeeze %dma_start3A_691 : memref<1x1x256x128xf32, #tpu.memory_space<vmem>> -> memref<1x256x128xf32, #tpu.memory_space<vmem>>
          %dma_start3A_693 = arith.constant 0 : i32
          %dma_start3A_694 = tpu.memref_slice %arg6[%mul3A_685, %mul3A_687, %dma_start3A_693] : memref<2x8192x128xf32, #tpu.memory_space<hbm>> -> memref<1x256x128xf32, #tpu.memory_space<hbm>>
          %dma_start3A_695 = tpu.memref_slice %run_scoped3A_18[%rem3A_643] : memref<2x!tpu.dma_semaphore, #tpu.memory_space<semaphore_mem>> -> memref<1x!tpu.dma_semaphore, #tpu.memory_space<semaphore_mem>>
          %dma_start3A_696 = tpu.memref_squeeze %dma_start3A_695 : memref<1x!tpu.dma_semaphore, #tpu.memory_space<semaphore_mem>> -> memref<!tpu.dma_semaphore, #tpu.memory_space<semaphore_mem>>
          %dma_start3A_697 = arith.constant 0 : i32
          %dma_start3A_698 = tpu.memref_slice %arg6[%mul3A_685, %mul3A_687, %dma_start3A_697] : memref<2x8192x128xf32, #tpu.memory_space<hbm>> -> memref<1x256x128xf32, #tpu.memory_space<hbm>>
          %dma_start3A_699 = arith.constant 0 : i32
          %dma_start3A_700 = arith.constant 0 : i32
          %dma_start3A_701 = arith.constant 0 : i32
          %dma_start3A_702 = tpu.memref_slice %run_scoped3A_17[%rem3A_643, %dma_start3A_699, %dma_start3A_700, %dma_start3A_701] : memref<2x1x256x128xf32, #tpu.memory_space<vmem>> -> memref<1x1x256x128xf32, #tpu.memory_space<vmem>>
          %dma_start3A_703 = tpu.memref_squeeze %dma_start3A_702 : memref<1x1x256x128xf32, #tpu.memory_space<vmem>> -> memref<1x256x128xf32, #tpu.memory_space<vmem>>
          tpu.enqueue_dma source(%dma_start3A_703 : memref<1x256x128xf32, #tpu.memory_space<vmem>>) target(%dma_start3A_698 : memref<1x256x128xf32, #tpu.memory_space<hbm>>) target_semaphore(%dma_start3A_696 : memref<!tpu.dma_semaphore, #tpu.memory_space<semaphore_mem>>)
          "tpu.trace_stop"() : () -> ()
        } else {
        }
        %and3A_513 = arith.constant true
        %and3A_514 = arith.andi %or3A_509, %and3A_513 : i1
        %add3A_515 = arith.constant 1 : i32
        %add3A_516 = arith.addi %scan3A_171, %add3A_515 : i32
        %select_n3A_517 = arith.select %and3A_514, %add3A_516, %scan3A_171 : i32
        %ne3A_518 = arith.cmpi ne, %add3A_178, %add3A_187 : i32
        %or3A_519 = arith.constant false
        %or3A_520 = arith.ori %or3A_519, %ne3A_518 : i1
        %not3A_521 = arith.constant true
        %not3A_522 = arith.xori %eq3A_175, %not3A_521 : i1
        %and3A_523 = arith.andi %or3A_520, %not3A_522 : i1
        %convert_element_type3A_524 = arith.extui %and3A_523 : i1 to i32
        %cond3A_525 = arith.constant 0 : i32
        %cond3A_526 = arith.cmpi ne, %convert_element_type3A_524, %cond3A_525 : i32
        scf.if %cond3A_526 {
        } else {
        }
        %and3A_527 = arith.constant false
        %and3A_528 = arith.andi %and3A_523, %and3A_527 : i1
        %jit3A_529 = arith.constant 32 : i32
        %div3A_530 = arith.divsi %add3A_178, %jit3A_529 : i32
        %sign3A_531 = arith.constant 0 : i32
        %sign3A_532 = arith.cmpi sgt, %add3A_178, %sign3A_531 : i32
        %sign3A_533 = arith.extui %sign3A_532 : i1 to i32
        %sign3A_534 = arith.constant 0 : i32
        %sign3A_535 = arith.cmpi slt, %add3A_178, %sign3A_534 : i32
        %sign3A_536 = arith.extui %sign3A_535 : i1 to i32
        %sign3A_537 = arith.subi %sign3A_533, %sign3A_536 : i32
        %sign3A_538 = arith.constant 0 : i32
        %sign3A_539 = arith.cmpi sgt, %jit3A_529, %sign3A_538 : i32
        %sign3A_540 = arith.extui %sign3A_539 : i1 to i32
        %sign3A_541 = arith.constant 0 : i32
        %sign3A_542 = arith.cmpi slt, %jit3A_529, %sign3A_541 : i32
        %sign3A_543 = arith.extui %sign3A_542 : i1 to i32
        %sign3A_544 = arith.subi %sign3A_540, %sign3A_543 : i32
        %ne3A_545 = arith.cmpi ne, %sign3A_537, %sign3A_544 : i32
        %rem3A_546 = arith.remsi %add3A_178, %jit3A_529 : i32
        %ne3A_547 = arith.constant 0 : i32
        %ne3A_548 = arith.cmpi ne, %rem3A_546, %ne3A_547 : i32
        %and3A_549 = arith.andi %ne3A_545, %ne3A_548 : i1
        %sub3A_550 = arith.constant 1 : i32
        %sub3A_551 = arith.subi %div3A_530, %sub3A_550 : i32
        %select_n3A_552 = arith.select %and3A_549, %sub3A_551, %div3A_530 : i32
        %jit3A_553 = arith.constant 32 : i32
        %eq3A_554 = arith.constant 0 : i32
        %eq3A_555 = arith.cmpi eq, %jit3A_553, %eq3A_554 : i32
        %jit3A_556 = arith.constant 1 : i32
        %select_n3A_557 = arith.select %eq3A_555, %jit3A_556, %jit3A_553 : i32
        %rem3A_558 = arith.remsi %add3A_178, %select_n3A_557 : i32
        %ne3A_559 = arith.constant 0 : i32
        %ne3A_560 = arith.cmpi ne, %rem3A_558, %ne3A_559 : i32
        %lt3A_561 = arith.constant 0 : i32
        %lt3A_562 = arith.cmpi slt, %rem3A_558, %lt3A_561 : i32
        %lt3A_563 = arith.constant 0 : i32
        %lt3A_564 = arith.cmpi slt, %select_n3A_557, %lt3A_563 : i32
        %ne3A_565 = arith.xori %lt3A_562, %lt3A_564 : i1
        %and3A_566 = arith.andi %ne3A_565, %ne3A_560 : i1
        %add3A_567 = arith.addi %rem3A_558, %select_n3A_557 : i32
        %select_n3A_568 = arith.select %and3A_566, %add3A_567, %rem3A_558 : i32
        %jit3A_569 = arith.constant 32 : i32
        %div3A_570 = arith.divsi %add3A_187, %jit3A_569 : i32
        %sign3A_571 = arith.constant 0 : i32
        %sign3A_572 = arith.cmpi sgt, %add3A_187, %sign3A_571 : i32
        %sign3A_573 = arith.extui %sign3A_572 : i1 to i32
        %sign3A_574 = arith.constant 0 : i32
        %sign3A_575 = arith.cmpi slt, %add3A_187, %sign3A_574 : i32
        %sign3A_576 = arith.extui %sign3A_575 : i1 to i32
        %sign3A_577 = arith.subi %sign3A_573, %sign3A_576 : i32
        %sign3A_578 = arith.constant 0 : i32
        %sign3A_579 = arith.cmpi sgt, %jit3A_569, %sign3A_578 : i32
        %sign3A_580 = arith.extui %sign3A_579 : i1 to i32
        %sign3A_581 = arith.constant 0 : i32
        %sign3A_582 = arith.cmpi slt, %jit3A_569, %sign3A_581 : i32
        %sign3A_583 = arith.extui %sign3A_582 : i1 to i32
        %sign3A_584 = arith.subi %sign3A_580, %sign3A_583 : i32
        %ne3A_585 = arith.cmpi ne, %sign3A_577, %sign3A_584 : i32
        %rem3A_586 = arith.remsi %add3A_187, %jit3A_569 : i32
        %ne3A_587 = arith.constant 0 : i32
        %ne3A_588 = arith.cmpi ne, %rem3A_586, %ne3A_587 : i32
        %and3A_589 = arith.andi %ne3A_585, %ne3A_588 : i1
        %sub3A_590 = arith.constant 1 : i32
        %sub3A_591 = arith.subi %div3A_570, %sub3A_590 : i32
        %select_n3A_592 = arith.select %and3A_589, %sub3A_591, %div3A_570 : i32
        %jit3A_593 = arith.constant 32 : i32
        %eq3A_594 = arith.constant 0 : i32
        %eq3A_595 = arith.cmpi eq, %jit3A_593, %eq3A_594 : i32
        %jit3A_596 = arith.constant 1 : i32
        %select_n3A_597 = arith.select %eq3A_595, %jit3A_596, %jit3A_593 : i32
        %rem3A_598 = arith.remsi %add3A_187, %select_n3A_597 : i32
        %ne3A_599 = arith.constant 0 : i32
        %ne3A_600 = arith.cmpi ne, %rem3A_598, %ne3A_599 : i32
        %lt3A_601 = arith.constant 0 : i32
        %lt3A_602 = arith.cmpi slt, %rem3A_598, %lt3A_601 : i32
        %lt3A_603 = arith.constant 0 : i32
        %lt3A_604 = arith.cmpi slt, %select_n3A_597, %lt3A_603 : i32
        %ne3A_605 = arith.xori %lt3A_602, %lt3A_604 : i1
        %and3A_606 = arith.andi %ne3A_605, %ne3A_600 : i1
        %add3A_607 = arith.addi %rem3A_598, %select_n3A_597 : i32
        %select_n3A_608 = arith.select %and3A_606, %add3A_607, %rem3A_598 : i32
        %ne3A_609 = arith.cmpi ne, %select_n3A_552, %select_n3A_592 : i32
        %ne3A_610 = arith.cmpi ne, %select_n3A_568, %select_n3A_608 : i32
        %or3A_611 = arith.constant false
        %or3A_612 = arith.ori %or3A_611, %ne3A_609 : i1
        %or3A_613 = arith.ori %or3A_612, %ne3A_610 : i1
        %or3A_614 = arith.constant false
        %or3A_615 = arith.ori %or3A_613, %or3A_614 : i1
        %not3A_616 = arith.constant true
        %not3A_617 = arith.xori %eq3A_175, %not3A_616 : i1
        %and3A_618 = arith.andi %or3A_615, %not3A_617 : i1
        %convert_element_type3A_619 = arith.extui %and3A_618 : i1 to i32
        %cond3A_620 = arith.constant 0 : i32
        %cond3A_621 = arith.cmpi ne, %convert_element_type3A_619, %cond3A_620 : i32
        scf.if %cond3A_621 {
          "tpu.trace_start"() <{level = 10 : i32, message = "ep_wait_out"}> : () -> ()
          %rem3A_642 = arith.constant 2 : i32
          %rem3A_643 = arith.remui %scan3A_172, %rem3A_642 : i32
          %jit3A_644 = arith.constant 32 : i32
          %div3A_645 = arith.divsi %add3A_187, %jit3A_644 : i32
          %sign3A_646 = arith.constant 0 : i32
          %sign3A_647 = arith.cmpi sgt, %add3A_187, %sign3A_646 : i32
          %sign3A_648 = arith.extui %sign3A_647 : i1 to i32
          %sign3A_649 = arith.constant 0 : i32
          %sign3A_650 = arith.cmpi slt, %add3A_187, %sign3A_649 : i32
          %sign3A_651 = arith.extui %sign3A_650 : i1 to i32
          %sign3A_652 = arith.subi %sign3A_648, %sign3A_651 : i32
          %sign3A_653 = arith.constant 0 : i32
          %sign3A_654 = arith.cmpi sgt, %jit3A_644, %sign3A_653 : i32
          %sign3A_655 = arith.extui %sign3A_654 : i1 to i32
          %sign3A_656 = arith.constant 0 : i32
          %sign3A_657 = arith.cmpi slt, %jit3A_644, %sign3A_656 : i32
          %sign3A_658 = arith.extui %sign3A_657 : i1 to i32
          %sign3A_659 = arith.subi %sign3A_655, %sign3A_658 : i32
          %ne3A_660 = arith.cmpi ne, %sign3A_652, %sign3A_659 : i32
          %rem3A_661 = arith.remsi %add3A_187, %jit3A_644 : i32
          %ne3A_662 = arith.constant 0 : i32
          %ne3A_663 = arith.cmpi ne, %rem3A_661, %ne3A_662 : i32
          %and3A_664 = arith.andi %ne3A_660, %ne3A_663 : i1
          %sub3A_665 = arith.constant 1 : i32
          %sub3A_666 = arith.subi %div3A_645, %sub3A_665 : i32
          %select_n3A_667 = arith.select %and3A_664, %sub3A_666, %div3A_645 : i32
          %jit3A_668 = arith.constant 32 : i32
          %eq3A_669 = arith.constant 0 : i32
          %eq3A_670 = arith.cmpi eq, %jit3A_668, %eq3A_669 : i32
          %jit3A_671 = arith.constant 1 : i32
          %select_n3A_672 = arith.select %eq3A_670, %jit3A_671, %jit3A_668 : i32
          %rem3A_673 = arith.remsi %add3A_187, %select_n3A_672 : i32
          %ne3A_674 = arith.constant 0 : i32
          %ne3A_675 = arith.cmpi ne, %rem3A_673, %ne3A_674 : i32
          %lt3A_676 = arith.constant 0 : i32
          %lt3A_677 = arith.cmpi slt, %rem3A_673, %lt3A_676 : i32
          %lt3A_678 = arith.constant 0 : i32
          %lt3A_679 = arith.cmpi slt, %select_n3A_672, %lt3A_678 : i32
          %ne3A_680 = arith.xori %lt3A_677, %lt3A_679 : i1
          %and3A_681 = arith.andi %ne3A_680, %ne3A_675 : i1
          %add3A_682 = arith.addi %rem3A_673, %select_n3A_672 : i32
          %select_n3A_683 = arith.select %and3A_681, %add3A_682, %rem3A_673 : i32
          %mul3A_684 = arith.constant 1 : i32
          %mul3A_685 = arith.muli %mul3A_684, %select_n3A_667 : i32
          %mul3A_686 = arith.constant 256 : i32
          %mul3A_687 = arith.muli %mul3A_686, %select_n3A_683 : i32
          %dma_wait3A_688 = arith.constant 0 : i32
          %dma_wait3A_689 = arith.constant 0 : i32
          %dma_wait3A_690 = arith.constant 0 : i32
          %dma_wait3A_691 = tpu.memref_slice %run_scoped3A_17[%rem3A_643, %dma_wait3A_688, %dma_wait3A_689, %dma_wait3A_690] : memref<2x1x256x128xf32, #tpu.memory_space<vmem>> -> memref<1x1x256x128xf32, #tpu.memory_space<vmem>>
          %dma_wait3A_692 = tpu.memref_squeeze %dma_wait3A_691 : memref<1x1x256x128xf32, #tpu.memory_space<vmem>> -> memref<1x256x128xf32, #tpu.memory_space<vmem>>
          %dma_wait3A_693 = arith.constant 0 : i32
          %dma_wait3A_694 = tpu.memref_slice %arg6[%mul3A_685, %mul3A_687, %dma_wait3A_693] : memref<2x8192x128xf32, #tpu.memory_space<hbm>> -> memref<1x256x128xf32, #tpu.memory_space<hbm>>
          %dma_wait3A_695 = tpu.memref_slice %run_scoped3A_18[%rem3A_643] : memref<2x!tpu.dma_semaphore, #tpu.memory_space<semaphore_mem>> -> memref<1x!tpu.dma_semaphore, #tpu.memory_space<semaphore_mem>>
          %dma_wait3A_696 = tpu.memref_squeeze %dma_wait3A_695 : memref<1x!tpu.dma_semaphore, #tpu.memory_space<semaphore_mem>> -> memref<!tpu.dma_semaphore, #tpu.memory_space<semaphore_mem>>
          %dma_wait3A_697 = arith.constant 0 : i32
          %dma_wait3A_698 = tpu.memref_slice %arg6[%mul3A_685, %mul3A_687, %dma_wait3A_697] : memref<2x8192x128xf32, #tpu.memory_space<hbm>> -> memref<1x256x128xf32, #tpu.memory_space<hbm>>
          %dma_wait3A_699 = arith.constant 0 : i32
          %dma_wait3A_700 = arith.constant 0 : i32
          %dma_wait3A_701 = arith.constant 0 : i32
          %dma_wait3A_702 = tpu.memref_slice %run_scoped3A_17[%rem3A_643, %dma_wait3A_699, %dma_wait3A_700, %dma_wait3A_701] : memref<2x1x256x128xf32, #tpu.memory_space<vmem>> -> memref<1x1x256x128xf32, #tpu.memory_space<vmem>>
          %dma_wait3A_703 = tpu.memref_squeeze %dma_wait3A_702 : memref<1x1x256x128xf32, #tpu.memory_space<vmem>> -> memref<1x256x128xf32, #tpu.memory_space<vmem>>
          tpu.wait_dma2 semaphore(%dma_wait3A_696 : memref<!tpu.dma_semaphore, #tpu.memory_space<semaphore_mem>>) src(%dma_wait3A_703 : memref<1x256x128xf32, #tpu.memory_space<vmem>>) dst(%dma_wait3A_698 : memref<1x256x128xf32, #tpu.memory_space<hbm>>)
          "tpu.trace_stop"() : () -> ()
        } else {
        }
        %and3A_622 = arith.constant true
        %and3A_623 = arith.andi %and3A_618, %and3A_622 : i1
        %add3A_624 = arith.constant 1 : i32
        %add3A_625 = arith.addi %scan3A_172, %add3A_624 : i32
        %select_n3A_626 = arith.select %and3A_623, %add3A_625, %scan3A_172 : i32
        %ne3A_627 = arith.cmpi ne, %add3A_178, %add3A_196 : i32
        %or3A_628 = arith.constant false
        %or3A_629 = arith.ori %or3A_628, %ne3A_627 : i1
        %or3A_630 = arith.ori %or3A_629, %eq3A_177 : i1
        %add3A_631 = arith.constant 1 : i32
        %add3A_632 = arith.addi %scan3A_170, %add3A_631 : i32
        %select_n3A_633 = arith.select %or3A_630, %add3A_632, %scan3A_170 : i32
        %add3A_634 = arith.constant 1 : i32
        %add3A_635 = arith.addi %scan3A_173, %add3A_634 : i32
        %select_n3A_636 = arith.constant true
        %select_n3A_637 = arith.select %select_n3A_636, %add3A_635, %scan3A_173 : i32
        %eq3A_638 = arith.constant 2 : i32
        %eq3A_639 = arith.cmpi eq, %select_n3A_637, %eq3A_638 : i32
        %select_n3A_640 = arith.constant 0 : i32
        %select_n3A_641 = arith.select %eq3A_639, %select_n3A_640, %select_n3A_637 : i32
        scf.yield %select_n3A_216, %select_n3A_633, %select_n3A_517, %select_n3A_626, %select_n3A_641 : i32, i32, i32, i32, i32
      }
      %scan3A_77 = arith.constant 2 : i32
      %sub3A = arith.constant 1 : i32
      %sub3A_78 = arith.subi %scan3A_76#4, %sub3A : i32
      %select_n3A_79 = arith.constant true
      %select_n3A_80 = arith.select %select_n3A_79, %sub3A_78, %scan3A_76#4 : i32
      %eq3A_81 = arith.constant -1 : i32
      %eq3A_82 = arith.cmpi eq, %select_n3A_80, %eq3A_81 : i32
      %select_n3A_83 = arith.constant 1 : i32
      %select_n3A_84 = arith.select %eq3A_82, %select_n3A_83, %select_n3A_80 : i32
      %add3A_85 = arith.addi %select_n3A_84, %mul3A_6 : i32
      %sub3A_86 = arith.constant 1 : i32
      %sub3A_87 = arith.subi %select_n3A_84, %sub3A_86 : i32
      %select_n3A_88 = arith.constant true
      %select_n3A_89 = arith.select %select_n3A_88, %sub3A_87, %select_n3A_84 : i32
      %eq3A_90 = arith.constant -1 : i32
      %eq3A_91 = arith.cmpi eq, %select_n3A_89, %eq3A_90 : i32
      %select_n3A_92 = arith.constant 1 : i32
      %select_n3A_93 = arith.select %eq3A_91, %select_n3A_92, %select_n3A_89 : i32
      %add3A_94 = arith.addi %select_n3A_93, %mul3A_6 : i32
      %add3A_95 = arith.constant 1 : i32
      %add3A_96 = arith.addi %select_n3A_84, %add3A_95 : i32
      %select_n3A_97 = arith.constant true
      %select_n3A_98 = arith.select %select_n3A_97, %add3A_96, %select_n3A_84 : i32
      %eq3A_99 = arith.constant 2 : i32
      %eq3A_100 = arith.cmpi eq, %select_n3A_98, %eq3A_99 : i32
      %select_n3A_101 = arith.constant 0 : i32
      %select_n3A_102 = arith.select %eq3A_100, %select_n3A_101, %select_n3A_98 : i32
      %add3A_103 = arith.addi %select_n3A_102, %mul3A_6 : i32
      %add3A_104 = arith.constant 1 : i32
      %add3A_105 = arith.addi %select_n3A_102, %add3A_104 : i32
      %select_n3A_106 = arith.constant true
      %select_n3A_107 = arith.select %select_n3A_106, %add3A_105, %select_n3A_102 : i32
      %eq3A_108 = arith.constant 2 : i32
      %eq3A_109 = arith.cmpi eq, %select_n3A_107, %eq3A_108 : i32
      %select_n3A_110 = arith.constant 0 : i32
      %select_n3A_111 = arith.select %eq3A_109, %select_n3A_110, %select_n3A_107 : i32
      %add3A_112 = arith.addi %select_n3A_111, %mul3A_6 : i32
      "tpu.trace_start"() <{level = 10 : i32, message = "ep_finalize"}> : () -> ()
      %rem3A_113 = arith.constant 2 : i32
      %rem3A_114 = arith.remui %scan3A_76#3, %rem3A_113 : i32
      %jit3A = arith.constant 32 : i32
      %div3A = arith.divsi %add3A_85, %jit3A : i32
      %sign3A = arith.constant 0 : i32
      %sign3A_115 = arith.cmpi sgt, %add3A_85, %sign3A : i32
      %sign3A_116 = arith.extui %sign3A_115 : i1 to i32
      %sign3A_117 = arith.constant 0 : i32
      %sign3A_118 = arith.cmpi slt, %add3A_85, %sign3A_117 : i32
      %sign3A_119 = arith.extui %sign3A_118 : i1 to i32
      %sign3A_120 = arith.subi %sign3A_116, %sign3A_119 : i32
      %sign3A_121 = arith.constant 0 : i32
      %sign3A_122 = arith.cmpi sgt, %jit3A, %sign3A_121 : i32
      %sign3A_123 = arith.extui %sign3A_122 : i1 to i32
      %sign3A_124 = arith.constant 0 : i32
      %sign3A_125 = arith.cmpi slt, %jit3A, %sign3A_124 : i32
      %sign3A_126 = arith.extui %sign3A_125 : i1 to i32
      %sign3A_127 = arith.subi %sign3A_123, %sign3A_126 : i32
      %ne3A = arith.cmpi ne, %sign3A_120, %sign3A_127 : i32
      %rem3A_128 = arith.remsi %add3A_85, %jit3A : i32
      %ne3A_129 = arith.constant 0 : i32
      %ne3A_130 = arith.cmpi ne, %rem3A_128, %ne3A_129 : i32
      %and3A = arith.andi %ne3A, %ne3A_130 : i1
      %sub3A_131 = arith.constant 1 : i32
      %sub3A_132 = arith.subi %div3A, %sub3A_131 : i32
      %select_n3A_133 = arith.select %and3A, %sub3A_132, %div3A : i32
      %jit3A_134 = arith.constant 32 : i32
      %eq3A_135 = arith.constant 0 : i32
      %eq3A_136 = arith.cmpi eq, %jit3A_134, %eq3A_135 : i32
      %jit3A_137 = arith.constant 1 : i32
      %select_n3A_138 = arith.select %eq3A_136, %jit3A_137, %jit3A_134 : i32
      %rem3A_139 = arith.remsi %add3A_85, %select_n3A_138 : i32
      %ne3A_140 = arith.constant 0 : i32
      %ne3A_141 = arith.cmpi ne, %rem3A_139, %ne3A_140 : i32
      %lt3A = arith.constant 0 : i32
      %lt3A_142 = arith.cmpi slt, %rem3A_139, %lt3A : i32
      %lt3A_143 = arith.constant 0 : i32
      %lt3A_144 = arith.cmpi slt, %select_n3A_138, %lt3A_143 : i32
      %ne3A_145 = arith.xori %lt3A_142, %lt3A_144 : i1
      %and3A_146 = arith.andi %ne3A_145, %ne3A_141 : i1
      %add3A_147 = arith.addi %rem3A_139, %select_n3A_138 : i32
      %select_n3A_148 = arith.select %and3A_146, %add3A_147, %rem3A_139 : i32
      %mul3A_149 = arith.constant 1 : i32
      %mul3A_150 = arith.muli %mul3A_149, %select_n3A_133 : i32
      %mul3A_151 = arith.constant 256 : i32
      %mul3A_152 = arith.muli %mul3A_151, %select_n3A_148 : i32
      %dma_wait3A = arith.constant 0 : i32
      %dma_wait3A_153 = arith.constant 0 : i32
      %dma_wait3A_154 = arith.constant 0 : i32
      %dma_wait3A_155 = tpu.memref_slice %run_scoped3A_17[%rem3A_114, %dma_wait3A, %dma_wait3A_153, %dma_wait3A_154] : memref<2x1x256x128xf32, #tpu.memory_space<vmem>> -> memref<1x1x256x128xf32, #tpu.memory_space<vmem>>
      %dma_wait3A_156 = tpu.memref_squeeze %dma_wait3A_155 : memref<1x1x256x128xf32, #tpu.memory_space<vmem>> -> memref<1x256x128xf32, #tpu.memory_space<vmem>>
      %dma_wait3A_157 = arith.constant 0 : i32
      %dma_wait3A_158 = tpu.memref_slice %arg6[%mul3A_150, %mul3A_152, %dma_wait3A_157] : memref<2x8192x128xf32, #tpu.memory_space<hbm>> -> memref<1x256x128xf32, #tpu.memory_space<hbm>>
      %dma_wait3A_159 = tpu.memref_slice %run_scoped3A_18[%rem3A_114] : memref<2x!tpu.dma_semaphore, #tpu.memory_space<semaphore_mem>> -> memref<1x!tpu.dma_semaphore, #tpu.memory_space<semaphore_mem>>
      %dma_wait3A_160 = tpu.memref_squeeze %dma_wait3A_159 : memref<1x!tpu.dma_semaphore, #tpu.memory_space<semaphore_mem>> -> memref<!tpu.dma_semaphore, #tpu.memory_space<semaphore_mem>>
      %dma_wait3A_161 = arith.constant 0 : i32
      %dma_wait3A_162 = tpu.memref_slice %arg6[%mul3A_150, %mul3A_152, %dma_wait3A_161] : memref<2x8192x128xf32, #tpu.memory_space<hbm>> -> memref<1x256x128xf32, #tpu.memory_space<hbm>>
      %dma_wait3A_163 = arith.constant 0 : i32
      %dma_wait3A_164 = arith.constant 0 : i32
      %dma_wait3A_165 = arith.constant 0 : i32
      %dma_wait3A_166 = tpu.memref_slice %run_scoped3A_17[%rem3A_114, %dma_wait3A_163, %dma_wait3A_164, %dma_wait3A_165] : memref<2x1x256x128xf32, #tpu.memory_space<vmem>> -> memref<1x1x256x128xf32, #tpu.memory_space<vmem>>
      %dma_wait3A_167 = tpu.memref_squeeze %dma_wait3A_166 : memref<1x1x256x128xf32, #tpu.memory_space<vmem>> -> memref<1x256x128xf32, #tpu.memory_space<vmem>>
      tpu.wait_dma2 semaphore(%dma_wait3A_160 : memref<!tpu.dma_semaphore, #tpu.memory_space<semaphore_mem>>) src(%dma_wait3A_167 : memref<1x256x128xf32, #tpu.memory_space<vmem>>) dst(%dma_wait3A_162 : memref<1x256x128xf32, #tpu.memory_space<hbm>>)
      "tpu.trace_stop"() : () -> ()
      tpu.yield
    }) : () -> ()
    %mul3A_7 = arith.constant 1 : i32
    %mul3A_8 = arith.muli %arg1, %mul3A_7 : i32
    %add3A_9 = arith.constant 0 : i32
    %add3A_10 = arith.addi %add3A_9, %mul3A_8 : i32
    %mul3A_11 = arith.constant 16 : i32
    %mul3A_12 = arith.muli %arg0, %mul3A_11 : i32
    %add3A_13 = arith.addi %add3A_10, %mul3A_12 : i32
    %mul3A_14 = arith.constant 1 : i32
    %mul3A_15 = arith.muli %add3A_13, %mul3A_14 : i32
    "tpu.region"() ({
      %run_scoped3A = memref.alloca() : memref<2x1x256xi32, #tpu.memory_space<vmem>>
      %run_scoped3A_16 = tpu.sem_alloc : memref<2x!tpu.dma_semaphore, #tpu.memory_space<semaphore_mem>>
      %run_scoped3A_17 = memref.alloca() : memref<2x256x128xf32, #tpu.memory_space<vmem>>
      %run_scoped3A_18 = tpu.sem_alloc : memref<2x!tpu.dma_semaphore, #tpu.memory_space<semaphore_mem>>
      %add3A_19 = arith.constant 0 : i32
      %add3A_20 = arith.addi %add3A_19, %mul3A_15 : i32
      %select_n3A = arith.constant true
      %select_n3A_21 = arith.constant 0 : i32
      %select_n3A_22 = arith.constant -1 : i32
      %select_n3A_23 = arith.select %select_n3A, %select_n3A_22, %select_n3A_21 : i32
      %eq3A = arith.constant -1 : i32
      %eq3A_24 = arith.cmpi eq, %select_n3A_23, %eq3A : i32
      %select_n3A_25 = arith.constant 0 : i32
      %select_n3A_26 = arith.select %eq3A_24, %select_n3A_25, %select_n3A_23 : i32
      %add3A_27 = arith.constant 0 : i32
      %add3A_28 = arith.addi %add3A_27, %mul3A_15 : i32
      %select_n3A_29 = arith.constant true
      %select_n3A_30 = arith.constant 0 : i32
      %select_n3A_31 = arith.constant 1 : i32
      %select_n3A_32 = arith.select %select_n3A_29, %select_n3A_31, %select_n3A_30 : i32
      %eq3A_33 = arith.constant 1 : i32
      %eq3A_34 = arith.cmpi eq, %select_n3A_32, %eq3A_33 : i32
      %select_n3A_35 = arith.constant 0 : i32
      %select_n3A_36 = arith.select %eq3A_34, %select_n3A_35, %select_n3A_32 : i32
      %add3A_37 = arith.constant 0 : i32
      %add3A_38 = arith.addi %add3A_37, %mul3A_15 : i32
      %select_n3A_39 = arith.constant true
      %select_n3A_40 = arith.constant 0 : i32
      %select_n3A_41 = arith.constant 1 : i32
      %select_n3A_42 = arith.select %select_n3A_39, %select_n3A_41, %select_n3A_40 : i32
      %eq3A_43 = arith.constant 1 : i32
      %eq3A_44 = arith.cmpi eq, %select_n3A_42, %eq3A_43 : i32
      %select_n3A_45 = arith.constant 0 : i32
      %select_n3A_46 = arith.select %eq3A_44, %select_n3A_45, %select_n3A_42 : i32
      %add3A_47 = arith.constant 0 : i32
      %add3A_48 = arith.addi %add3A_47, %mul3A_15 : i32
      "tpu.trace_start"() <{level = 10 : i32, message = "ep_initialize_0"}> : () -> ()
      %rem3A = arith.constant 0 : i32
      %rem3A_49 = arith.constant 2 : i32
      %rem3A_50 = arith.remui %rem3A, %rem3A_49 : i32
      %mul3A_51 = arith.constant 256 : i32
      %mul3A_52 = arith.muli %mul3A_51, %add3A_20 : i32
      %dma_start3A = arith.constant 0 : i32
      %dma_start3A_53 = arith.constant 0 : i32
      %dma_start3A_54 = tpu.memref_slice %run_scoped3A[%rem3A_50, %dma_start3A, %dma_start3A_53] : memref<2x1x256xi32, #tpu.memory_space<vmem>> -> memref<1x1x256xi32, #tpu.memory_space<vmem>>
      %dma_start3A_55 = tpu.memref_squeeze %dma_start3A_54 : memref<1x1x256xi32, #tpu.memory_space<vmem>> -> memref<1x256xi32, #tpu.memory_space<vmem>>
      %dma_start3A_56 = arith.constant 0 : i32
      %dma_start3A_57 = tpu.memref_slice %arg5[%dma_start3A_56, %mul3A_52] : memref<1x8192xi32, #tpu.memory_space<hbm>> -> memref<1x256xi32, #tpu.memory_space<hbm>>
      %dma_start3A_58 = tpu.memref_slice %run_scoped3A_16[%rem3A_50] : memref<2x!tpu.dma_semaphore, #tpu.memory_space<semaphore_mem>> -> memref<1x!tpu.dma_semaphore, #tpu.memory_space<semaphore_mem>>
      %dma_start3A_59 = tpu.memref_squeeze %dma_start3A_58 : memref<1x!tpu.dma_semaphore, #tpu.memory_space<semaphore_mem>> -> memref<!tpu.dma_semaphore, #tpu.memory_space<semaphore_mem>>
      %dma_start3A_60 = arith.constant 0 : i32
      %dma_start3A_61 = arith.constant 0 : i32
      %dma_start3A_62 = tpu.memref_slice %run_scoped3A[%rem3A_50, %dma_start3A_60, %dma_start3A_61] : memref<2x1x256xi32, #tpu.memory_space<vmem>> -> memref<1x1x256xi32, #tpu.memory_space<vmem>>
      %dma_start3A_63 = tpu.memref_squeeze %dma_start3A_62 : memref<1x1x256xi32, #tpu.memory_space<vmem>> -> memref<1x256xi32, #tpu.memory_space<vmem>>
      %dma_start3A_64 = arith.constant 0 : i32
      %dma_start3A_65 = tpu.memref_slice %arg5[%dma_start3A_64, %mul3A_52] : memref<1x8192xi32, #tpu.memory_space<hbm>> -> memref<1x256xi32, #tpu.memory_space<hbm>>
      tpu.enqueue_dma source(%dma_start3A_65 : memref<1x256xi32, #tpu.memory_space<hbm>>) target(%dma_start3A_63 : memref<1x256xi32, #tpu.memory_space<vmem>>) target_semaphore(%dma_start3A_59 : memref<!tpu.dma_semaphore, #tpu.memory_space<semaphore_mem>>)
      %add3A_66 = arith.constant 0 : i32
      %add3A_67 = arith.constant 1 : i32
      %add3A_68 = arith.addi %add3A_66, %add3A_67 : i32
      %select_n3A_69 = arith.constant true
      %select_n3A_70 = arith.constant 0 : i32
      %select_n3A_71 = arith.select %select_n3A_69, %add3A_68, %select_n3A_70 : i32
      "tpu.trace_stop"() : () -> ()
      %scan3A = arith.constant 0 : i32
      %scan3A_72 = arith.constant 0 : i32
      %scan3A_73 = arith.constant 0 : i32
      %scan3A_74 = arith.constant 0 : i32
      %scan3A_75 = arith.constant 0 : i32
      %eq3A_76 = arith.constant 0 : i32
      %eq3A_77 = arith.cmpi eq, %scan3A_75, %eq3A_76 : i32
      %eq3A_78 = arith.constant 0 : i32
      %eq3A_79 = arith.cmpi eq, %scan3A_75, %eq3A_78 : i32
      %add3A_80 = arith.constant 0 : i32
      %add3A_81 = arith.addi %add3A_80, %mul3A_15 : i32
      %select_n3A_82 = arith.constant true
      %select_n3A_83 = arith.constant 0 : i32
      %select_n3A_84 = arith.constant -1 : i32
      %select_n3A_85 = arith.select %select_n3A_82, %select_n3A_84, %select_n3A_83 : i32
      %eq3A_86 = arith.constant -1 : i32
      %eq3A_87 = arith.cmpi eq, %select_n3A_85, %eq3A_86 : i32
      %select_n3A_88 = arith.constant 0 : i32
      %select_n3A_89 = arith.select %eq3A_87, %select_n3A_88, %select_n3A_85 : i32
      %add3A_90 = arith.constant 0 : i32
      %add3A_91 = arith.addi %add3A_90, %mul3A_15 : i32
      %select_n3A_92 = arith.constant true
      %select_n3A_93 = arith.constant 0 : i32
      %select_n3A_94 = arith.constant 1 : i32
      %select_n3A_95 = arith.select %select_n3A_92, %select_n3A_94, %select_n3A_93 : i32
      %eq3A_96 = arith.constant 1 : i32
      %eq3A_97 = arith.cmpi eq, %select_n3A_95, %eq3A_96 : i32
      %select_n3A_98 = arith.constant 0 : i32
      %select_n3A_99 = arith.select %eq3A_97, %select_n3A_98, %select_n3A_95 : i32
      %add3A_100 = arith.constant 0 : i32
      %add3A_101 = arith.addi %add3A_100, %mul3A_15 : i32
      %select_n3A_102 = arith.constant true
      %select_n3A_103 = arith.constant 0 : i32
      %select_n3A_104 = arith.constant 1 : i32
      %select_n3A_105 = arith.select %select_n3A_102, %select_n3A_104, %select_n3A_103 : i32
      %eq3A_106 = arith.constant 1 : i32
      %eq3A_107 = arith.cmpi eq, %select_n3A_105, %eq3A_106 : i32
      %select_n3A_108 = arith.constant 0 : i32
      %select_n3A_109 = arith.select %eq3A_107, %select_n3A_108, %select_n3A_105 : i32
      %add3A_110 = arith.constant 0 : i32
      %add3A_111 = arith.addi %add3A_110, %mul3A_15 : i32
      %ne3A = arith.cmpi ne, %add3A_81, %add3A_101 : i32
      %or3A = arith.constant false
      %or3A_112 = arith.ori %or3A, %ne3A : i1
      %ge3A = arith.constant 0 : i32
      %ge3A_113 = arith.cmpi sge, %scan3A_75, %ge3A : i32
      %not3A = arith.constant true
      %not3A_114 = arith.xori %ge3A_113, %not3A : i1
      %and3A = arith.andi %or3A_112, %not3A_114 : i1
      %convert_element_type3A = arith.extui %and3A : i1 to i32
      %cond3A = arith.constant 0 : i32
      %cond3A_115 = arith.cmpi ne, %convert_element_type3A, %cond3A : i32
      scf.if %cond3A_115 {
        "tpu.trace_start"() <{level = 10 : i32, message = "ep_copy_in"}> : () -> ()
        %rem3A_275 = arith.constant 2 : i32
        %rem3A_276 = arith.remui %select_n3A_71, %rem3A_275 : i32
        %mul3A_277 = arith.constant 256 : i32
        %mul3A_278 = arith.muli %mul3A_277, %add3A_101 : i32
        %dma_start3A_279 = arith.constant 0 : i32
        %dma_start3A_280 = arith.constant 0 : i32
        %dma_start3A_281 = tpu.memref_slice %run_scoped3A[%rem3A_276, %dma_start3A_279, %dma_start3A_280] : memref<2x1x256xi32, #tpu.memory_space<vmem>> -> memref<1x1x256xi32, #tpu.memory_space<vmem>>
        %dma_start3A_282 = tpu.memref_squeeze %dma_start3A_281 : memref<1x1x256xi32, #tpu.memory_space<vmem>> -> memref<1x256xi32, #tpu.memory_space<vmem>>
        %dma_start3A_283 = arith.constant 0 : i32
        %dma_start3A_284 = tpu.memref_slice %arg5[%dma_start3A_283, %mul3A_278] : memref<1x8192xi32, #tpu.memory_space<hbm>> -> memref<1x256xi32, #tpu.memory_space<hbm>>
        %dma_start3A_285 = tpu.memref_slice %run_scoped3A_16[%rem3A_276] : memref<2x!tpu.dma_semaphore, #tpu.memory_space<semaphore_mem>> -> memref<1x!tpu.dma_semaphore, #tpu.memory_space<semaphore_mem>>
        %dma_start3A_286 = tpu.memref_squeeze %dma_start3A_285 : memref<1x!tpu.dma_semaphore, #tpu.memory_space<semaphore_mem>> -> memref<!tpu.dma_semaphore, #tpu.memory_space<semaphore_mem>>
        %dma_start3A_287 = arith.constant 0 : i32
        %dma_start3A_288 = arith.constant 0 : i32
        %dma_start3A_289 = tpu.memref_slice %run_scoped3A[%rem3A_276, %dma_start3A_287, %dma_start3A_288] : memref<2x1x256xi32, #tpu.memory_space<vmem>> -> memref<1x1x256xi32, #tpu.memory_space<vmem>>
        %dma_start3A_290 = tpu.memref_squeeze %dma_start3A_289 : memref<1x1x256xi32, #tpu.memory_space<vmem>> -> memref<1x256xi32, #tpu.memory_space<vmem>>
        %dma_start3A_291 = arith.constant 0 : i32
        %dma_start3A_292 = tpu.memref_slice %arg5[%dma_start3A_291, %mul3A_278] : memref<1x8192xi32, #tpu.memory_space<hbm>> -> memref<1x256xi32, #tpu.memory_space<hbm>>
        tpu.enqueue_dma source(%dma_start3A_292 : memref<1x256xi32, #tpu.memory_space<hbm>>) target(%dma_start3A_290 : memref<1x256xi32, #tpu.memory_space<vmem>>) target_semaphore(%dma_start3A_286 : memref<!tpu.dma_semaphore, #tpu.memory_space<semaphore_mem>>)
        "tpu.trace_stop"() : () -> ()
      } else {
      }
      %and3A_116 = arith.constant true
      %and3A_117 = arith.andi %and3A, %and3A_116 : i1
      %add3A_118 = arith.constant 1 : i32
      %add3A_119 = arith.addi %select_n3A_71, %add3A_118 : i32
      %select_n3A_120 = arith.select %and3A_117, %add3A_119, %select_n3A_71 : i32
      %ne3A_121 = arith.cmpi ne, %add3A_81, %add3A_101 : i32
      %or3A_122 = arith.constant false
      %or3A_123 = arith.ori %or3A_122, %ne3A_121 : i1
      %or3A_124 = arith.constant false
      %or3A_125 = arith.ori %or3A_123, %or3A_124 : i1
      %ge3A_126 = arith.constant 0 : i32
      %ge3A_127 = arith.cmpi sge, %scan3A_75, %ge3A_126 : i32
      %not3A_128 = arith.constant true
      %not3A_129 = arith.xori %ge3A_127, %not3A_128 : i1
      %and3A_130 = arith.andi %or3A_125, %not3A_129 : i1
      %ne3A_131 = arith.cmpi ne, %add3A_81, %add3A_91 : i32
      %or3A_132 = arith.constant false
      %or3A_133 = arith.ori %or3A_132, %ne3A_131 : i1
      %or3A_134 = arith.ori %or3A_133, %eq3A_77 : i1
      %convert_element_type3A_135 = arith.extui %or3A_134 : i1 to i32
      %cond3A_136 = arith.constant 0 : i32
      %cond3A_137 = arith.cmpi ne, %convert_element_type3A_135, %cond3A_136 : i32
      scf.if %cond3A_137 {
        "tpu.trace_start"() <{level = 10 : i32, message = "ep_wait_in"}> : () -> ()
        %mul3A_275 = arith.constant 256 : i32
        %mul3A_276 = arith.muli %mul3A_275, %add3A_81 : i32
        %rem3A_277 = arith.constant 2 : i32
        %rem3A_278 = arith.remui %scan3A, %rem3A_277 : i32
        %dma_wait3A_279 = arith.constant 0 : i32
        %dma_wait3A_280 = arith.constant 0 : i32
        %dma_wait3A_281 = tpu.memref_slice %run_scoped3A[%rem3A_278, %dma_wait3A_279, %dma_wait3A_280] : memref<2x1x256xi32, #tpu.memory_space<vmem>> -> memref<1x1x256xi32, #tpu.memory_space<vmem>>
        %dma_wait3A_282 = tpu.memref_squeeze %dma_wait3A_281 : memref<1x1x256xi32, #tpu.memory_space<vmem>> -> memref<1x256xi32, #tpu.memory_space<vmem>>
        %dma_wait3A_283 = arith.constant 0 : i32
        %dma_wait3A_284 = tpu.memref_slice %arg5[%dma_wait3A_283, %mul3A_276] : memref<1x8192xi32, #tpu.memory_space<hbm>> -> memref<1x256xi32, #tpu.memory_space<hbm>>
        %dma_wait3A_285 = tpu.memref_slice %run_scoped3A_16[%rem3A_278] : memref<2x!tpu.dma_semaphore, #tpu.memory_space<semaphore_mem>> -> memref<1x!tpu.dma_semaphore, #tpu.memory_space<semaphore_mem>>
        %dma_wait3A_286 = tpu.memref_squeeze %dma_wait3A_285 : memref<1x!tpu.dma_semaphore, #tpu.memory_space<semaphore_mem>> -> memref<!tpu.dma_semaphore, #tpu.memory_space<semaphore_mem>>
        %dma_wait3A_287 = arith.constant 0 : i32
        %dma_wait3A_288 = arith.constant 0 : i32
        %dma_wait3A_289 = tpu.memref_slice %run_scoped3A[%rem3A_278, %dma_wait3A_287, %dma_wait3A_288] : memref<2x1x256xi32, #tpu.memory_space<vmem>> -> memref<1x1x256xi32, #tpu.memory_space<vmem>>
        %dma_wait3A_290 = tpu.memref_squeeze %dma_wait3A_289 : memref<1x1x256xi32, #tpu.memory_space<vmem>> -> memref<1x256xi32, #tpu.memory_space<vmem>>
        %dma_wait3A_291 = arith.constant 0 : i32
        %dma_wait3A_292 = tpu.memref_slice %arg5[%dma_wait3A_291, %mul3A_276] : memref<1x8192xi32, #tpu.memory_space<hbm>> -> memref<1x256xi32, #tpu.memory_space<hbm>>
        tpu.wait_dma2 semaphore(%dma_wait3A_286 : memref<!tpu.dma_semaphore, #tpu.memory_space<semaphore_mem>>) src(%dma_wait3A_292 : memref<1x256xi32, #tpu.memory_space<hbm>>) dst(%dma_wait3A_290 : memref<1x256xi32, #tpu.memory_space<vmem>>)
        "tpu.trace_stop"() : () -> ()
      } else {
      }
      %ne3A_138 = arith.cmpi ne, %add3A_81, %add3A_91 : i32
      %or3A_139 = arith.constant false
      %or3A_140 = arith.ori %or3A_139, %ne3A_138 : i1
      %or3A_141 = arith.constant false
      %or3A_142 = arith.ori %or3A_140, %or3A_141 : i1
      %or3A_143 = arith.ori %or3A_142, %eq3A_77 : i1
      %convert_element_type3A_144 = arith.extui %or3A_143 : i1 to i32
      %cond3A_145 = arith.constant 0 : i32
      %cond3A_146 = arith.cmpi ne, %convert_element_type3A_144, %cond3A_145 : i32
      scf.if %cond3A_146 {
      } else {
      }
      %rem3A_147 = arith.constant 2 : i32
      %rem3A_148 = arith.remui %scan3A, %rem3A_147 : i32
      %rem3A_149 = arith.constant 2 : i32
      %rem3A_150 = arith.remui %scan3A_72, %rem3A_149 : i32
      %run_scoped3A_151 = arith.constant 0 : i32
      "tpu.trace_start"() <{level = 10 : i32, message = "ep_run_kernel"}> : () -> ()
      "tpu.region"() ({
        %run_scoped3A_275 = tpu.sem_alloc : memref<!tpu.dma_semaphore, #tpu.memory_space<semaphore_mem>>
        %dma_start3A_276 = arith.constant 0 : i32
        %dma_start3A_277 = arith.constant 0 : i32
        %dma_start3A_278 = tpu.memref_slice %run_scoped3A_17[%rem3A_150, %dma_start3A_276, %dma_start3A_277] : memref<2x256x128xf32, #tpu.memory_space<vmem>> -> memref<1x256x128xf32, #tpu.memory_space<vmem>>
        %dma_start3A_279 = tpu.memref_squeeze %dma_start3A_278 : memref<1x256x128xf32, #tpu.memory_space<vmem>> -> memref<256x128xf32, #tpu.memory_space<vmem>>
        %dma_start3A_280 = arith.constant 0 : i32
        %dma_start3A_281 = arith.constant 0 : i32
        %dma_start3A_282 = tpu.memref_slice %run_scoped3A[%rem3A_148, %dma_start3A_280, %dma_start3A_281] : memref<2x1x256xi32, #tpu.memory_space<vmem>> -> memref<1x1x256xi32, #tpu.memory_space<vmem>>
        %dma_start3A_283 = tpu.memref_squeeze %dma_start3A_282 : memref<1x1x256xi32, #tpu.memory_space<vmem>> -> memref<1x256xi32, #tpu.memory_space<vmem>>
        %dma_start3A_284 = arith.constant 0 : i32
        %dma_start3A_285 = tpu.memref_slice %dma_start3A_283[%run_scoped3A_151, %dma_start3A_284] : memref<1x256xi32, #tpu.memory_space<vmem>> -> memref<1x256xi32, #tpu.memory_space<vmem>>
        %dma_start3A_286 = tpu.memref_squeeze %dma_start3A_285 : memref<1x256xi32, #tpu.memory_space<vmem>> -> memref<256xi32, #tpu.memory_space<vmem>>
        %dma_start3A_287 = arith.constant 0 : i32
        %dma_start3A_288 = arith.constant 0 : i32
        %dma_start3A_289 = tpu.memref_slice %arg3[%dma_start3A_287, %dma_start3A_288] : memref<1000x128xf32, #tpu.memory_space<hbm>> -> memref<1000x128xf32, #tpu.memory_space<hbm>>
        tpu.enqueue_indirect_dma source(%dma_start3A_289 : memref<1000x128xf32, #tpu.memory_space<hbm>>) target(%dma_start3A_279 : memref<256x128xf32, #tpu.memory_space<vmem>>) offsets(%dma_start3A_286 : memref<256xi32, #tpu.memory_space<vmem>>) semaphore(%run_scoped3A_275 : memref<!tpu.dma_semaphore, #tpu.memory_space<semaphore_mem>>)
        %dma_wait3A_290 = arith.constant 0 : i32
        %dma_wait3A_291 = arith.constant 0 : i32
        %dma_wait3A_292 = tpu.memref_slice %run_scoped3A_17[%rem3A_150, %dma_wait3A_290, %dma_wait3A_291] : memref<2x256x128xf32, #tpu.memory_space<vmem>> -> memref<1x256x128xf32, #tpu.memory_space<vmem>>
        %dma_wait3A_293 = tpu.memref_squeeze %dma_wait3A_292 : memref<1x256x128xf32, #tpu.memory_space<vmem>> -> memref<256x128xf32, #tpu.memory_space<vmem>>
        %dma_wait3A_294 = arith.constant 0 : i32
        %dma_wait3A_295 = arith.constant 0 : i32
        %dma_wait3A_296 = tpu.memref_slice %run_scoped3A[%rem3A_148, %dma_wait3A_294, %dma_wait3A_295] : memref<2x1x256xi32, #tpu.memory_space<vmem>> -> memref<1x1x256xi32, #tpu.memory_space<vmem>>
        %dma_wait3A_297 = tpu.memref_squeeze %dma_wait3A_296 : memref<1x1x256xi32, #tpu.memory_space<vmem>> -> memref<1x256xi32, #tpu.memory_space<vmem>>
        %dma_wait3A_298 = arith.constant 0 : i32
        %dma_wait3A_299 = tpu.memref_slice %dma_wait3A_297[%run_scoped3A_151, %dma_wait3A_298] : memref<1x256xi32, #tpu.memory_space<vmem>> -> memref<1x256xi32, #tpu.memory_space<vmem>>
        %dma_wait3A_300 = tpu.memref_squeeze %dma_wait3A_299 : memref<1x256xi32, #tpu.memory_space<vmem>> -> memref<256xi32, #tpu.memory_space<vmem>>
        %dma_wait3A_301 = arith.constant 0 : i32
        %dma_wait3A_302 = arith.constant 0 : i32
        %dma_wait3A_303 = tpu.memref_slice %arg3[%dma_wait3A_301, %dma_wait3A_302] : memref<1000x128xf32, #tpu.memory_space<hbm>> -> memref<1000x128xf32, #tpu.memory_space<hbm>>
        tpu.wait_indirect_dma semaphore(%run_scoped3A_275 : memref<!tpu.dma_semaphore, #tpu.memory_space<semaphore_mem>>) src(%dma_wait3A_303 : memref<1000x128xf32, #tpu.memory_space<hbm>>) dst(%dma_wait3A_293 : memref<256x128xf32, #tpu.memory_space<vmem>>)
        tpu.yield
      }) : () -> ()
      "tpu.trace_stop"() : () -> ()
      %ne3A_152 = arith.cmpi ne, %add3A_81, %add3A_101 : i32
      %or3A_153 = arith.constant false
      %or3A_154 = arith.ori %or3A_153, %ne3A_152 : i1
      %or3A_155 = arith.ori %or3A_154, %eq3A_79 : i1
      %convert_element_type3A_156 = arith.extui %or3A_155 : i1 to i32
      %cond3A_157 = arith.constant 0 : i32
      %cond3A_158 = arith.cmpi ne, %convert_element_type3A_156, %cond3A_157 : i32
      scf.if %cond3A_158 {
      } else {
      }
      %and3A_159 = arith.constant false
      %and3A_160 = arith.andi %or3A_155, %and3A_159 : i1
      %ne3A_161 = arith.cmpi ne, %add3A_81, %add3A_101 : i32
      %or3A_162 = arith.constant false
      %or3A_163 = arith.ori %or3A_162, %ne3A_161 : i1
      %or3A_164 = arith.constant false
      %or3A_165 = arith.ori %or3A_163, %or3A_164 : i1
      %or3A_166 = arith.ori %or3A_165, %eq3A_79 : i1
      %convert_element_type3A_167 = arith.extui %or3A_166 : i1 to i32
      %cond3A_168 = arith.constant 0 : i32
      %cond3A_169 = arith.cmpi ne, %convert_element_type3A_167, %cond3A_168 : i32
      scf.if %cond3A_169 {
        "tpu.trace_start"() <{level = 10 : i32, message = "ep_copy_out"}> : () -> ()
        %rem3A_275 = arith.constant 2 : i32
        %rem3A_276 = arith.remui %scan3A_72, %rem3A_275 : i32
        %mul3A_277 = arith.constant 256 : i32
        %mul3A_278 = arith.muli %mul3A_277, %add3A_81 : i32
        %dma_start3A_279 = arith.constant 0 : i32
        %dma_start3A_280 = arith.constant 0 : i32
        %dma_start3A_281 = tpu.memref_slice %run_scoped3A_17[%rem3A_276, %dma_start3A_279, %dma_start3A_280] : memref<2x256x128xf32, #tpu.memory_space<vmem>> -> memref<1x256x128xf32, #tpu.memory_space<vmem>>
        %dma_start3A_282 = tpu.memref_squeeze %dma_start3A_281 : memref<1x256x128xf32, #tpu.memory_space<vmem>> -> memref<256x128xf32, #tpu.memory_space<vmem>>
        %dma_start3A_283 = arith.constant 0 : i32
        %dma_start3A_284 = tpu.memref_slice %arg7[%mul3A_278, %dma_start3A_283] : memref<8192x128xf32, #tpu.memory_space<hbm>> -> memref<256x128xf32, #tpu.memory_space<hbm>>
        %dma_start3A_285 = tpu.memref_slice %run_scoped3A_18[%rem3A_276] : memref<2x!tpu.dma_semaphore, #tpu.memory_space<semaphore_mem>> -> memref<1x!tpu.dma_semaphore, #tpu.memory_space<semaphore_mem>>
        %dma_start3A_286 = tpu.memref_squeeze %dma_start3A_285 : memref<1x!tpu.dma_semaphore, #tpu.memory_space<semaphore_mem>> -> memref<!tpu.dma_semaphore, #tpu.memory_space<semaphore_mem>>
        %dma_start3A_287 = arith.constant 0 : i32
        %dma_start3A_288 = tpu.memref_slice %arg7[%mul3A_278, %dma_start3A_287] : memref<8192x128xf32, #tpu.memory_space<hbm>> -> memref<256x128xf32, #tpu.memory_space<hbm>>
        %dma_start3A_289 = arith.constant 0 : i32
        %dma_start3A_290 = arith.constant 0 : i32
        %dma_start3A_291 = tpu.memref_slice %run_scoped3A_17[%rem3A_276, %dma_start3A_289, %dma_start3A_290] : memref<2x256x128xf32, #tpu.memory_space<vmem>> -> memref<1x256x128xf32, #tpu.memory_space<vmem>>
        %dma_start3A_292 = tpu.memref_squeeze %dma_start3A_291 : memref<1x256x128xf32, #tpu.memory_space<vmem>> -> memref<256x128xf32, #tpu.memory_space<vmem>>
        tpu.enqueue_dma source(%dma_start3A_292 : memref<256x128xf32, #tpu.memory_space<vmem>>) target(%dma_start3A_288 : memref<256x128xf32, #tpu.memory_space<hbm>>) target_semaphore(%dma_start3A_286 : memref<!tpu.dma_semaphore, #tpu.memory_space<semaphore_mem>>)
        "tpu.trace_stop"() : () -> ()
      } else {
      }
      %and3A_170 = arith.constant true
      %and3A_171 = arith.andi %or3A_166, %and3A_170 : i1
      %add3A_172 = arith.constant 1 : i32
      %add3A_173 = arith.addi %scan3A_72, %add3A_172 : i32
      %select_n3A_174 = arith.select %and3A_171, %add3A_173, %scan3A_72 : i32
      %ne3A_175 = arith.cmpi ne, %add3A_81, %add3A_91 : i32
      %or3A_176 = arith.constant false
      %or3A_177 = arith.ori %or3A_176, %ne3A_175 : i1
      %not3A_178 = arith.constant true
      %not3A_179 = arith.xori %eq3A_77, %not3A_178 : i1
      %and3A_180 = arith.andi %or3A_177, %not3A_179 : i1
      %convert_element_type3A_181 = arith.extui %and3A_180 : i1 to i32
      %cond3A_182 = arith.constant 0 : i32
      %cond3A_183 = arith.cmpi ne, %convert_element_type3A_181, %cond3A_182 : i32
      scf.if %cond3A_183 {
      } else {
      }
      %and3A_184 = arith.constant false
      %and3A_185 = arith.andi %and3A_180, %and3A_184 : i1
      %ne3A_186 = arith.cmpi ne, %add3A_81, %add3A_91 : i32
      %or3A_187 = arith.constant false
      %or3A_188 = arith.ori %or3A_187, %ne3A_186 : i1
      %or3A_189 = arith.constant false
      %or3A_190 = arith.ori %or3A_188, %or3A_189 : i1
      %not3A_191 = arith.constant true
      %not3A_192 = arith.xori %eq3A_77, %not3A_191 : i1
      %and3A_193 = arith.andi %or3A_190, %not3A_192 : i1
      %convert_element_type3A_194 = arith.extui %and3A_193 : i1 to i32
      %cond3A_195 = arith.constant 0 : i32
      %cond3A_196 = arith.cmpi ne, %convert_element_type3A_194, %cond3A_195 : i32
      scf.if %cond3A_196 {
        "tpu.trace_start"() <{level = 10 : i32, message = "ep_wait_out"}> : () -> ()
        %rem3A_275 = arith.constant 2 : i32
        %rem3A_276 = arith.remui %scan3A_73, %rem3A_275 : i32
        %mul3A_277 = arith.constant 256 : i32
        %mul3A_278 = arith.muli %mul3A_277, %add3A_91 : i32
        %dma_wait3A_279 = arith.constant 0 : i32
        %dma_wait3A_280 = arith.constant 0 : i32
        %dma_wait3A_281 = tpu.memref_slice %run_scoped3A_17[%rem3A_276, %dma_wait3A_279, %dma_wait3A_280] : memref<2x256x128xf32, #tpu.memory_space<vmem>> -> memref<1x256x128xf32, #tpu.memory_space<vmem>>
        %dma_wait3A_282 = tpu.memref_squeeze %dma_wait3A_281 : memref<1x256x128xf32, #tpu.memory_space<vmem>> -> memref<256x128xf32, #tpu.memory_space<vmem>>
        %dma_wait3A_283 = arith.constant 0 : i32
        %dma_wait3A_284 = tpu.memref_slice %arg7[%mul3A_278, %dma_wait3A_283] : memref<8192x128xf32, #tpu.memory_space<hbm>> -> memref<256x128xf32, #tpu.memory_space<hbm>>
        %dma_wait3A_285 = tpu.memref_slice %run_scoped3A_18[%rem3A_276] : memref<2x!tpu.dma_semaphore, #tpu.memory_space<semaphore_mem>> -> memref<1x!tpu.dma_semaphore, #tpu.memory_space<semaphore_mem>>
        %dma_wait3A_286 = tpu.memref_squeeze %dma_wait3A_285 : memref<1x!tpu.dma_semaphore, #tpu.memory_space<semaphore_mem>> -> memref<!tpu.dma_semaphore, #tpu.memory_space<semaphore_mem>>
        %dma_wait3A_287 = arith.constant 0 : i32
        %dma_wait3A_288 = tpu.memref_slice %arg7[%mul3A_278, %dma_wait3A_287] : memref<8192x128xf32, #tpu.memory_space<hbm>> -> memref<256x128xf32, #tpu.memory_space<hbm>>
        %dma_wait3A_289 = arith.constant 0 : i32
        %dma_wait3A_290 = arith.constant 0 : i32
        %dma_wait3A_291 = tpu.memref_slice %run_scoped3A_17[%rem3A_276, %dma_wait3A_289, %dma_wait3A_290] : memref<2x256x128xf32, #tpu.memory_space<vmem>> -> memref<1x256x128xf32, #tpu.memory_space<vmem>>
        %dma_wait3A_292 = tpu.memref_squeeze %dma_wait3A_291 : memref<1x256x128xf32, #tpu.memory_space<vmem>> -> memref<256x128xf32, #tpu.memory_space<vmem>>
        tpu.wait_dma2 semaphore(%dma_wait3A_286 : memref<!tpu.dma_semaphore, #tpu.memory_space<semaphore_mem>>) src(%dma_wait3A_292 : memref<256x128xf32, #tpu.memory_space<vmem>>) dst(%dma_wait3A_288 : memref<256x128xf32, #tpu.memory_space<hbm>>)
        "tpu.trace_stop"() : () -> ()
      } else {
      }
      %and3A_197 = arith.constant true
      %and3A_198 = arith.andi %and3A_193, %and3A_197 : i1
      %add3A_199 = arith.constant 1 : i32
      %add3A_200 = arith.addi %scan3A_73, %add3A_199 : i32
      %select_n3A_201 = arith.select %and3A_198, %add3A_200, %scan3A_73 : i32
      %ne3A_202 = arith.cmpi ne, %add3A_81, %add3A_101 : i32
      %or3A_203 = arith.constant false
      %or3A_204 = arith.ori %or3A_203, %ne3A_202 : i1
      %or3A_205 = arith.ori %or3A_204, %eq3A_79 : i1
      %add3A_206 = arith.constant 1 : i32
      %add3A_207 = arith.addi %scan3A, %add3A_206 : i32
      %select_n3A_208 = arith.select %or3A_205, %add3A_207, %scan3A : i32
      %select_n3A_209 = arith.constant true
      %select_n3A_210 = arith.constant 0 : i32
      %select_n3A_211 = arith.constant 1 : i32
      %select_n3A_212 = arith.select %select_n3A_209, %select_n3A_211, %select_n3A_210 : i32
      %eq3A_213 = arith.constant 1 : i32
      %eq3A_214 = arith.cmpi eq, %select_n3A_212, %eq3A_213 : i32
      %select_n3A_215 = arith.constant 0 : i32
      %select_n3A_216 = arith.select %eq3A_214, %select_n3A_215, %select_n3A_212 : i32
      %scan3A_217 = arith.constant 0 : i32
      %scan3A_218 = arith.constant 1 : i32
      %sub3A = arith.constant 1 : i32
      %sub3A_219 = arith.subi %scan3A_217, %sub3A : i32
      %select_n3A_220 = arith.constant true
      %select_n3A_221 = arith.select %select_n3A_220, %sub3A_219, %scan3A_217 : i32
      %eq3A_222 = arith.constant -1 : i32
      %eq3A_223 = arith.cmpi eq, %select_n3A_221, %eq3A_222 : i32
      %select_n3A_224 = arith.constant 0 : i32
      %select_n3A_225 = arith.select %eq3A_223, %select_n3A_224, %select_n3A_221 : i32
      %add3A_226 = arith.constant 0 : i32
      %add3A_227 = arith.addi %add3A_226, %mul3A_15 : i32
      %select_n3A_228 = arith.constant true
      %select_n3A_229 = arith.constant 0 : i32
      %select_n3A_230 = arith.constant -1 : i32
      %select_n3A_231 = arith.select %select_n3A_228, %select_n3A_230, %select_n3A_229 : i32
      %eq3A_232 = arith.constant -1 : i32
      %eq3A_233 = arith.cmpi eq, %select_n3A_231, %eq3A_232 : i32
      %select_n3A_234 = arith.constant 0 : i32
      %select_n3A_235 = arith.select %eq3A_233, %select_n3A_234, %select_n3A_231 : i32
      %add3A_236 = arith.constant 0 : i32
      %add3A_237 = arith.addi %add3A_236, %mul3A_15 : i32
      %select_n3A_238 = arith.constant true
      %select_n3A_239 = arith.constant 0 : i32
      %select_n3A_240 = arith.constant 1 : i32
      %select_n3A_241 = arith.select %select_n3A_238, %select_n3A_240, %select_n3A_239 : i32
      %eq3A_242 = arith.constant 1 : i32
      %eq3A_243 = arith.cmpi eq, %select_n3A_241, %eq3A_242 : i32
      %select_n3A_244 = arith.constant 0 : i32
      %select_n3A_245 = arith.select %eq3A_243, %select_n3A_244, %select_n3A_241 : i32
      %add3A_246 = arith.constant 0 : i32
      %add3A_247 = arith.addi %add3A_246, %mul3A_15 : i32
      %select_n3A_248 = arith.constant true
      %select_n3A_249 = arith.constant 0 : i32
      %select_n3A_250 = arith.constant 1 : i32
      %select_n3A_251 = arith.select %select_n3A_248, %select_n3A_250, %select_n3A_249 : i32
      %eq3A_252 = arith.constant 1 : i32
      %eq3A_253 = arith.cmpi eq, %select_n3A_251, %eq3A_252 : i32
      %select_n3A_254 = arith.constant 0 : i32
      %select_n3A_255 = arith.select %eq3A_253, %select_n3A_254, %select_n3A_251 : i32
      %add3A_256 = arith.constant 0 : i32
      %add3A_257 = arith.addi %add3A_256, %mul3A_15 : i32
      "tpu.trace_start"() <{level = 10 : i32, message = "ep_finalize"}> : () -> ()
      %rem3A_258 = arith.constant 2 : i32
      %rem3A_259 = arith.remui %select_n3A_201, %rem3A_258 : i32
      %mul3A_260 = arith.constant 256 : i32
      %mul3A_261 = arith.muli %mul3A_260, %add3A_227 : i32
      %dma_wait3A = arith.constant 0 : i32
      %dma_wait3A_262 = arith.constant 0 : i32
      %dma_wait3A_263 = tpu.memref_slice %run_scoped3A_17[%rem3A_259, %dma_wait3A, %dma_wait3A_262] : memref<2x256x128xf32, #tpu.memory_space<vmem>> -> memref<1x256x128xf32, #tpu.memory_space<vmem>>
      %dma_wait3A_264 = tpu.memref_squeeze %dma_wait3A_263 : memref<1x256x128xf32, #tpu.memory_space<vmem>> -> memref<256x128xf32, #tpu.memory_space<vmem>>
      %dma_wait3A_265 = arith.constant 0 : i32
      %dma_wait3A_266 = tpu.memref_slice %arg7[%mul3A_261, %dma_wait3A_265] : memref<8192x128xf32, #tpu.memory_space<hbm>> -> memref<256x128xf32, #tpu.memory_space<hbm>>
      %dma_wait3A_267 = tpu.memref_slice %run_scoped3A_18[%rem3A_259] : memref<2x!tpu.dma_semaphore, #tpu.memory_space<semaphore_mem>> -> memref<1x!tpu.dma_semaphore, #tpu.memory_space<semaphore_mem>>
      %dma_wait3A_268 = tpu.memref_squeeze %dma_wait3A_267 : memref<1x!tpu.dma_semaphore, #tpu.memory_space<semaphore_mem>> -> memref<!tpu.dma_semaphore, #tpu.memory_space<semaphore_mem>>
      %dma_wait3A_269 = arith.constant 0 : i32
      %dma_wait3A_270 = tpu.memref_slice %arg7[%mul3A_261, %dma_wait3A_269] : memref<8192x128xf32, #tpu.memory_space<hbm>> -> memref<256x128xf32, #tpu.memory_space<hbm>>
      %dma_wait3A_271 = arith.constant 0 : i32
      %dma_wait3A_272 = arith.constant 0 : i32
      %dma_wait3A_273 = tpu.memref_slice %run_scoped3A_17[%rem3A_259, %dma_wait3A_271, %dma_wait3A_272] : memref<2x256x128xf32, #tpu.memory_space<vmem>> -> memref<1x256x128xf32, #tpu.memory_space<vmem>>
      %dma_wait3A_274 = tpu.memref_squeeze %dma_wait3A_273 : memref<1x256x128xf32, #tpu.memory_space<vmem>> -> memref<256x128xf32, #tpu.memory_space<vmem>>
      tpu.wait_dma2 semaphore(%dma_wait3A_268 : memref<!tpu.dma_semaphore, #tpu.memory_space<semaphore_mem>>) src(%dma_wait3A_274 : memref<256x128xf32, #tpu.memory_space<vmem>>) dst(%dma_wait3A_270 : memref<256x128xf32, #tpu.memory_space<hbm>>)
      "tpu.trace_stop"() : () -> ()
      tpu.yield
    }) : () -> ()
    return
  }
}

module attributes {stable_mosaic.version = 14 : i64} {
  func.func @_score_body(%arg0: i32, %arg1: memref<2x4096x128xf32, #tpu.memory_space<vmem>>, %arg2: memref<4096x128xf32, #tpu.memory_space<vmem>>, %arg3: memref<128x256xf32, #tpu.memory_space<vmem>>, %arg4: memref<4096x1xf32, #tpu.memory_space<vmem>>) attributes {dimension_semantics = [#tpu.dimension_semantics<parallel>], iteration_bounds = array<i64: 2>, scalar_prefetch = 0 : i64, scratch_operands = 0 : i64, tpu.core_type = #tpu.core_type<tc>, window_params = [{transform_indices = @transform_0, window_bounds = array<i64: 2, 4096, 128>}, {transform_indices = @transform_1, window_bounds = array<i64: 4096, 128>}, {pipeline_mode = #tpu.pipeline_mode<synchronous>, transform_indices = @transform_2, window_bounds = array<i64: 128, 256>}, {transform_indices = @transform_3, window_bounds = array<i64: 4096, 1>}]} {
    %get3A = arith.constant 0 : index
    %get3A_0 = arith.constant 0 : index
    %get3A_1 = arith.constant 0 : index
    %get3A_2 = vector.load %arg1[%get3A, %get3A_0, %get3A_1] : memref<2x4096x128xf32, #tpu.memory_space<vmem>>, vector<1x4096x128xf32>
    %get3A_3 = vector.shape_cast %get3A_2 : vector<1x4096x128xf32> to vector<4096x128xf32>
    %get3A_4 = arith.constant 1 : index
    %get3A_5 = arith.constant 0 : index
    %get3A_6 = arith.constant 0 : index
    %get3A_7 = vector.load %arg1[%get3A_4, %get3A_5, %get3A_6] : memref<2x4096x128xf32, #tpu.memory_space<vmem>>, vector<1x4096x128xf32>
    %get3A_8 = vector.shape_cast %get3A_7 : vector<1x4096x128xf32> to vector<4096x128xf32>
    %get3A_9 = arith.constant 0 : index
    %get3A_10 = arith.constant 0 : index
    %get3A_11 = vector.load %arg2[%get3A_9, %get3A_10] : memref<4096x128xf32, #tpu.memory_space<vmem>>, vector<4096x128xf32>
    %get3A_12 = arith.constant 0 : index
    %get3A_13 = arith.constant 0 : index
    %get3A_14 = vector.load %arg3[%get3A_12, %get3A_13] : memref<128x256xf32, #tpu.memory_space<vmem>>, vector<128x256xf32>
    %mul3A = arith.mulf %get3A_11, %get3A_11 : vector<4096x128xf32>
    %reduce_sum3A = arith.constant dense<0.000000e+00> : vector<4096xf32>
    %reduce_sum3A_15 = vector.multi_reduction <add>, %mul3A, %reduce_sum3A [1] : vector<4096x128xf32> to vector<4096xf32>
    %broadcast_in_dim3A = vector.shape_cast %reduce_sum3A_15 : vector<4096xf32> to vector<4096x1xf32>
    %max3A = arith.constant 9.99999996E-13 : f32
    %max3A_16 = vector.broadcast %max3A : f32 to vector<4096x1xf32>
    %max3A_17 = arith.maximumf %broadcast_in_dim3A, %max3A_16 : vector<4096x1xf32>
    %rsqrt3A = math.rsqrt %max3A_17 : vector<4096x1xf32>
    %mul3A_18 = vector.broadcast %rsqrt3A : vector<4096x1xf32> to vector<4096x128xf32>
    %mul3A_19 = arith.mulf %get3A_11, %mul3A_18 : vector<4096x128xf32>
    %convert_element_type3A = arith.truncf %get3A_14 : vector<128x256xf32> to vector<128x256xbf16>
    %convert_element_type3A_20 = arith.truncf %get3A_3 : vector<4096x128xf32> to vector<4096x128xbf16>
    %dot_general3A = arith.constant dense<0.000000e+00> : vector<4096x256xf32>
    %dot_general3A_21 = tpu.matmul %convert_element_type3A_20, %convert_element_type3A, %dot_general3A {dimension_numbers = #tpu.dot_dimension_numbers<[1], [0], [0], [1], [0, 0, 1, 1], [], []>, transpose_lhs_hint = false} : vector<4096x128xbf16>, vector<128x256xbf16>, vector<4096x256xf32> -> vector<4096x256xf32>
    %convert_element_type3A_22 = arith.truncf %get3A_8 : vector<4096x128xf32> to vector<4096x128xbf16>
    %dot_general3A_23 = arith.constant dense<0.000000e+00> : vector<4096x256xf32>
    %dot_general3A_24 = tpu.matmul %convert_element_type3A_22, %convert_element_type3A, %dot_general3A_23 {dimension_numbers = #tpu.dot_dimension_numbers<[1], [0], [0], [1], [0, 0, 1, 1], [], []>, transpose_lhs_hint = false} : vector<4096x128xbf16>, vector<128x256xbf16>, vector<4096x256xf32> -> vector<4096x256xf32>
    %convert_element_type3A_25 = arith.truncf %mul3A_19 : vector<4096x128xf32> to vector<4096x128xbf16>
    %dot_general3A_26 = arith.constant dense<0.000000e+00> : vector<4096x256xf32>
    %dot_general3A_27 = tpu.matmul %convert_element_type3A_25, %convert_element_type3A, %dot_general3A_26 {dimension_numbers = #tpu.dot_dimension_numbers<[1], [0], [0], [1], [0, 0, 1, 1], [], []>, transpose_lhs_hint = false} : vector<4096x128xbf16>, vector<128x256xbf16>, vector<4096x256xf32> -> vector<4096x256xf32>
    %slice3A = vector.extract_strided_slice %dot_general3A_21 {offsets = [0, 0], sizes = [4096, 128], strides = [1, 1]} : vector<4096x256xf32> to vector<4096x128xf32>
    %slice3A_28 = vector.extract_strided_slice %dot_general3A_21 {offsets = [0, 128], sizes = [4096, 128], strides = [1, 1]} : vector<4096x256xf32> to vector<4096x128xf32>
    %slice3A_29 = vector.extract_strided_slice %dot_general3A_24 {offsets = [0, 0], sizes = [4096, 128], strides = [1, 1]} : vector<4096x256xf32> to vector<4096x128xf32>
    %slice3A_30 = vector.extract_strided_slice %dot_general3A_24 {offsets = [0, 128], sizes = [4096, 128], strides = [1, 1]} : vector<4096x256xf32> to vector<4096x128xf32>
    %slice3A_31 = vector.extract_strided_slice %dot_general3A_27 {offsets = [0, 0], sizes = [4096, 128], strides = [1, 1]} : vector<4096x256xf32> to vector<4096x128xf32>
    %slice3A_32 = vector.extract_strided_slice %dot_general3A_27 {offsets = [0, 128], sizes = [4096, 128], strides = [1, 1]} : vector<4096x256xf32> to vector<4096x128xf32>
    %mul3A_33 = arith.mulf %slice3A_31, %slice3A : vector<4096x128xf32>
    %mul3A_34 = arith.mulf %slice3A_32, %slice3A_28 : vector<4096x128xf32>
    %sub3A = arith.subf %mul3A_33, %mul3A_34 : vector<4096x128xf32>
    %mul3A_35 = arith.mulf %sub3A, %slice3A_29 : vector<4096x128xf32>
    %mul3A_36 = arith.mulf %slice3A_31, %slice3A_28 : vector<4096x128xf32>
    %mul3A_37 = arith.mulf %slice3A_32, %slice3A : vector<4096x128xf32>
    %add3A = arith.addf %mul3A_36, %mul3A_37 : vector<4096x128xf32>
    %mul3A_38 = arith.mulf %add3A, %slice3A_30 : vector<4096x128xf32>
    %add3A_39 = arith.addf %mul3A_35, %mul3A_38 : vector<4096x128xf32>
    %reduce_sum3A_40 = arith.constant dense<0.000000e+00> : vector<4096xf32>
    %reduce_sum3A_41 = vector.multi_reduction <add>, %add3A_39, %reduce_sum3A_40 [1] : vector<4096x128xf32> to vector<4096xf32>
    %broadcast_in_dim3A_42 = vector.shape_cast %reduce_sum3A_41 : vector<4096xf32> to vector<4096x1xf32>
    %mul3A_43 = arith.constant 7.812500e-03 : f32
    %mul3A_44 = vector.broadcast %mul3A_43 : f32 to vector<4096x1xf32>
    %mul3A_45 = arith.mulf %broadcast_in_dim3A_42, %mul3A_44 : vector<4096x1xf32>
    %logistic3A = arith.negf %mul3A_45 : vector<4096x1xf32>
    %logistic3A_46 = math.exp %logistic3A : vector<4096x1xf32>
    %logistic3A_47 = arith.constant 1.000000e+00 : f32
    %logistic3A_48 = vector.broadcast %logistic3A_47 : f32 to vector<4096x1xf32>
    %logistic3A_49 = arith.addf %logistic3A_48, %logistic3A_46 : vector<4096x1xf32>
    %logistic3A_50 = arith.divf %logistic3A_48, %logistic3A_49 : vector<4096x1xf32>
    %neg3A = arith.constant 0.000000e+00 : f32
    %neg3A_51 = vector.broadcast %neg3A : f32 to vector<4096x1xf32>
    %neg3A_52 = arith.subf %neg3A_51, %logistic3A_50 : vector<4096x1xf32>
    %swap3A = arith.constant 0 : index
    %swap3A_53 = arith.constant 0 : index
    %swap3A_54 = vector.load %arg4[%swap3A, %swap3A_53] : memref<4096x1xf32, #tpu.memory_space<vmem>>, vector<4096x1xf32>
    tpu.vector_store %arg4[%swap3A, %swap3A_53], %neg3A_52 {strides = array<i32>} : memref<4096x1xf32, #tpu.memory_space<vmem>>, vector<4096x1xf32>,
    return
  }
  func.func @transform_0(%arg0: i32) -> (i32, i32, i32) {
    %c0_i32 = arith.constant 0 : i32
    %c0_i32_0 = arith.constant 0 : i32
    %c0_i32_1 = arith.constant 0 : i32
    return %c0_i32, %arg0, %c0_i32_0 : i32, i32, i32
  }
  func.func @transform_1(%arg0: i32) -> (i32, i32) {
    %c0_i32 = arith.constant 0 : i32
    %c0_i32_0 = arith.constant 0 : i32
    return %arg0, %c0_i32 : i32, i32
  }
  func.func @transform_2(%arg0: i32) -> (i32, i32) {
    %c0_i32 = arith.constant 0 : i32
    %c0_i32_0 = arith.constant 0 : i32
    %c0_i32_1 = arith.constant 0 : i32
    return %c0_i32, %c0_i32_0 : i32, i32
  }
  func.func @transform_3(%arg0: i32) -> (i32, i32) {
    %c0_i32 = arith.constant 0 : i32
    %c0_i32_0 = arith.constant 0 : i32
    return %arg0, %c0_i32 : i32, i32
  }
}

</mosaic_0001>

<sc_bundles>
// kernel: kernel.6.cloned.1.call-start
scs
__scs_entry_jumppad:
0x0: {  	(pc) =	sbr.rel $0x88, $3  }
0x1: {  	(tag) =	ssettag $0x0;
	lr =	simm.s32 $0x1  }
0x2: {  	[smem:$0x3F9C] =	sst lr;
	_ =	strace $0xD0000000  }
0x3: {  	_ = 	snop  }
0x4: {  	_ = 	snop  }
0x5: {  	_ = 	snop  }
0x6: {  	_ = 	snop  }
0x7: {  	_ = 	snop  }
__scs_overlays_trampoline_lowered:
0x8: {  	[smem:$0x3FAB] =	sst s0  }
0x9: {  	[smem:$0x3FAC] =	sst s1  }
0xa: {  	[smem:$0x3FAD] =	sst s2  }
0xb: {  	[smem:$0x3FAE] =	sst s3  }
0xc: {  	[smem:$0x3FAF] =	sst s4  }
0xd: {  	[smem:$0x3FB0] =	sst s5  }
0xe: {  	[smem:$0x3FB1] =	sst s6  }
0xf: {  	[smem:$0x3FB2] =	sst s7  }
0x10: {  	[smem:$0x3FB3] =	sst s8  }
0x11: {  	[smem:$0x3FB4] =	sst s9;
	s0 =	simm.s32 @!p0 $0x0  }
0x12: {  	s1 =	sld [smem:$0x3F9A];
	s0 =	simm.s32 @p0 $0x1  }
0x13: {  	[smem:$0x3FB5] =	sst s0;
	s0 =	simm.s32 @!p1 $0x0  }
0x14: {  	s2 =	sld [smem:$0x3F99];
	s0 =	simm.s32 @p1 $0x1  }
0x15: {  	[smem:$0x3FB6] =	sst s0;
	s0 =	simm.s32 @!p2 $0x0  }
0x16: {  	s3 =	sld [smem:$0x3FDB];
	s0 =	simm.s32 @p2 $0x1  }
0x17: {  	s4 =	simm.s32 $0x1BF5;
	[smem:$0x3FB8] =	sst s0  }
0x18: {  	s0 =	sld [smem:$0x3F9B];
	_ =	swait.ge [sflag:s4], $0x0  }
0x19: {  	s7 =	sld [smem:$0x3F9C]  }
0x1a: {  	s8 =	sadd.s32 $0xFFFFE003, lr  }
0x1b: {  	s9 =	sadd.s32 $0xFFFFFEF7, lr;
	s5 =	simm.s32 $0xFFFFFFFF;
	p2 =	slt.u32 s8, $0xFFFFF086  }
0x1c: {  	p1 =	slt.u32 s9, $0xF7A;
	s5 =	simm.s32 @!p2 $0x0  }
0x1d: {  	s5 =	simm.s32 @p1 $0x1;
	p0 =	seq.s32 s7, s2  }
0x1e: {  	s7 =	smul.u32 @!p0 $0xF7A, s2;
	p2 =	seq.s32 @!p0 s5, $0x0  }
0x1f: {  	s9 =	smul.u32 $0xF7A, s1;
	s8 =	simm.s32 @!p0 $0x1BF5;
	p2 =	por !p2, p0  }
0x20: {  	[sflag:s8] =	ssyncset.s32 @!p0 $0xFFFFF086;
	s6 =	sadd.s32 @!p0 s3, s7;
	s7 =	simm.s32 @!p0 $0x108  }
0x21: {  	s3 =	sadd.s32 s3, s9;
	s6 =	sadd.s32 @!p0 $0x88, s6;
	s7 =	simm.s32 @p2 $0x1082  }
0x22: {  	[simem:s7], [sflag:s8] =	dma.local @!p0 [hbm:s6], $0xF7A  }
0x23: {  	s9 =	sor.u32 $0xD0000000, s2;
	s6 =	simm.s32 $0x108;
	_ =	swait.ge @!p0 [sflag:s8], $0x0  }
0x24: {  	s3 =	sadd.s32 $0x88, s3;
	s6 =	simm.s32 @!p1 $0x1082;
	[sflag:s4] =	ssyncset.s32 $0xFFFFF086  }
0x25: {  	[simem:s6], [sflag:s4] =	dma.local [hbm:s3], $0xF7A  }
0x26: {  	[smem:$0x3F9C] =	sst s1;
	(tag) =	ssettag s2;
	_ =	strace s9  }
0x27: {  	s1 =	sld [smem:$0x3FAC]  }
0x28: {  	s2 =	sld [smem:$0x3FAD]  }
0x29: {  	s4 =	sld [smem:$0x3FAF]  }
0x2a: {  	p0 =	seq.s32 s5, $0x0;
	s5 =	sld [smem:$0x3FB0]  }
0x2b: {  	s6 =	sld [smem:$0x3FB1]  }
0x2c: {  	s7 =	sld [smem:$0x3FB2]  }
0x2d: {  	s3 =	simm.s32 $0x108;
	s8 =	sld [smem:$0x3FB3]  }
0x2e: {  	s3 =	simm.s32 @!p0 $0x1082;
	s9 =	sld [smem:$0x3FB4]  }
0x2f: {  	lr =	sadd.s32 s0, s3;
	s0 =	sld [smem:$0x3FAB]  }
0x30: {  	s3 =	sld [smem:$0x3FAE]  }
0x31: {  	[smem:$0x3FB7] =	sst s10  }
0x32: {  	s10 =	sld [smem:$0x3FB5];
	_ =	sdelay $0x3  }
0x33: {  	p0 =	seq.s32 s10, $0x1;
	s10 =	sld [smem:$0x3FB7];
	_ =	sdelay $0x3  }
0x34: {  	[smem:$0x3FB7] =	sst s10  }
0x35: {  	s10 =	sld [smem:$0x3FB6];
	_ =	sdelay $0x3  }
0x36: {  	p1 =	seq.s32 s10, $0x1;
	s10 =	sld [smem:$0x3FB7];
	_ =	sdelay $0x3  }
0x37: {  	[smem:$0x3FB7] =	sst s10  }
0x38: {  	s10 =	sld [smem:$0x3FB8]  }
0x39: {  	_ = 	snop;
	(pc) =	sbr.ind lr, $3  }
0x3a: {  	_ = 	snop  }
0x3b: {  	_ = 	snop  }
0x3c: {  	p2 =	seq.s32 s10, $0x1;
	s10 =	sld [smem:$0x3FB7]  }
0x3d: {  	_ =	shalt  }
0x3e: {  	_ =	shalt  }
0x3f: {  	_ =	shalt  }
0x40: {  	_ =	shalt  }
0x41: {  	_ =	shalt  }
0x42: {  	_ =	shalt  }
0x43: {  	_ =	shalt  }
0x44: {  	_ =	shalt  }
0x45: {  	_ =	shalt  }
0x46: {  	_ =	shalt  }
0x47: {  	_ =	shalt  }
0x48: {  	_ =	shalt  }
0x49: {  	_ =	shalt  }
0x4a: {  	_ =	shalt  }
0x4b: {  	_ =	shalt  }
0x4c: {  	_ =	shalt  }
0x4d: {  	_ =	shalt  }
0x4e: {  	_ =	shalt  }
0x4f: {  	_ =	shalt  }
0x50: {  	_ =	shalt  }
0x51: {  	_ =	shalt  }
0x52: {  	_ =	shalt  }
0x53: {  	_ =	shalt  }
0x54: {  	_ =	shalt  }
0x55: {  	_ =	shalt  }
0x56: {  	_ =	shalt  }
0x57: {  	_ =	shalt  }
0x58: {  	_ =	shalt  }
0x59: {  	_ =	shalt  }
0x5a: {  	_ =	shalt  }
0x5b: {  	_ =	shalt  }
0x5c: {  	_ =	shalt  }
0x5d: {  	_ =	shalt  }
0x5e: {  	_ =	shalt  }
0x5f: {  	_ =	shalt  }
0x60: {  	_ =	shalt  }
0x61: {  	_ =	shalt  }
0x62: {  	_ =	shalt  }
0x63: {  	_ =	shalt  }
0x64: {  	_ =	shalt  }
0x65: {  	_ =	shalt  }
0x66: {  	_ =	shalt  }
0x67: {  	_ =	shalt  }
0x68: {  	_ =	shalt  }
0x69: {  	_ =	shalt  }
0x6a: {  	_ =	shalt  }
0x6b: {  	_ =	shalt  }
0x6c: {  	_ =	shalt  }
0x6d: {  	_ =	shalt  }
0x6e: {  	_ =	shalt  }
0x6f: {  	_ =	shalt  }
0x70: {  	_ =	shalt  }
0x71: {  	_ =	shalt  }
0x72: {  	_ =	shalt  }
0x73: {  	_ =	shalt  }
0x74: {  	_ =	shalt  }
0x75: {  	_ =	shalt  }
0x76: {  	_ =	shalt  }
0x77: {  	_ =	shalt  }
0x78: {  	_ =	shalt  }
0x79: {  	_ =	shalt  }
0x7a: {  	_ =	shalt  }
0x7b: {  	_ =	shalt  }
0x7c: {  	_ =	shalt  }
0x7d: {  	_ =	shalt  }
0x7e: {  	_ =	shalt  }
0x7f: {  	_ =	shalt  }
0x80: {  	_ =	shalt  }
0x81: {  	_ =	shalt  }
0x82: {  	_ =	shalt  }
0x83: {  	_ =	shalt  }
0x84: {  	_ =	shalt  }
0x85: {  	_ =	shalt  }
0x86: {  	_ =	shalt  }
0x87: {  	_ =	shalt  }
.Lfunc_end0:
.L_simem_size_0:
called_computation_lowered:
.L_overlay_start_0:
0x88: {  	s2 =	sld [smem:$0x3FD9]  }
0x89: {  	s3 =	sld [smem:$0x3FFE];
	_ =	sdelay $0x1  }
0x8a: {  	s1 =	srdreg.scid  }
0x8b: {  	s0 =	sand.u32 $0x1, s1  }
0x8c: {  	s17 =	sshll.u32 s0, $0xA;
	s2 =	sadd.s32 s3, s2  }
0x8d: {  	s2 =	sadd.s32 s2, s17  }
0x8e: {  	[smem:$0x3FC3] =	sst s2  }
0x8f: {  	_ = 	snop  }
0x90: {  	s18 =	sld [smem:$0x3FC6]  }
0x91: {  	s4 =	sld [smem:$0x3FC5]  }
0x92: {  	s5 =	sld [smem:$0x3FD0];
	(tm) =	ssettm $0x1  }
0x93: {  	s19 =	sld [smem:$0x3FFB];
	_ =	sdelay $0x3  }
0x94: {  	_ =	strace s19  }
0x95: {  	s2 =	sld [smem:$0x3FFC];
	_ =	sdelay $0x3  }
0x96: {  	_ =	strace s2  }
0x97: {  	s2 =	sld [smem:$0x3FFD];
	_ =	sdelay $0x3  }
0x98: {  	_ =	strace s2  }
0x99: {  	_ =	strace $0x8FFFFFFF  }
0x9a: {  	s20 =	sld [smem:$0x3FDB];
	_ =	sdelay $0x1  }
0x9b: {  	s6 =	simm.s32 $_scs_section_size  }
0x9c: {  	s7 =	simm.s32 $_size__tile_overlayer_lowered;
	s8 =	simm.s32 $_tile_overlayer_lowered  }
0x9d: {  	s9 =	simm.s32 $0x1BFF;
	s21 =	sshll.u32 s8, $0x1;
	s6 =	sadd.s32 s6, s20  }
0x9e: {  	s22 =	simm.s32 $0x0;
	s7 =	sshll.u32 s7, $0x1;
	s8 =	sadd.s32 s21, s6  }
0x9f: {  	[timem:s22], [sflag:s9] =	dma.local [hbm:s8], s7  }
0xa0: {  	_ =	swait.ge [sflag:s9], s7  }
0xa1: {  	s7 =	ssub.s32 $0x0, s7;
	[sflag:s9] =	ssyncset.done $0x0  }
0xa2: {  	[sflag:s9] =	ssyncadd.s32 s7;
	_ =	sdelay $0x1  }
0xa3: {  	s23 =	simm.s32 $0x1B8B  }
0xa4: {  	_ =	swait.ge [sflag:s23], $0x1  }
0xa5: {  	[sflag:s23] =	ssyncset.done $0x0  }
0xa6: {  	[sflag:s23] =	ssyncadd.s32 $0xFFFFFFFF  }
0xa7: {  	s7 =	sld [smem:$0x0]  }
0xa8: {  	s8 =	sand.u32 $0xFFFFFFFE, s1  }
0xa9: {  	p0 =	sne.s32 s1, s8  }
0xaa: {  	s8 =	sshll.u32 @p0 s8, $0xE  }
0xab: {  	s8 =	sadd.s32 @p0 $0x11B8D, s8;
	s9 =	sshll.u32 @p0 s7, $0x11  }
0xac: {  	s8 =	sor.u32 @p0 s9, s8  }
0xad: {  	[sflag:s8] =	ssyncadd.remote.s32 @p0 $0x1;
	_ =	sdelay $0x1  }
0xae: {  	s8 =	simm.s32 @p0 $0x1B8D  }
0xaf: {  	_ =	swait.eq @p0 [sflag:s8], $0x1  }
0xb0: {  	[sflag:s8] =	ssyncadd.s32 @p0 $0xFFFFFFFF  }
0xb1: {  	s9 =	sshll.u32 @!p0 s1, $0xE  }
0xb2: {  	s9 =	sor.u32 @!p0 $0x4000, s9;
	s8 =	simm.s32 @!p0 $0x1B8D  }
0xb3: {  	s7 =	sshll.u32 @!p0 s7, $0x11;
	s9 =	sadd.s32 @!p0 $0x11B8D, s9;
	_ =	swait.eq @!p0 [sflag:s8], $0x1  }
0xb4: {  	s7 =	sor.u32 @!p0 s7, s9;
	[sflag:s8] =	ssyncadd.s32 @!p0 $0xFFFFFFFF  }
0xb5: {  	s25 =	simm.s32 $0x1B8E;
	s24 =	sld [smem:$0x3FFE];
	[sflag:s7] =	ssyncadd.remote.s32 @!p0 $0x1  }
0xb6: {  	s26 =	simm.s32 $execute0_lowered;
	[smem:$0x3FD2] =	sst s25  }
0xb7: {  	s8 =	sshll.u32 s26, $0x1;
	_ =	strace $0x80000055;
	[dreg:$0x1] =	wrdreg $0xFFFFFFFF  }
0xb8: {  	s28 =	simm.s32 $_size_execute0_lowered;
	s6 =	sadd.s32 s6, s8;
	[dreg:$0x0] =	wrdreg $0x0  }
0xb9: {  	s8 =	sshll.u32 s28, $0x1;
	[dreg:$0x2] =	wrdreg s6  }
0xba: {  	[dreg:$0x3] =	wrdreg s8  }
0xbb: {  	[dreg:$0x4] =	wrdreg $0xC0  }
0xbc: {  	_ =	task [dreg:s22], $0x5FFFF  }
0xbd: {  	[dreg:$0x1] =	wrdreg $0xFFFFFFFF  }
0xbe: {  	[dreg:$0x0] =	wrdreg $0x60  }
0xbf: {  	[dreg:$0x2] =	wrdreg s18  }
0xc0: {  	[dreg:$0x3] =	wrdreg s4  }
0xc1: {  	[dreg:$0x4] =	wrdreg s5  }
0xc2: {  	[dreg:$0x5] =	wrdreg s24  }
0xc3: {  	[dreg:$0x6] =	wrdreg $0x9  }
0xc4: {  	_ =	task.clear_ibuf [dreg:s22], $0x7FFFF;
	_ =	strace $0x90000055  }
0xc5: {  	s29 =	simm.s32 $0x9;
	_ =	strace $0x80000063  }
0xc6: {  	_ =	swait.ge [sflag:s29], $0x1  }
0xc7: {  	[sflag:s29] =	ssyncadd.s32 $0xFFFFFFFF  }
0xc8: {  	_ =	strace $0x90000063  }
0xc9: {  	_ =	sfence  }
0xca: {  	s30 =	sld [smem:$0x0];
	_ =	sdelay $0x2  }
0xcb: {  	s31 =	sshll.u32 s1, $0xD;
	s1 =	sshrl.u32 s1, $0x2  }
0xcc: {  	s4 =	sand.u32 $0x4000, s31;
	s1 =	sadd.s32 s1, s30  }
0xcd: {  	s0 =	sor.u32 s4, s0;
	s1 =	sshll.u32 s1, $0x11  }
0xce: {  	s0 =	sor.u32 s1, s0  }
0xcf: {  	s0 =	sadd.s32 $0x8F2B, s0  }
0xd0: {  	[sflag:s0] =	ssyncadd.remote.s32 $0x1  }
0xd1: {  	_ =	sfence.sel $0xFFFF  }
0xd2: {  	[dreg:$0x0] =	wrdreg $0xFFFFFFFF;
	(pc) =	sbr.abs _section_cstart, $3  }
0xd3: {  	[dreg:$0x1] =	wrdreg $0xFFFFFFFF  }
0xd4: {  	_ =	task.clear_ibuf [dreg:s22], $0x2FFFF;
	_ =	strace $0x9FFFFFFF  }
0xd5: {  	(tm) =	ssettm $0x7FFFFFFF  }
tec
execute0_lowered:
.L_overlay_start_1:
0x0: {  	(tag) =	ssettag $0x1  }
0x1: {  	s0 =	rddreg [dreg:$0x0]  }
0x2: {  	s1 =	rddreg [dreg:$0x1]  }
0x3: {  	s4 =	rddreg [dreg:$0x2]  }
0x4: {  	s2 =	srdreg.scid;
	s8 =	rddreg [dreg:$0x3]  }
0x5: {  	s3 =	stileid.u32;
	s5 =	simm.s32 $0x0;
	s14 =	simm.s32 $0x5  }
0x6: {  	s15 =	simm.s32 $0x200;
	s16 =	simm.s32 $0x3;
	s7 =	sand.u32 $0x1, s2  }
0x7: {  	s17 =	simm.s32 $0x0;
	[smem:$0x7FF] =	sst s5;
	s6 =	sshll.u32 s7, $0x4  }
0x8: {  	_ =	strace $0x80000056;
	s7 =	ssub.s32 $0x2, s7;
	s9 =	sor.u32 s3, s6  }
0x9: {  	s31 =	sshrl.u32 s7, $0x1;
	s6 =	sshll.u32 s9, $0x5;
	s11 =	sshll.u32 s9, $0xC  }
0xa: {  	s12 =	sshll.u32 s9, $0x6;
	s13 =	ssub.s32 s7, s31;
	s7 =	sshll.u32 s9, $0x1  }
0xb: {  	s10 =	sadd.s32 s6, s8;
	s6 =	sadd.s32 $0x63200, s8;
	s11 =	sadd.s32 s11, s8  }
0xc: {  	s8 =	sadd.s32 s4, s12;
	s12 =	simm.s32 $0x1;
	s9 =	sadd.s32 $0x2600, s10  }
0xd: {  	s10 =	sadd.s32 $0xA3200, s11;
	s11 =	smax.u32 s13, $0x1;
	s13 =	simm.s32 $0x100  }
.LBB2_1:
0xe: {  	_ =	strace $0x80000057;
	p2 =	por $0x1, $0x1;
	p0 =	por $0x0, $0x0  }
0xf: {  	s19 =	simm.s32 $0x0;
	s18 =	simm.s32 $0x0;
	s20 =	simm.s32 $0x0  }
0x10: {  	[tilespmem:s5], [sflag:$0x1] =	stream.linear.gather [hbm4b:s8+s5], $0x100, $0x200038;
	[tilespmem:$0x10200] =	vst v63  }
0x11: {  	s21 =	simm.s32 $0x0;
	s22 =	simm.s32 $0x1;
	_ =	strace $0x90000057  }
.LBB2_2:
0x12: {  	s25 =	smov.u32 s19;
	s19 =	sadd.s32 $0x1, s19  }
0x13: {  	p1 =	seq.s32 s19, $0x2  }
0x14: {  	s2 =	simm.s32 @!p2 $0x0;
	s19 =	simm.s32 @p1 $0x0  }
0x15: {  	p5 =	por p2, p2;
	s2 =	simm.s32 @p2 $0x1;
	p2 =	sne.s32 s25, s19  }
0x16: {  	p3 =	por !p5, !p2  }
0x17: {  	s26 =	sadd.s32 s7, s19;
	p3 =	por !p3, !p3  }
0x18: {  	[smem:$0x7FD] =	sst s2;
	s23 =	sand.u32 @p3 $0x1, s22;
	s24 =	sshll.u32 @p3 s26, $0x5  }
0x19: {  	_ =	strace @p3 $0x80000058;
	s29 =	simm.s32 @p3 $0x0;
	s24 =	sand.u32 @p3 $0x1FFFFFE0, s24  }
0x1a: {  	s28 =	sshll.u32 @p3 s23, $0x8;
	s23 =	sadd.s32 @p3 $0x1, s23;
	s24 =	sadd.s32 @p3 s4, s24  }
0x1b: {  	[tilespmem:s28], [sflag:s23] =	stream.linear.gather @p3 [hbm4b:s24+s29], $0x100, $0x200038;
	[tilespmem:$0x10200] =	vst v63  }
0x1c: {  	s31 =	sand.u32 $0x1, s21;
	_ =	strace @p3 $0x90000058  }
0x1d: {  	s23 =	sadd.s32 $0x1, s31;
	_ =	strace $0x80000059  }
0x1e: {  	s30 =	sshll.u32 s21, $0x8;
	p4 =	seq.s32 s25, $0x0;
	_ =	swait.ge [sflag:s23], $0x100  }
0x1f: {  	p1 =	slt.s32 s26, $0x1;
	s28 =	sadd.s32 s7, s25;
	[sflag:s23] =	ssyncset.done $0x0  }
0x20: {  	s29 =	sand.u32 $0x100, s30;
	[sflag:s23] =	ssyncadd.s32 $0xFFFFFF00;
	s23 =	sand.u32 $0x1, s20  }
0x21: {  	s30 =	sadd.s32 $0xFFFFFFFF, s25;
	_ =	strace $0x90000059;
	s2 =	sshll.u32 s23, $0xF  }
0x22: {  	s31 =	sshra.s32 s28, $0x1F;
	_ =	strace $0x8000005A;
	s24 =	sor.u32 $0x200, s2  }
0x23: {  	[tilespmem:s24], [sflag:$0x5] =	stream.indirect.gather [hbm4b:s0+s13], $0x80, s29, s13, $0x2000b8;
	[tilespmem:$0x10200] =	vst v63  }
0x24: {  	s30 =	simm.s32 @p4 $0x1;
	p6 =	slt.s32 s28, $0x1;
	s29 =	sshrl.u32 s31, $0x1B  }
0x25: {  	s30 =	sadd.s32 s7, s30;
	s31 =	sshra.s32 s26, $0x1F;
	s25 =	sadd.s32 s29, s28  }
0x26: {  	s2 =	sshrl.u32 s31, $0x1B;
	_ =	swait.ge [sflag:s14], $0x8000;
	s29 =	sand.u32 $0xFFFFFFE0, s25  }
0x27: {  	s25 =	sshra.s32 s25, $0x5;
	[sflag:s14] =	ssyncset.done $0x0;
	p5 =	sne.s32 s28, s29  }
0x28: {  	s29 =	sadd.s32 s2, s26;
	s2 =	simm.s32 $0x1;
	[sflag:s14] =	ssyncadd.s32 $0xFFFF8000  }
0x29: {  	s28 =	sand.u32 $0x1F, s28;
	p4 =	por !p6, !p5;
	s31 =	sand.u32 $0xFFFFFFE0, s29  }
0x2a: {  	s29 =	sshra.s32 s29, $0x5;
	p4 =	por !p4, !p4;
	p6 =	sne.s32 s26, s31  }
0x2b: {  	s31 =	sshra.s32 s30, $0x1F;
	s2 =	simm.s32 @!p4 $0x0;
	p1 =	por !p1, !p6  }
0x2c: {  	s2 =	ssub.s32 s25, s2;
	p4 =	por !p1, !p1;
	s25 =	simm.s32 $0x1  }
0x2d: {  	_ =	strace $0x9000005A;
	s31 =	sshrl.u32 s31, $0x1B;
	s25 =	simm.s32 @!p4 $0x0  }
0x2e: {  	s26 =	sand.u32 $0x1F, s26;
	s25 =	ssub.s32 s29, s25;
	s29 =	sadd.s32 s31, s30  }
0x2f: {  	p5 =	sne.s32 s28, s26;
	p6 =	slt.s32 s30, $0x1;
	s31 =	sand.u32 $0xFFFFFFE0, s29  }
0x30: {  	p1 =	por p0, p0;
	p4 =	sne.s32 s2, s25;
	p0 =	sne.s32 s30, s31  }
0x31: {  	s25 =	simm.s32 $0x1;
	s29 =	sshra.s32 s29, $0x5;
	p0 =	por !p6, !p0  }
0x32: {  	p4 =	por p5, p4;
	s30 =	sand.u32 $0x1F, s30;
	p0 =	por !p0, !p0  }
0x33: {  	p4 =	por p1, p4;
	p6 =	sne.s32 s28, s30;
	s25 =	simm.s32 @!p0 $0x0  }
0x34: {  	s26 =	sshll.u32 @p4 s2, $0x14;
	s25 =	ssub.s32 s29, s25;
	s29 =	sshll.u32 @p4 s28, $0xF  }
0x35: {  	_ =	strace @p4 $0x8000005B;
	s26 =	sor.u32 @p4 s29, s26;
	p5 =	sne.s32 s2, s25  }
0x36: {  	s23 =	sadd.s32 @p4 $0x3, s23;
	p0 =	por p6, p5;
	s2 =	sshrl.u32 @p4 s26, $0x3  }
0x37: {  	s25 =	simm.s32 @p4 $0x0;
	s2 =	sadd.s32 @p4 s6, s2;
	p0 =	por !p1, !p0  }
0x38: {  	[hbm4b:s2+s25] =	stream.linear.scatter @p4 [tilespmem:s24], [sflag:s23], $0x8000, $0x200038;
	[tilespmem:$0x10200] =	vst v63  }
0x39: {  	p5 =	por !p0, !p0  }
0x3a: {  	_ =	strace @p4 $0x9000005B;
	s2 =	sand.u32 @p5 $0x1, s18  }
0x3b: {  	_ =	strace @p5 $0x8000005C;
	s2 =	sadd.s32 @p5 $0x3, s2  }
0x3c: {  	_ =	swait.ge @p5 [sflag:s2], $0x8000  }
0x3d: {  	[sflag:s2] =	ssyncset.done @p5 $0x0  }
0x3e: {  	[sflag:s2] =	ssyncadd.s32 @p5 $0xFFFF8000  }
0x3f: {  	_ =	strace @p5 $0x9000005C  }
0x40: {  	s31 =	sld [smem:$0x7FD];
	_ =	sdelay $0x2  }
0x41: {  	p0 =	por p1, p2;
	p1 =	seq.s32 s31, $0x1  }
.Ltmp0:
0x42: {  	s23 =	simm.s32 $0x1;
	s24 =	simm.s32 $0x1;
	(pc) =	sbr.rel @p1 .LBB2_2-.Ltmp0, $4  }
0x43: {  	p2 =	por $0x0, $0x0;
	s23 =	simm.s32 @!p3 $0x0;
	s24 =	simm.s32 @!p4 $0x0  }
0x44: {  	s22 =	sadd.s32 s23, s22;
	s23 =	simm.s32 $0x1;
	s2 =	simm.s32 $0x1  }
0x45: {  	s20 =	sadd.s32 s24, s20;
	s23 =	simm.s32 @!p0 $0x0;
	s2 =	simm.s32 @!p5 $0x0  }
0x46: {  	p0 =	por $0x1, $0x1;
	s21 =	sadd.s32 s23, s21;
	s18 =	sadd.s32 s2, s18  }
0x47: {  	s2 =	sand.u32 $0x1, s18  }
0x48: {  	_ =	strace $0x8000005D;
	s2 =	sadd.s32 $0x3, s2  }
0x49: {  	_ =	swait.ge [sflag:s2], $0x8000  }
0x4a: {  	[sflag:s2] =	ssyncset.done $0x0  }
0x4b: {  	[sflag:s2] =	ssyncadd.s32 $0xFFFF8000  }
0x4c: {  	_ =	strace $0x9000005D  }
0x4d: {  	_ =	strace $0x8000005E  }
0x4e: {  	[tilespmem:s5], [sflag:$0x1] =	stream.linear.gather [hbm4b:s9+s5], $0x100, $0x200038;
	[tilespmem:$0x10200] =	vst v63  }
0x4f: {  	_ =	strace $0x9000005E  }
0x50: {  	_ =	strace $0x8000005F  }
0x51: {  	_ =	swait.ge [sflag:s12], $0x100  }
0x52: {  	[sflag:s12] =	ssyncset.done $0x0  }
0x53: {  	[sflag:s12] =	ssyncadd.s32 $0xFFFFFF00  }
0x54: {  	_ =	strace $0x9000005F  }
0x55: {  	_ =	strace $0x80000060  }
0x56: {  	[tilespmem:s15], [sflag:$0x5] =	stream.indirect.gather [hbm4b:s1+s13], $0x80, s5, s13, $0x2000b8;
	[tilespmem:$0x10200] =	vst v63  }
0x57: {  	_ =	swait.ge [sflag:s14], $0x8000  }
0x58: {  	[sflag:s14] =	ssyncset.done $0x0  }
0x59: {  	[sflag:s14] =	ssyncadd.s32 $0xFFFF8000  }
0x5a: {  	_ =	strace $0x90000060  }
0x5b: {  	s17 =	sadd.s32 $0x1, s17;
	_ =	strace $0x80000061  }
0x5c: {  	[hbm4b:s10+s5] =	stream.linear.scatter [tilespmem:s15], [sflag:$0x3], $0x8000, $0x200038;
	[tilespmem:$0x10200] =	vst v63  }
0x5d: {  	p0 =	sne.s32 s17, s11;
	_ =	strace $0x90000061  }
.Ltmp1:
0x5e: {  	_ =	strace $0x80000062;
	(pc) =	sbr.rel @p0 .LBB2_1-.Ltmp1, $4  }
0x5f: {  	_ =	swait.ge [sflag:s16], $0x8000  }
0x60: {  	[sflag:s16] =	ssyncset.done $0x0  }
0x61: {  	[sflag:s16] =	ssyncadd.s32 $0xFFFF8000  }
0x62: {  	_ =	strace $0x90000062  }
0x63: {  	_ =	sfence.sel $0x180000  }
0x64: {  	[bflag:$0x0] =	sbarrier.arrive $0xFFFF  }
0x65: {  	_ =	strace $0x90000056  }
0x66: {  	[bflag:$0x2] =	sbarrier.arrive $0xFFFF  }
0x67: {  	p0 =	sne.s32 s3, $0x0;
	s0 =	rddreg [dreg:$0x4]  }
0x68: {  	s0 =	sadd.s32 @!p0 $0x100000, s0  }
0x69: {  	[sflag:s0] =	ssyncadd.tile.s32 @!p0 $0x1;
	_ =	shalt  }
.Lfunc_end2:
_tile_overlayer_lowered:
.L_overlay_start_2:
0x6a: {  	(tag) =	ssettag $0x2  }
0x6b: {  	s0 =	rddreg [dreg:$0x0];
	s2 =	stileid.u32  }
0x6c: {  	s1 =	rddreg [dreg:$0x1];
	p0 =	sne.s32 s2, $0x0  }
0x6d: {  	s3 =	rddreg [dreg:$0x2];
	[bflag:$0x3] =	sbarrier.arrive $0xFFFF;
	s2 =	simm.s32 @!p0 $0x1C01  }
0x6e: {  	[timem:s3], [sflag:s2] =	dma.local @!p0 [hbm:s0], s1  }
0x6f: {  	s0 =	simm.s32 @!p0 $0x1  }
0x70: {  	_ =	swait.ge @!p0 [sflag:s0], s1  }
0x71: {  	s1 =	ssub.s32 @!p0 $0x0, s1;
	[sflag:s0] =	ssyncset.done @!p0 $0x0  }
0x72: {  	[sflag:s0] =	ssyncadd.s32 @!p0 s1  }
0x73: {  	[bflag:$0x3] =	sbarrier.arrive $0xFFFF  }
0x74: {  	_ =	shalt  }

// kernel: kernel.9.cloned.1.call-start
scs
__scs_entry_jumppad:
0x0: {  	(pc) =	sbr.rel $0x88, $3  }
0x1: {  	(tag) =	ssettag $0x0;
	lr =	simm.s32 $0x1  }
0x2: {  	[smem:$0x3F9C] =	sst lr;
	_ =	strace $0xD0000000  }
0x3: {  	_ = 	snop  }
0x4: {  	_ = 	snop  }
0x5: {  	_ = 	snop  }
0x6: {  	_ = 	snop  }
0x7: {  	_ = 	snop  }
__scs_overlays_trampoline_lowered:
0x8: {  	[smem:$0x3FAB] =	sst s0  }
0x9: {  	[smem:$0x3FAC] =	sst s1  }
0xa: {  	[smem:$0x3FAD] =	sst s2  }
0xb: {  	[smem:$0x3FAE] =	sst s3  }
0xc: {  	[smem:$0x3FAF] =	sst s4  }
0xd: {  	[smem:$0x3FB0] =	sst s5  }
0xe: {  	[smem:$0x3FB1] =	sst s6  }
0xf: {  	[smem:$0x3FB2] =	sst s7  }
0x10: {  	[smem:$0x3FB3] =	sst s8  }
0x11: {  	[smem:$0x3FB4] =	sst s9;
	s0 =	simm.s32 @!p0 $0x0  }
0x12: {  	s1 =	sld [smem:$0x3F9A];
	s0 =	simm.s32 @p0 $0x1  }
0x13: {  	[smem:$0x3FB5] =	sst s0;
	s0 =	simm.s32 @!p1 $0x0  }
0x14: {  	s2 =	sld [smem:$0x3F99];
	s0 =	simm.s32 @p1 $0x1  }
0x15: {  	[smem:$0x3FB6] =	sst s0;
	s0 =	simm.s32 @!p2 $0x0  }
0x16: {  	s3 =	sld [smem:$0x3FDB];
	s0 =	simm.s32 @p2 $0x1  }
0x17: {  	s4 =	simm.s32 $0x1BF5;
	[smem:$0x3FB8] =	sst s0  }
0x18: {  	s0 =	sld [smem:$0x3F9B];
	_ =	swait.ge [sflag:s4], $0x0  }
0x19: {  	s7 =	sld [smem:$0x3F9C]  }
0x1a: {  	s8 =	sadd.s32 $0xFFFFE003, lr  }
0x1b: {  	s9 =	sadd.s32 $0xFFFFFEF7, lr;
	s5 =	simm.s32 $0xFFFFFFFF;
	p2 =	slt.u32 s8, $0xFFFFF086  }
0x1c: {  	p1 =	slt.u32 s9, $0xF7A;
	s5 =	simm.s32 @!p2 $0x0  }
0x1d: {  	s5 =	simm.s32 @p1 $0x1;
	p0 =	seq.s32 s7, s2  }
0x1e: {  	s7 =	smul.u32 @!p0 $0xF7A, s2;
	p2 =	seq.s32 @!p0 s5, $0x0  }
0x1f: {  	s9 =	smul.u32 $0xF7A, s1;
	s8 =	simm.s32 @!p0 $0x1BF5;
	p2 =	por !p2, p0  }
0x20: {  	[sflag:s8] =	ssyncset.s32 @!p0 $0xFFFFF086;
	s6 =	sadd.s32 @!p0 s3, s7;
	s7 =	simm.s32 @!p0 $0x108  }
0x21: {  	s3 =	sadd.s32 s3, s9;
	s6 =	sadd.s32 @!p0 $0x88, s6;
	s7 =	simm.s32 @p2 $0x1082  }
0x22: {  	[simem:s7], [sflag:s8] =	dma.local @!p0 [hbm:s6], $0xF7A  }
0x23: {  	s9 =	sor.u32 $0xD0000000, s2;
	s6 =	simm.s32 $0x108;
	_ =	swait.ge @!p0 [sflag:s8], $0x0  }
0x24: {  	s3 =	sadd.s32 $0x88, s3;
	s6 =	simm.s32 @!p1 $0x1082;
	[sflag:s4] =	ssyncset.s32 $0xFFFFF086  }
0x25: {  	[simem:s6], [sflag:s4] =	dma.local [hbm:s3], $0xF7A  }
0x26: {  	[smem:$0x3F9C] =	sst s1;
	(tag) =	ssettag s2;
	_ =	strace s9  }
0x27: {  	s1 =	sld [smem:$0x3FAC]  }
0x28: {  	s2 =	sld [smem:$0x3FAD]  }
0x29: {  	s4 =	sld [smem:$0x3FAF]  }
0x2a: {  	p0 =	seq.s32 s5, $0x0;
	s5 =	sld [smem:$0x3FB0]  }
0x2b: {  	s6 =	sld [smem:$0x3FB1]  }
0x2c: {  	s7 =	sld [smem:$0x3FB2]  }
0x2d: {  	s3 =	simm.s32 $0x108;
	s8 =	sld [smem:$0x3FB3]  }
0x2e: {  	s3 =	simm.s32 @!p0 $0x1082;
	s9 =	sld [smem:$0x3FB4]  }
0x2f: {  	lr =	sadd.s32 s0, s3;
	s0 =	sld [smem:$0x3FAB]  }
0x30: {  	s3 =	sld [smem:$0x3FAE]  }
0x31: {  	[smem:$0x3FB7] =	sst s10  }
0x32: {  	s10 =	sld [smem:$0x3FB5];
	_ =	sdelay $0x3  }
0x33: {  	p0 =	seq.s32 s10, $0x1;
	s10 =	sld [smem:$0x3FB7];
	_ =	sdelay $0x3  }
0x34: {  	[smem:$0x3FB7] =	sst s10  }
0x35: {  	s10 =	sld [smem:$0x3FB6];
	_ =	sdelay $0x3  }
0x36: {  	p1 =	seq.s32 s10, $0x1;
	s10 =	sld [smem:$0x3FB7];
	_ =	sdelay $0x3  }
0x37: {  	[smem:$0x3FB7] =	sst s10  }
0x38: {  	s10 =	sld [smem:$0x3FB8]  }
0x39: {  	_ = 	snop;
	(pc) =	sbr.ind lr, $3  }
0x3a: {  	_ = 	snop  }
0x3b: {  	_ = 	snop  }
0x3c: {  	p2 =	seq.s32 s10, $0x1;
	s10 =	sld [smem:$0x3FB7]  }
0x3d: {  	_ =	shalt  }
0x3e: {  	_ =	shalt  }
0x3f: {  	_ =	shalt  }
0x40: {  	_ =	shalt  }
0x41: {  	_ =	shalt  }
0x42: {  	_ =	shalt  }
0x43: {  	_ =	shalt  }
0x44: {  	_ =	shalt  }
0x45: {  	_ =	shalt  }
0x46: {  	_ =	shalt  }
0x47: {  	_ =	shalt  }
0x48: {  	_ =	shalt  }
0x49: {  	_ =	shalt  }
0x4a: {  	_ =	shalt  }
0x4b: {  	_ =	shalt  }
0x4c: {  	_ =	shalt  }
0x4d: {  	_ =	shalt  }
0x4e: {  	_ =	shalt  }
0x4f: {  	_ =	shalt  }
0x50: {  	_ =	shalt  }
0x51: {  	_ =	shalt  }
0x52: {  	_ =	shalt  }
0x53: {  	_ =	shalt  }
0x54: {  	_ =	shalt  }
0x55: {  	_ =	shalt  }
0x56: {  	_ =	shalt  }
0x57: {  	_ =	shalt  }
0x58: {  	_ =	shalt  }
0x59: {  	_ =	shalt  }
0x5a: {  	_ =	shalt  }
0x5b: {  	_ =	shalt  }
0x5c: {  	_ =	shalt  }
0x5d: {  	_ =	shalt  }
0x5e: {  	_ =	shalt  }
0x5f: {  	_ =	shalt  }
0x60: {  	_ =	shalt  }
0x61: {  	_ =	shalt  }
0x62: {  	_ =	shalt  }
0x63: {  	_ =	shalt  }
0x64: {  	_ =	shalt  }
0x65: {  	_ =	shalt  }
0x66: {  	_ =	shalt  }
0x67: {  	_ =	shalt  }
0x68: {  	_ =	shalt  }
0x69: {  	_ =	shalt  }
0x6a: {  	_ =	shalt  }
0x6b: {  	_ =	shalt  }
0x6c: {  	_ =	shalt  }
0x6d: {  	_ =	shalt  }
0x6e: {  	_ =	shalt  }
0x6f: {  	_ =	shalt  }
0x70: {  	_ =	shalt  }
0x71: {  	_ =	shalt  }
0x72: {  	_ =	shalt  }
0x73: {  	_ =	shalt  }
0x74: {  	_ =	shalt  }
0x75: {  	_ =	shalt  }
0x76: {  	_ =	shalt  }
0x77: {  	_ =	shalt  }
0x78: {  	_ =	shalt  }
0x79: {  	_ =	shalt  }
0x7a: {  	_ =	shalt  }
0x7b: {  	_ =	shalt  }
0x7c: {  	_ =	shalt  }
0x7d: {  	_ =	shalt  }
0x7e: {  	_ =	shalt  }
0x7f: {  	_ =	shalt  }
0x80: {  	_ =	shalt  }
0x81: {  	_ =	shalt  }
0x82: {  	_ =	shalt  }
0x83: {  	_ =	shalt  }
0x84: {  	_ =	shalt  }
0x85: {  	_ =	shalt  }
0x86: {  	_ =	shalt  }
0x87: {  	_ =	shalt  }
.Lfunc_end0:
.L_simem_size_0:
called_computation.1_lowered:
.L_overlay_start_0:
0x88: {  	s2 =	sld [smem:$0x3FD9]  }
0x89: {  	s3 =	sld [smem:$0x3FFE];
	_ =	sdelay $0x1  }
0x8a: {  	s1 =	srdreg.scid  }
0x8b: {  	s0 =	sand.u32 $0x1, s1  }
0x8c: {  	s17 =	sshll.u32 s0, $0xA;
	s2 =	sadd.s32 s3, s2  }
0x8d: {  	s2 =	sadd.s32 s2, s17  }
0x8e: {  	[smem:$0x3FC3] =	sst s2  }
0x8f: {  	_ = 	snop  }
0x90: {  	s2 =	sld [smem:$0x3FC6]  }
0x91: {  	s18 =	sld [smem:$0x3FC5];
	(tm) =	ssettm $0x1  }
0x92: {  	s4 =	sld [smem:$0x3FFB];
	_ =	sdelay $0x3  }
0x93: {  	_ =	strace s4  }
0x94: {  	s4 =	sld [smem:$0x3FFC];
	_ =	sdelay $0x3  }
0x95: {  	_ =	strace s4  }
0x96: {  	s4 =	sld [smem:$0x3FFD];
	_ =	sdelay $0x3  }
0x97: {  	_ =	strace s4  }
0x98: {  	_ =	strace $0x8FFFFFFF  }
0x99: {  	s19 =	sld [smem:$0x3FDB];
	_ =	sdelay $0x1  }
0x9a: {  	s5 =	simm.s32 $_scs_section_size  }
0x9b: {  	s6 =	simm.s32 $_size__tile_overlayer_lowered;
	s7 =	simm.s32 $_tile_overlayer_lowered  }
0x9c: {  	s22 =	simm.s32 $0x1BFF;
	s21 =	sshll.u32 s7, $0x1;
	s4 =	sadd.s32 s5, s19  }
0x9d: {  	s8 =	simm.s32 $0x0;
	s20 =	sshll.u32 s6, $0x1;
	s6 =	sadd.s32 s21, s4  }
0x9e: {  	[timem:s8], [sflag:s22] =	dma.local [hbm:s6], s20  }
0x9f: {  	_ =	swait.ge [sflag:s22], s20  }
0xa0: {  	s5 =	ssub.s32 $0x0, s20;
	[sflag:s22] =	ssyncset.done $0x0  }
0xa1: {  	[sflag:s22] =	ssyncadd.s32 s5;
	_ =	sdelay $0x1  }
0xa2: {  	s23 =	simm.s32 $0x1B8B  }
0xa3: {  	_ =	swait.ge [sflag:s23], $0x1  }
0xa4: {  	[sflag:s23] =	ssyncset.done $0x0  }
0xa5: {  	s25 =	simm.s32 $0x1B8E;
	s24 =	sld [smem:$0x3FFE];
	[sflag:s23] =	ssyncadd.s32 $0xFFFFFFFF  }
0xa6: {  	s26 =	simm.s32 $execute0_lowered;
	[smem:$0x3FD2] =	sst s25  }
0xa7: {  	s6 =	sshll.u32 s26, $0x1;
	_ =	strace $0x80000046;
	[dreg:$0x1] =	wrdreg $0xFFFFFFFF  }
0xa8: {  	s28 =	simm.s32 $_size_execute0_lowered;
	s4 =	sadd.s32 s4, s6;
	[dreg:$0x0] =	wrdreg $0x0  }
0xa9: {  	s6 =	sshll.u32 s28, $0x1;
	[dreg:$0x2] =	wrdreg s4  }
0xaa: {  	[dreg:$0x3] =	wrdreg s6  }
0xab: {  	[dreg:$0x4] =	wrdreg $0xC0  }
0xac: {  	_ =	task [dreg:s8], $0x5FFFF  }
0xad: {  	[dreg:$0x1] =	wrdreg $0xFFFFFFFF  }
0xae: {  	[dreg:$0x0] =	wrdreg $0x60  }
0xaf: {  	[dreg:$0x2] =	wrdreg s2  }
0xb0: {  	[dreg:$0x3] =	wrdreg s18  }
0xb1: {  	[dreg:$0x4] =	wrdreg s24  }
0xb2: {  	[dreg:$0x5] =	wrdreg $0xA  }
0xb3: {  	_ =	task.clear_ibuf [dreg:s8], $0x6FFFF;
	_ =	strace $0x90000046  }
0xb4: {  	s29 =	simm.s32 $0xA;
	_ =	strace $0x80000054  }
0xb5: {  	_ =	swait.ge [sflag:s29], $0x1  }
0xb6: {  	[sflag:s29] =	ssyncadd.s32 $0xFFFFFFFF  }
0xb7: {  	_ =	strace $0x90000054  }
0xb8: {  	_ =	sfence  }
0xb9: {  	s30 =	sld [smem:$0x0];
	_ =	sdelay $0x2  }
0xba: {  	s31 =	sshll.u32 s1, $0xD;
	s1 =	sshrl.u32 s1, $0x2  }
0xbb: {  	s3 =	sand.u32 $0x4000, s31;
	s1 =	sadd.s32 s1, s30  }
0xbc: {  	s0 =	sor.u32 s3, s0;
	s1 =	sshll.u32 s1, $0x11  }
0xbd: {  	s0 =	sor.u32 s1, s0  }
0xbe: {  	s0 =	sadd.s32 $0x8F2B, s0  }
0xbf: {  	[sflag:s0] =	ssyncadd.remote.s32 $0x1  }
0xc0: {  	_ =	sfence.sel $0xFFFF  }
0xc1: {  	[dreg:$0x0] =	wrdreg $0xFFFFFFFF;
	(pc) =	sbr.abs _section_cstart, $3  }
0xc2: {  	[dreg:$0x1] =	wrdreg $0xFFFFFFFF  }
0xc3: {  	_ =	task.clear_ibuf [dreg:s8], $0x2FFFF;
	_ =	strace $0x9FFFFFFF  }
0xc4: {  	(tm) =	ssettm $0x7FFFFFFF  }
0xc5: {  	_ =	shalt  }
tec
execute0_lowered:
.L_overlay_start_1:
0x0: {  	(tag) =	ssettag $0x1  }
0x1: {  	s0 =	rddreg [dreg:$0x0]  }
0x2: {  	s1 =	srdreg.scid;
	s3 =	rddreg [dreg:$0x1]  }
0x3: {  	s8 =	rddreg [dreg:$0x2];
	s2 =	stileid.u32  }
0x4: {  	s4 =	simm.s32 $0x0;
	s14 =	simm.s32 $0x5;
	s15 =	simm.s32 $0x200  }
0x5: {  	s16 =	simm.s32 $0x3;
	s7 =	sand.u32 $0x1, s1;
	[smem:$0x7FF] =	sst s4  }
0x6: {  	s17 =	simm.s32 $0x0;
	s5 =	sshll.u32 s7, $0x4;
	_ =	strace $0x80000047  }
0x7: {  	s7 =	ssub.s32 $0x2, s7;
	s9 =	sor.u32 s2, s5;
	s5 =	sadd.s32 $0x2A00, s8  }
0x8: {  	s31 =	sshrl.u32 s7, $0x1;
	s6 =	sshll.u32 s9, $0x5;
	s11 =	sshll.u32 s9, $0xC  }
0x9: {  	s12 =	sshll.u32 s9, $0x6;
	s13 =	ssub.s32 s7, s31;
	s7 =	sshll.u32 s9, $0x1  }
0xa: {  	s10 =	sadd.s32 s6, s8;
	s6 =	sadd.s32 $0x3200, s8;
	s11 =	sadd.s32 s11, s8  }
0xb: {  	s8 =	sadd.s32 s5, s12;
	s12 =	simm.s32 $0x1;
	s9 =	sadd.s32 $0x2200, s10  }
0xc: {  	s10 =	sadd.s32 $0x43200, s11;
	s11 =	smax.u32 s13, $0x1;
	s13 =	simm.s32 $0x100  }
.LBB2_1:
0xd: {  	_ =	strace $0x80000048;
	p2 =	por $0x1, $0x1;
	p0 =	por $0x0, $0x0  }
0xe: {  	s19 =	simm.s32 $0x0;
	s18 =	simm.s32 $0x0;
	s20 =	simm.s32 $0x0  }
0xf: {  	[tilespmem:s4], [sflag:$0x1] =	stream.linear.gather [hbm4b:s8+s4], $0x100, $0x200038;
	[tilespmem:$0x10200] =	vst v63  }
0x10: {  	s21 =	simm.s32 $0x0;
	s22 =	simm.s32 $0x1;
	_ =	strace $0x90000048  }
.LBB2_2:
0x11: {  	s25 =	smov.u32 s19;
	s19 =	sadd.s32 $0x1, s19  }
0x12: {  	p1 =	seq.s32 s19, $0x2  }
0x13: {  	s1 =	simm.s32 @!p2 $0x0;
	s19 =	simm.s32 @p1 $0x0  }
0x14: {  	p5 =	por p2, p2;
	s1 =	simm.s32 @p2 $0x1;
	p2 =	sne.s32 s25, s19  }
0x15: {  	p3 =	por !p5, !p2  }
0x16: {  	s26 =	sadd.s32 s7, s19;
	p3 =	por !p3, !p3  }
0x17: {  	[smem:$0x7FD] =	sst s1;
	s23 =	sand.u32 @p3 $0x1, s22;
	s24 =	sshll.u32 @p3 s26, $0x5  }
0x18: {  	_ =	strace @p3 $0x80000049;
	s29 =	simm.s32 @p3 $0x0;
	s24 =	sand.u32 @p3 $0x1FFFFFE0, s24  }
0x19: {  	s28 =	sshll.u32 @p3 s23, $0x8;
	s23 =	sadd.s32 @p3 $0x1, s23;
	s24 =	sadd.s32 @p3 s5, s24  }
0x1a: {  	[tilespmem:s28], [sflag:s23] =	stream.linear.gather @p3 [hbm4b:s24+s29], $0x100, $0x200038;
	[tilespmem:$0x10200] =	vst v63  }
0x1b: {  	s31 =	sand.u32 $0x1, s21;
	_ =	strace @p3 $0x90000049  }
0x1c: {  	s23 =	sadd.s32 $0x1, s31;
	_ =	strace $0x8000004A  }
0x1d: {  	s30 =	sshll.u32 s21, $0x8;
	p4 =	seq.s32 s25, $0x0;
	_ =	swait.ge [sflag:s23], $0x100  }
0x1e: {  	p1 =	slt.s32 s26, $0x1;
	s28 =	sadd.s32 s7, s25;
	[sflag:s23] =	ssyncset.done $0x0  }
0x1f: {  	s29 =	sand.u32 $0x100, s30;
	[sflag:s23] =	ssyncadd.s32 $0xFFFFFF00;
	s23 =	sand.u32 $0x1, s20  }
0x20: {  	s30 =	sadd.s32 $0xFFFFFFFF, s25;
	_ =	strace $0x9000004A;
	s1 =	sshll.u32 s23, $0xF  }
0x21: {  	s31 =	sshra.s32 s28, $0x1F;
	_ =	strace $0x8000004B;
	s24 =	sor.u32 $0x200, s1  }
0x22: {  	[tilespmem:s24], [sflag:$0x5] =	stream.indirect.gather [hbm4b:s0+s13], $0x80, s29, s13, $0x2000b8;
	[tilespmem:$0x10200] =	vst v63  }
0x23: {  	s30 =	simm.s32 @p4 $0x1;
	p6 =	slt.s32 s28, $0x1;
	s29 =	sshrl.u32 s31, $0x1B  }
0x24: {  	s30 =	sadd.s32 s7, s30;
	s31 =	sshra.s32 s26, $0x1F;
	s25 =	sadd.s32 s29, s28  }
0x25: {  	s1 =	sshrl.u32 s31, $0x1B;
	_ =	swait.ge [sflag:s14], $0x8000;
	s29 =	sand.u32 $0xFFFFFFE0, s25  }
0x26: {  	s25 =	sshra.s32 s25, $0x5;
	[sflag:s14] =	ssyncset.done $0x0;
	p5 =	sne.s32 s28, s29  }
0x27: {  	s29 =	sadd.s32 s1, s26;
	s1 =	simm.s32 $0x1;
	[sflag:s14] =	ssyncadd.s32 $0xFFFF8000  }
0x28: {  	s28 =	sand.u32 $0x1F, s28;
	p4 =	por !p6, !p5;
	s31 =	sand.u32 $0xFFFFFFE0, s29  }
0x29: {  	s29 =	sshra.s32 s29, $0x5;
	p4 =	por !p4, !p4;
	p6 =	sne.s32 s26, s31  }
0x2a: {  	s31 =	sshra.s32 s30, $0x1F;
	s1 =	simm.s32 @!p4 $0x0;
	p1 =	por !p1, !p6  }
0x2b: {  	s1 =	ssub.s32 s25, s1;
	p4 =	por !p1, !p1;
	s25 =	simm.s32 $0x1  }
0x2c: {  	_ =	strace $0x9000004B;
	s31 =	sshrl.u32 s31, $0x1B;
	s25 =	simm.s32 @!p4 $0x0  }
0x2d: {  	s26 =	sand.u32 $0x1F, s26;
	s25 =	ssub.s32 s29, s25;
	s29 =	sadd.s32 s31, s30  }
0x2e: {  	p5 =	sne.s32 s28, s26;
	p6 =	slt.s32 s30, $0x1;
	s31 =	sand.u32 $0xFFFFFFE0, s29  }
0x2f: {  	p1 =	por p0, p0;
	p4 =	sne.s32 s1, s25;
	p0 =	sne.s32 s30, s31  }
0x30: {  	s25 =	simm.s32 $0x1;
	s29 =	sshra.s32 s29, $0x5;
	p0 =	por !p6, !p0  }
0x31: {  	p4 =	por p5, p4;
	s30 =	sand.u32 $0x1F, s30;
	p0 =	por !p0, !p0  }
0x32: {  	p4 =	por p1, p4;
	p6 =	sne.s32 s28, s30;
	s25 =	simm.s32 @!p0 $0x0  }
0x33: {  	s26 =	sshll.u32 @p4 s1, $0x14;
	s25 =	ssub.s32 s29, s25;
	s29 =	sshll.u32 @p4 s28, $0xF  }
0x34: {  	_ =	strace @p4 $0x8000004C;
	s26 =	sor.u32 @p4 s29, s26;
	p5 =	sne.s32 s1, s25  }
0x35: {  	s23 =	sadd.s32 @p4 $0x3, s23;
	p0 =	por p6, p5;
	s1 =	sshrl.u32 @p4 s26, $0x3  }
0x36: {  	s25 =	simm.s32 @p4 $0x0;
	s1 =	sadd.s32 @p4 s6, s1;
	p0 =	por !p1, !p0  }
0x37: {  	[hbm4b:s1+s25] =	stream.linear.scatter @p4 [tilespmem:s24], [sflag:s23], $0x8000, $0x200038;
	[tilespmem:$0x10200] =	vst v63  }
0x38: {  	p5 =	por !p0, !p0  }
0x39: {  	_ =	strace @p4 $0x9000004C;
	s1 =	sand.u32 @p5 $0x1, s18  }
0x3a: {  	_ =	strace @p5 $0x8000004D;
	s1 =	sadd.s32 @p5 $0x3, s1  }
0x3b: {  	_ =	swait.ge @p5 [sflag:s1], $0x8000  }
0x3c: {  	[sflag:s1] =	ssyncset.done @p5 $0x0  }
0x3d: {  	[sflag:s1] =	ssyncadd.s32 @p5 $0xFFFF8000  }
0x3e: {  	_ =	strace @p5 $0x9000004D  }
0x3f: {  	s31 =	sld [smem:$0x7FD];
	_ =	sdelay $0x2  }
0x40: {  	p0 =	por p1, p2;
	p1 =	seq.s32 s31, $0x1  }
.Ltmp0:
0x41: {  	s23 =	simm.s32 $0x1;
	s24 =	simm.s32 $0x1;
	(pc) =	sbr.rel @p1 .LBB2_2-.Ltmp0, $4  }
0x42: {  	p2 =	por $0x0, $0x0;
	s23 =	simm.s32 @!p3 $0x0;
	s24 =	simm.s32 @!p4 $0x0  }
0x43: {  	s22 =	sadd.s32 s23, s22;
	s23 =	simm.s32 $0x1;
	s1 =	simm.s32 $0x1  }
0x44: {  	s20 =	sadd.s32 s24, s20;
	s23 =	simm.s32 @!p0 $0x0;
	s1 =	simm.s32 @!p5 $0x0  }
0x45: {  	p0 =	por $0x1, $0x1;
	s21 =	sadd.s32 s23, s21;
	s18 =	sadd.s32 s1, s18  }
0x46: {  	s1 =	sand.u32 $0x1, s18  }
0x47: {  	_ =	strace $0x8000004E;
	s1 =	sadd.s32 $0x3, s1  }
0x48: {  	_ =	swait.ge [sflag:s1], $0x8000  }
0x49: {  	[sflag:s1] =	ssyncset.done $0x0  }
0x4a: {  	[sflag:s1] =	ssyncadd.s32 $0xFFFF8000  }
0x4b: {  	_ =	strace $0x9000004E  }
0x4c: {  	_ =	strace $0x8000004F  }
0x4d: {  	[tilespmem:s4], [sflag:$0x1] =	stream.linear.gather [hbm4b:s9+s4], $0x100, $0x200038;
	[tilespmem:$0x10200] =	vst v63  }
0x4e: {  	_ =	strace $0x9000004F  }
0x4f: {  	_ =	strace $0x80000050  }
0x50: {  	_ =	swait.ge [sflag:s12], $0x100  }
0x51: {  	[sflag:s12] =	ssyncset.done $0x0  }
0x52: {  	[sflag:s12] =	ssyncadd.s32 $0xFFFFFF00  }
0x53: {  	_ =	strace $0x90000050  }
0x54: {  	_ =	strace $0x80000051  }
0x55: {  	[tilespmem:s15], [sflag:$0x5] =	stream.indirect.gather [hbm4b:s3+s13], $0x80, s4, s13, $0x2000b8;
	[tilespmem:$0x10200] =	vst v63  }
0x56: {  	_ =	swait.ge [sflag:s14], $0x8000  }
0x57: {  	[sflag:s14] =	ssyncset.done $0x0  }
0x58: {  	[sflag:s14] =	ssyncadd.s32 $0xFFFF8000  }
0x59: {  	_ =	strace $0x90000051  }
0x5a: {  	s17 =	sadd.s32 $0x1, s17;
	_ =	strace $0x80000052  }
0x5b: {  	[hbm4b:s10+s4] =	stream.linear.scatter [tilespmem:s15], [sflag:$0x3], $0x8000, $0x200038;
	[tilespmem:$0x10200] =	vst v63  }
0x5c: {  	p0 =	sne.s32 s17, s11;
	_ =	strace $0x90000052  }
.Ltmp1:
0x5d: {  	_ =	strace $0x80000053;
	(pc) =	sbr.rel @p0 .LBB2_1-.Ltmp1, $4  }
0x5e: {  	_ =	swait.ge [sflag:s16], $0x8000  }
0x5f: {  	[sflag:s16] =	ssyncset.done $0x0  }
0x60: {  	[sflag:s16] =	ssyncadd.s32 $0xFFFF8000  }
0x61: {  	_ =	strace $0x90000053  }
0x62: {  	_ =	sfence.sel $0x180000  }
0x63: {  	[bflag:$0x0] =	sbarrier.arrive $0xFFFF  }
0x64: {  	_ =	strace $0x90000047  }
0x65: {  	[bflag:$0x2] =	sbarrier.arrive $0xFFFF  }
0x66: {  	p0 =	sne.s32 s2, $0x0;
	s0 =	rddreg [dreg:$0x3]  }
0x67: {  	s0 =	sadd.s32 @!p0 $0x100000, s0  }
0x68: {  	[sflag:s0] =	ssyncadd.tile.s32 @!p0 $0x1;
	_ =	shalt  }
.Lfunc_end2:
_tile_overlayer_lowered:
.L_overlay_start_2:
0x69: {  	(tag) =	ssettag $0x2  }
0x6a: {  	s0 =	rddreg [dreg:$0x0];
	s2 =	stileid.u32  }
0x6b: {  	s1 =	rddreg [dreg:$0x1];
	p0 =	sne.s32 s2, $0x0  }
0x6c: {  	s3 =	rddreg [dreg:$0x2];
	[bflag:$0x3] =	sbarrier.arrive $0xFFFF;
	s2 =	simm.s32 @!p0 $0x1C01  }
0x6d: {  	[timem:s3], [sflag:s2] =	dma.local @!p0 [hbm:s0], s1  }
0x6e: {  	s0 =	simm.s32 @!p0 $0x1  }
0x6f: {  	_ =	swait.ge @!p0 [sflag:s0], s1  }
0x70: {  	s1 =	ssub.s32 @!p0 $0x0, s1;
	[sflag:s0] =	ssyncset.done @!p0 $0x0  }
0x71: {  	[sflag:s0] =	ssyncadd.s32 @!p0 s1  }
0x72: {  	[bflag:$0x3] =	sbarrier.arrive $0xFFFF  }
0x73: {  	_ =	shalt  }

</sc_bundles>
